<compile_context>
chip_gen: v7x
topology: tpu7x:2x2x1
jax: 0.10.2.dev20260603
libtpu: 0.0.44.dev20260713+nightly
codegen_flags: <defaults>
</compile_context>

<pallas_src>
import dataclasses
import functools

import jax
import jax.numpy as jnp
from jax import lax
from jax.experimental import pallas as pl
from jax.experimental.pallas import tpu as pltpu
from jax.experimental.pallas import tpu_sc as plsc

_N = 10000
_E = 320000
_D = 128
_K = 4
_DD = 32
_ROUTIT = 3
_N_LAYER = 2

_NC = 2
_NS = 16
_NW = _NC * _NS
_CE = 64
_NCHUNK = _E // _CE
_CH_PER_W = _NCHUNK // _NW
_CH_REM = _NCHUNK - _CH_PER_W * _NW
_BLK = 2000



def _norm_chunks(s):
    parts = []
    for k in range(_K):
        chunk = s[:, _DD * k:_DD * (k + 1)]
        nrm = jnp.sqrt(jnp.sum(chunk * chunk, axis=1, keepdims=True))
        parts.append(chunk / jnp.maximum(nrm, 1e-12))
    return jnp.concatenate(parts, axis=1)


def _group_sum(c):
    blk = c.shape[0]
    gs = jnp.sum(c.reshape(blk, _DD, _K), axis=2)
    return jnp.concatenate([gs, jnp.zeros((blk, _D - _DD), jnp.float32)], axis=1)


_ROW_SPEC = pl.BlockSpec((_BLK, _D), lambda i: (i, 0))
_PART_SPEC = pl.BlockSpec((_NC, _BLK, _D), lambda i: (0, i, 0))
_MAT_SPEC = pl.BlockSpec((_D, _D), lambda i: (0, 0))
_BIAS_SPEC = pl.BlockSpec((1, _D), lambda i: (0, 0))
_ROW_TY = jax.ShapeDtypeStruct((_N, _D), jnp.float32)


def _matmul_norm_body(x_ref, w_ref, b_ref, o_ref, g_ref):
    x = (jnp.dot(x_ref[...], w_ref[...], preferred_element_type=jnp.float32)
         + b_ref[...])
    o = _norm_chunks(x)
    o_ref[...] = o
    g_ref[...] = _group_sum(o)


def _tc_matmul_norm(x, w, b):
    return pl.pallas_call(
        _matmul_norm_body,
        grid=(_N // _BLK,),
        in_specs=[_ROW_SPEC, _MAT_SPEC, _BIAS_SPEC],
        out_specs=[_ROW_SPEC, _ROW_SPEC],
        out_shape=[_ROW_TY, _ROW_TY],
    )(x, w, b.reshape(1, -1))


def _combine_norm_body(full, p_ref, xn_ref, *outs):
    s = p_ref[0] + p_ref[1] + xn_ref[...]
    o = _norm_chunks(s)
    if full:
        outs[0][...] = o
        outs[1][...] = _group_sum(o)
    else:
        outs[0][...] = _group_sum(o)


def _tc_combine_norm(part, xn, full):
    outs = [_ROW_SPEC, _ROW_SPEC] if full else [_ROW_SPEC]
    tys = [_ROW_TY, _ROW_TY] if full else [_ROW_TY]
    res = pl.pallas_call(
        functools.partial(_combine_norm_body, full),
        grid=(_N // _BLK,),
        in_specs=[_PART_SPEC, _ROW_SPEC],
        out_specs=outs,
        out_shape=tys,
    )(part, xn)
    return res if full else res[0]


def _combine_matmul_body(p_ref, xn_ref, w_ref, b_ref, o_ref, x_ref):
    s = p_ref[0] + p_ref[1] + xn_ref[...]
    x_ref[...] = s
    o_ref[...] = (
        jnp.dot(s, w_ref[...], preferred_element_type=jnp.float32)
        + b_ref[...]
    )


def _tc_combine_matmul(part, xn, w, b):
    return pl.pallas_call(
        _combine_matmul_body,
        grid=(_N // _BLK,),
        in_specs=[_PART_SPEC, _ROW_SPEC, _MAT_SPEC, _BIAS_SPEC],
        out_specs=[_ROW_SPEC, _ROW_SPEC],
        out_shape=[_ROW_TY, _ROW_TY],
    )(part, xn, w, b.reshape(1, -1))



def _sc_routing_body(xn_hbm, cg_hbm, st_hbm, part_hbm,
                     idx_v, tidx_v, z_v, cg_v, out_v, acc_sh,
                     isem, zsem, gsem, ssem):
    ci = lax.axis_index("c")
    si = lax.axis_index("s")
    wid = si * _NC + ci

    @pl.loop(0, _CE)
    def _zero_rows(r):
        for j in range(_D // 16):
            z_v[0][r, pl.ds(16 * j, 16)] = jnp.zeros((16,), jnp.float32)

    row0 = si * 624
    zcp = [pltpu.make_async_copy(z_v[0], acc_sh.at[pl.ds(row0 + _CE * b, _CE)],
                                 isem) for b in range(10)]
    for cp in zcp:
        cp.start()
    for cp in zcp:
        cp.wait()
    plsc.subcore_barrier()

    ch0 = _CH_PER_W * wid
    np_pairs = _CH_PER_W // 2

    def load_pidx(pair_id, pb, sync):
        cp = pltpu.make_async_copy(
            st_hbm.at[:, pl.ds(pair_id * 2 * _CE, 2 * _CE)], idx_v[pb], isem)
        cp.start()
        if sync:
            cp.wait()

    def wait_pidx(pb):
        pltpu.make_async_copy(st_hbm.at[:, pl.ds(0, 2 * _CE)], idx_v[pb],
                              isem).wait()

    def start_gathers(b, pb, half):
        sl = pl.ds(half * _CE, _CE)
        pltpu.make_async_copy(xn_hbm.at[idx_v[pb].at[0, sl]], z_v[b],
                              zsem[b]).start()
        pltpu.make_async_copy(cg_hbm.at[idx_v[pb].at[1, sl]], cg_v[b],
                              gsem[b]).start()

    def wait_gathers(b):
        pltpu.make_async_copy(xn_hbm.at[pl.ds(0, _CE)], z_v[b],
                              zsem[b]).wait()
        pltpu.make_async_copy(cg_hbm.at[pl.ds(0, _CE)], cg_v[b],
                              gsem[b]).wait()

    def copy_trg(b, pb, half):
        for j in range(_CE // 16):
            tidx_v[b][pl.ds(16 * j, 16)] = (
                idx_v[pb][1, pl.ds(half * _CE + 16 * j, 16)])

    def compute(b):
        @plsc.parallel_loop(0, _CE, unroll=2)
        def _edge(e):
            zrow = [z_v[b][e, pl.ds(16 * j, 16)] for j in range(8)]
            cga = cg_v[b][e, pl.ds(0, 16)]
            cgb = cg_v[b][e, pl.ds(16, 16)]
            ev = []
            for k in range(_K):
                t = zrow[2 * k] * cga + zrow[2 * k + 1] * cgb
                ev.append(jnp.exp(jnp.full((16,), jnp.sum(t))))
            tot = (ev[0] + ev[1]) + (ev[2] + ev[3])
            inv = 1.0 / tot
            for k in range(_K):
                p = ev[k] * inv
                out_v[b][e, pl.ds(_DD * k, 16)] = p * zrow[2 * k]
                out_v[b][e, pl.ds(_DD * k + 16, 16)] = p * zrow[2 * k + 1]

    def start_scatter(b):
        pltpu.make_async_copy(out_v[b], acc_sh.at[tidx_v[b]],
                              ssem[b]).start(add=True)

    def wait_scatter(b):
        pltpu.make_async_copy(xn_hbm.at[pl.ds(0, _CE)], out_v[b],
                              ssem[b]).wait()

    load_pidx(ch0 // 2, 0, sync=True)
    for b in range(2):
        start_gathers(b, 0, b)

    @pl.loop(0, np_pairs)
    def _pair(p):
        pb = lax.rem(p, 2)
        for b in range(2):
            @pl.when(p >= 1)
            def _():
                wait_scatter(b)

            wait_gathers(b)

            for q in range(2):
                @pl.when(pb == q)
                def _():
                    copy_trg(b, q, b)

                    if b == 0:
                        @pl.when(p + 1 < np_pairs)
                        def _():
                            load_pidx(ch0 // 2 + p + 1, 1 - q, sync=False)

            compute(b)
            start_scatter(b)

            for q in range(2):
                @pl.when((pb == q) & (p + 1 < np_pairs))
                def _():
                    if b == 0:
                        wait_pidx(1 - q)
                    start_gathers(b, 1 - q, b)

    wait_scatter(0)
    wait_scatter(1)

    @pl.when(wid < _CH_REM)
    def _tail():
        load_pidx(_CH_PER_W * _NW // 2 + wid // 2, 0, sync=True)
        for h in range(2):
            @pl.when(lax.rem(wid, 2) == h)
            def _():
                start_gathers(0, 0, h)
                wait_gathers(0)
                copy_trg(0, 0, h)
        compute(0)
        start_scatter(0)
        wait_scatter(0)

    plsc.subcore_barrier()

    dcp = [pltpu.make_async_copy(acc_sh.at[pl.ds(row0 + _CE * b, _CE)],
                                 part_hbm.at[ci, pl.ds(row0 + _CE * b, _CE)],
                                 isem) for b in range(10)]
    for cp in dcp:
        cp.start()
    for cp in dcp:
        cp.wait()


@jax.jit
def _sc_routing(xn, cg, src_trg):
    mesh = plsc.VectorSubcoreMesh(core_axis_name="c", subcore_axis_name="s")
    cp = pltpu.CompilerParams()
    if "needs_layout_passes" in pltpu.CompilerParams.__dataclass_fields__:
        cp = dataclasses.replace(cp, needs_layout_passes=False)
    f = pl.kernel(
        _sc_routing_body,
        mesh=mesh,
        out_type=jax.ShapeDtypeStruct((_NC, _N, _D), jnp.float32),
        scratch_types=[
            [pltpu.VMEM((2, 2 * _CE), jnp.int32) for _ in range(2)],
            [pltpu.VMEM((_CE,), jnp.int32) for _ in range(2)],
            [pltpu.VMEM((_CE, _D), jnp.float32) for _ in range(2)],
            [pltpu.VMEM((_CE, _D), jnp.float32) for _ in range(2)],
            [pltpu.VMEM((_CE, _D), jnp.float32) for _ in range(2)],
            pltpu.VMEM_SHARED((_N, _D), jnp.float32),
            pltpu.SemaphoreType.DMA,
            [pltpu.SemaphoreType.DMA for _ in range(2)],
            [pltpu.SemaphoreType.DMA for _ in range(2)],
            [pltpu.SemaphoreType.DMA for _ in range(2)],
        ],
        compiler_params=cp,
    )
    return f(xn, cg, src_trg)



def kernel(feat, src_trg_edges, lin_W, lin_b, mlp_W, mlp_b):
    xn, cg = _tc_matmul_norm(feat, lin_W, lin_b)
    for layer in range(_N_LAYER):
        for t in range(_ROUTIT):
            part = _sc_routing(xn, cg, src_trg_edges)
            last = t == _ROUTIT - 1
            if not last:
                cg = _tc_combine_norm(part, xn, full=False)
            elif layer < _N_LAYER - 1:
                xn, cg = _tc_combine_norm(part, xn, full=True)
            else:
                out, x = _tc_combine_matmul(part, xn, mlp_W, mlp_b)
    return (out, x)

# --- scband reference (transcript-rebuilt; emitter-appended) ---
"""Pipeline reference for scband-disen-gcn-63728724738085 (READ-ONLY COPY).

The authoritative reference and input builder live on the scoring server;
editing this copy changes nothing except your own understanding.
"""

import jax, jax.numpy as jnp
import numpy as np

N = 10000
E = 320000
IN_DIM = 128
N_HID = 128
K = 4
ROUTIT = 3
TAU = 1.0
N_LAYER = 2
DD = N_HID // K


def _l2_normalize(v, axis):
    # matches torch.nn.functional.normalize (p=2, eps=1e-12)
    norm = jnp.sqrt(jnp.sum(v * v, axis=axis, keepdims=True))
    return v / jnp.maximum(norm, 1e-12)


def setup_inputs(seed: int = 0) -> dict:
    key = jax.random.key(seed)
    k1, k2, k3, k4, k5, k6 = jax.random.split(key, 6)
    feat = jax.random.normal(k1, (N, IN_DIM), dtype=jnp.float32)
    src_trg_edges = jax.random.randint(k2, (2, E), 0, N, dtype=jnp.int32)
    lin_W = jax.random.normal(k3, (IN_DIM, N_HID), dtype=jnp.float32) * 0.05
    lin_b = jnp.zeros((N_HID,), dtype=jnp.float32)
    mlp_W = jax.random.normal(k4, (N_HID, N_HID), dtype=jnp.float32) * 0.05
    mlp_b = jnp.zeros((N_HID,), dtype=jnp.float32)
    return {
        "feat": feat,
        "src_trg_edges": src_trg_edges,
        "lin_W": lin_W,
        "lin_b": lin_b,
        "mlp_W": mlp_W,
        "mlp_b": mlp_b,
    }


def _routing_layer(x, src, trg):
    n, d = x.shape
    k, dd = K, d // K
    m = src.shape[0]
    x = _l2_normalize(x.reshape(n, k, dd), axis=2).reshape(n, d)
    z = jnp.take(x, src, axis=0).reshape(m, k, dd)
    c = x
    for t in range(ROUTIT):
        ct = jnp.take(c, trg, axis=0).reshape(m, dd, k)
        # torch: matmul(z[m,k,dd], c_trg[m,dd,k]).sum(dim=2)
        p = jnp.einsum('mka,maj->mk', z, ct)
        p = jax.nn.softmax(p / TAU, axis=1)
        p = jnp.repeat(p.reshape(-1, 1), dd, axis=1).reshape(m, k, dd)
        weight_sum = (p * z).reshape(m, d)
        c = jnp.zeros((n, d), dtype=x.dtype).at[trg].add(weight_sum)
        c = c + x
        if t < ROUTIT - 1:
            c = _l2_normalize(c.reshape(n, k, dd), axis=2).reshape(n, d)
    return c


def reference(feat, src_trg_edges, lin_W, lin_b, mlp_W, mlp_b):
    x = feat @ lin_W + lin_b
    src = src_trg_edges[0]
    trg = src_trg_edges[1]
    for _ in range(N_LAYER):
        x = _routing_layer(x, src, trg)
    out = x @ mlp_W + mlp_b
    return (out, x)

if __name__ == "__main__":
    import jax
    _d = setup_inputs()
    print(jax.jit(kernel)(*tuple(_d.values())))

</pallas_src>

<mosaic_0001>
#map = affine_map<(d0, d1) -> (0, 0)>
#map1 = affine_map<(d0, d1) -> (0, 0, 0)>
module attributes {stable_mosaic.version = 14 : i64} {
  func.func @_sc_routing_body(%arg0: i32, %arg1: i32, %arg2: memref<10000x128xf32, #tpu.memory_space<hbm>>, %arg3: memref<10000x128xf32, #tpu.memory_space<hbm>>, %arg4: memref<2x320000xi32, #tpu.memory_space<hbm>>, %arg5: memref<2x10000x128xf32, #tpu.memory_space<hbm>>, %arg6: memref<2x128xi32, #tpu.memory_space<vmem>>, %arg7: memref<2x128xi32, #tpu.memory_space<vmem>>, %arg8: memref<64xi32, #tpu.memory_space<vmem>>, %arg9: memref<64xi32, #tpu.memory_space<vmem>>, %arg10: memref<64x128xf32, #tpu.memory_space<vmem>>, %arg11: memref<64x128xf32, #tpu.memory_space<vmem>>, %arg12: memref<64x128xf32, #tpu.memory_space<vmem>>, %arg13: memref<64x128xf32, #tpu.memory_space<vmem>>, %arg14: memref<64x128xf32, #tpu.memory_space<vmem>>, %arg15: memref<64x128xf32, #tpu.memory_space<vmem>>, %arg16: memref<10000x128xf32, #tpu.memory_space<vmem_shared>>, %arg17: memref<!tpu.dma_semaphore, #tpu.memory_space<semaphore_mem>>, %arg18: memref<!tpu.dma_semaphore, #tpu.memory_space<semaphore_mem>>, %arg19: memref<!tpu.dma_semaphore, #tpu.memory_space<semaphore_mem>>, %arg20: memref<!tpu.dma_semaphore, #tpu.memory_space<semaphore_mem>>, %arg21: memref<!tpu.dma_semaphore, #tpu.memory_space<semaphore_mem>>, %arg22: memref<!tpu.dma_semaphore, #tpu.memory_space<semaphore_mem>>, %arg23: memref<!tpu.dma_semaphore, #tpu.memory_space<semaphore_mem>>) attributes {dimension_semantics = [#tpu.dimension_semantics<core_parallel>, #tpu.dimension_semantics<subcore_parallel>], iteration_bounds = array<i64: 2, 16>, scalar_prefetch = 0 : i64, scratch_operands = 18 : i64, tpu.core_type = #tpu.core_type<sc_vector_subcore>, window_params = [{transform_indices = #map}, {transform_indices = #map}, {transform_indices = #map}, {transform_indices = #map1}]} {
    %mul3A = arith.constant 2 : i32
    %mul3A_0 = arith.muli %arg1, %mul3A : i32
    %add3A = arith.addi %mul3A_0, %arg0 : i32
    %scan3A = arith.constant 0 : i32
    %scan3A_1 = arith.constant 64 : i32
    %scan3A_2 = arith.addi %scan3A, %scan3A_1 : i32
    %scan3A_3 = arith.constant 1 : i32
    scf.for %scan3A_323 = %scan3A to %scan3A_2 step %scan3A_3  : i32 {
      %mul3A_324 = arith.constant 1 : i32
      %mul3A_325 = arith.muli %scan3A_323, %mul3A_324 : i32
      %add3A_326 = arith.constant 0 : i32
      %add3A_327 = arith.addi %add3A_326, %mul3A_325 : i32
      %broadcast_in_dim3A = arith.constant 0.000000e+00 : f32
      %broadcast_in_dim3A_328 = vector.broadcast %broadcast_in_dim3A : f32 to vector<16xf32>
      %swap3A = arith.index_cast %add3A_327 : i32 to index
      %swap3A_329 = arith.constant 0 : index
      %swap3A_330 = tpu.vector_load %arg10[%swap3A, %swap3A_329] {strides = array<i32>} : memref<64x128xf32, #tpu.memory_space<vmem>>, vector<16xf32>,
      tpu.vector_store %arg10[%swap3A, %swap3A_329], %broadcast_in_dim3A_328 {strides = array<i32>} : memref<64x128xf32, #tpu.memory_space<vmem>>, vector<16xf32>,
      %broadcast_in_dim3A_331 = arith.constant 0.000000e+00 : f32
      %broadcast_in_dim3A_332 = vector.broadcast %broadcast_in_dim3A_331 : f32 to vector<16xf32>
      %swap3A_333 = arith.index_cast %add3A_327 : i32 to index
      %swap3A_334 = arith.constant 16 : index
      %swap3A_335 = tpu.vector_load %arg10[%swap3A_333, %swap3A_334] {strides = array<i32>} : memref<64x128xf32, #tpu.memory_space<vmem>>, vector<16xf32>,
      tpu.vector_store %arg10[%swap3A_333, %swap3A_334], %broadcast_in_dim3A_332 {strides = array<i32>} : memref<64x128xf32, #tpu.memory_space<vmem>>, vector<16xf32>,
      %broadcast_in_dim3A_336 = arith.constant 0.000000e+00 : f32
      %broadcast_in_dim3A_337 = vector.broadcast %broadcast_in_dim3A_336 : f32 to vector<16xf32>
      %swap3A_338 = arith.index_cast %add3A_327 : i32 to index
      %swap3A_339 = arith.constant 32 : index
      %swap3A_340 = tpu.vector_load %arg10[%swap3A_338, %swap3A_339] {strides = array<i32>} : memref<64x128xf32, #tpu.memory_space<vmem>>, vector<16xf32>,
      tpu.vector_store %arg10[%swap3A_338, %swap3A_339], %broadcast_in_dim3A_337 {strides = array<i32>} : memref<64x128xf32, #tpu.memory_space<vmem>>, vector<16xf32>,
      %broadcast_in_dim3A_341 = arith.constant 0.000000e+00 : f32
      %broadcast_in_dim3A_342 = vector.broadcast %broadcast_in_dim3A_341 : f32 to vector<16xf32>
      %swap3A_343 = arith.index_cast %add3A_327 : i32 to index
      %swap3A_344 = arith.constant 48 : index
      %swap3A_345 = tpu.vector_load %arg10[%swap3A_343, %swap3A_344] {strides = array<i32>} : memref<64x128xf32, #tpu.memory_space<vmem>>, vector<16xf32>,
      tpu.vector_store %arg10[%swap3A_343, %swap3A_344], %broadcast_in_dim3A_342 {strides = array<i32>} : memref<64x128xf32, #tpu.memory_space<vmem>>, vector<16xf32>,
      %broadcast_in_dim3A_346 = arith.constant 0.000000e+00 : f32
      %broadcast_in_dim3A_347 = vector.broadcast %broadcast_in_dim3A_346 : f32 to vector<16xf32>
      %swap3A_348 = arith.index_cast %add3A_327 : i32 to index
      %swap3A_349 = arith.constant 64 : index
      %swap3A_350 = tpu.vector_load %arg10[%swap3A_348, %swap3A_349] {strides = array<i32>} : memref<64x128xf32, #tpu.memory_space<vmem>>, vector<16xf32>,
      tpu.vector_store %arg10[%swap3A_348, %swap3A_349], %broadcast_in_dim3A_347 {strides = array<i32>} : memref<64x128xf32, #tpu.memory_space<vmem>>, vector<16xf32>,
      %broadcast_in_dim3A_351 = arith.constant 0.000000e+00 : f32
      %broadcast_in_dim3A_352 = vector.broadcast %broadcast_in_dim3A_351 : f32 to vector<16xf32>
      %swap3A_353 = arith.index_cast %add3A_327 : i32 to index
      %swap3A_354 = arith.constant 80 : index
      %swap3A_355 = tpu.vector_load %arg10[%swap3A_353, %swap3A_354] {strides = array<i32>} : memref<64x128xf32, #tpu.memory_space<vmem>>, vector<16xf32>,
      tpu.vector_store %arg10[%swap3A_353, %swap3A_354], %broadcast_in_dim3A_352 {strides = array<i32>} : memref<64x128xf32, #tpu.memory_space<vmem>>, vector<16xf32>,
      %broadcast_in_dim3A_356 = arith.constant 0.000000e+00 : f32
      %broadcast_in_dim3A_357 = vector.broadcast %broadcast_in_dim3A_356 : f32 to vector<16xf32>
      %swap3A_358 = arith.index_cast %add3A_327 : i32 to index
      %swap3A_359 = arith.constant 96 : index
      %swap3A_360 = tpu.vector_load %arg10[%swap3A_358, %swap3A_359] {strides = array<i32>} : memref<64x128xf32, #tpu.memory_space<vmem>>, vector<16xf32>,
      tpu.vector_store %arg10[%swap3A_358, %swap3A_359], %broadcast_in_dim3A_357 {strides = array<i32>} : memref<64x128xf32, #tpu.memory_space<vmem>>, vector<16xf32>,
      %broadcast_in_dim3A_361 = arith.constant 0.000000e+00 : f32
      %broadcast_in_dim3A_362 = vector.broadcast %broadcast_in_dim3A_361 : f32 to vector<16xf32>
      %swap3A_363 = arith.index_cast %add3A_327 : i32 to index
      %swap3A_364 = arith.constant 112 : index
      %swap3A_365 = tpu.vector_load %arg10[%swap3A_363, %swap3A_364] {strides = array<i32>} : memref<64x128xf32, #tpu.memory_space<vmem>>, vector<16xf32>,
      tpu.vector_store %arg10[%swap3A_363, %swap3A_364], %broadcast_in_dim3A_362 {strides = array<i32>} : memref<64x128xf32, #tpu.memory_space<vmem>>, vector<16xf32>,
    }
    %scan3A_4 = arith.constant 64 : i32
    %mul3A_5 = arith.constant 624 : i32
    %mul3A_6 = arith.muli %arg1, %mul3A_5 : i32
    %add3A_7 = arith.constant 0 : i32
    %add3A_8 = arith.addi %mul3A_6, %add3A_7 : i32
    %add3A_9 = arith.constant 64 : i32
    %add3A_10 = arith.addi %mul3A_6, %add3A_9 : i32
    %add3A_11 = arith.constant 128 : i32
    %add3A_12 = arith.addi %mul3A_6, %add3A_11 : i32
    %add3A_13 = arith.constant 192 : i32
    %add3A_14 = arith.addi %mul3A_6, %add3A_13 : i32
    %add3A_15 = arith.constant 256 : i32
    %add3A_16 = arith.addi %mul3A_6, %add3A_15 : i32
    %add3A_17 = arith.constant 320 : i32
    %add3A_18 = arith.addi %mul3A_6, %add3A_17 : i32
    %add3A_19 = arith.constant 384 : i32
    %add3A_20 = arith.addi %mul3A_6, %add3A_19 : i32
    %add3A_21 = arith.constant 448 : i32
    %add3A_22 = arith.addi %mul3A_6, %add3A_21 : i32
    %add3A_23 = arith.constant 512 : i32
    %add3A_24 = arith.addi %mul3A_6, %add3A_23 : i32
    %add3A_25 = arith.constant 576 : i32
    %add3A_26 = arith.addi %mul3A_6, %add3A_25 : i32
    %dma_start3A = arith.constant 0 : i32
    %dma_start3A_27 = tpu.memref_slice %arg16[%add3A_8, %dma_start3A] : memref<10000x128xf32, #tpu.memory_space<vmem_shared>> -> memref<64x128xf32, #tpu.memory_space<vmem_shared>>
    %dma_start3A_28 = arith.constant 0 : i32
    %dma_start3A_29 = tpu.memref_slice %arg16[%add3A_8, %dma_start3A_28] : memref<10000x128xf32, #tpu.memory_space<vmem_shared>> -> memref<64x128xf32, #tpu.memory_space<vmem_shared>>
    tpu.enqueue_dma source(%arg10 : memref<64x128xf32, #tpu.memory_space<vmem>>) target(%dma_start3A_29 : memref<64x128xf32, #tpu.memory_space<vmem_shared>>) target_semaphore(%arg17 : memref<!tpu.dma_semaphore, #tpu.memory_space<semaphore_mem>>)
    %dma_start3A_30 = arith.constant 0 : i32
    %dma_start3A_31 = tpu.memref_slice %arg16[%add3A_10, %dma_start3A_30] : memref<10000x128xf32, #tpu.memory_space<vmem_shared>> -> memref<64x128xf32, #tpu.memory_space<vmem_shared>>
    %dma_start3A_32 = arith.constant 0 : i32
    %dma_start3A_33 = tpu.memref_slice %arg16[%add3A_10, %dma_start3A_32] : memref<10000x128xf32, #tpu.memory_space<vmem_shared>> -> memref<64x128xf32, #tpu.memory_space<vmem_shared>>
    tpu.enqueue_dma source(%arg10 : memref<64x128xf32, #tpu.memory_space<vmem>>) target(%dma_start3A_33 : memref<64x128xf32, #tpu.memory_space<vmem_shared>>) target_semaphore(%arg17 : memref<!tpu.dma_semaphore, #tpu.memory_space<semaphore_mem>>)
    %dma_start3A_34 = arith.constant 0 : i32
    %dma_start3A_35 = tpu.memref_slice %arg16[%add3A_12, %dma_start3A_34] : memref<10000x128xf32, #tpu.memory_space<vmem_shared>> -> memref<64x128xf32, #tpu.memory_space<vmem_shared>>
    %dma_start3A_36 = arith.constant 0 : i32
    %dma_start3A_37 = tpu.memref_slice %arg16[%add3A_12, %dma_start3A_36] : memref<10000x128xf32, #tpu.memory_space<vmem_shared>> -> memref<64x128xf32, #tpu.memory_space<vmem_shared>>
    tpu.enqueue_dma source(%arg10 : memref<64x128xf32, #tpu.memory_space<vmem>>) target(%dma_start3A_37 : memref<64x128xf32, #tpu.memory_space<vmem_shared>>) target_semaphore(%arg17 : memref<!tpu.dma_semaphore, #tpu.memory_space<semaphore_mem>>)
    %dma_start3A_38 = arith.constant 0 : i32
    %dma_start3A_39 = tpu.memref_slice %arg16[%add3A_14, %dma_start3A_38] : memref<10000x128xf32, #tpu.memory_space<vmem_shared>> -> memref<64x128xf32, #tpu.memory_space<vmem_shared>>
    %dma_start3A_40 = arith.constant 0 : i32
    %dma_start3A_41 = tpu.memref_slice %arg16[%add3A_14, %dma_start3A_40] : memref<10000x128xf32, #tpu.memory_space<vmem_shared>> -> memref<64x128xf32, #tpu.memory_space<vmem_shared>>
    tpu.enqueue_dma source(%arg10 : memref<64x128xf32, #tpu.memory_space<vmem>>) target(%dma_start3A_41 : memref<64x128xf32, #tpu.memory_space<vmem_shared>>) target_semaphore(%arg17 : memref<!tpu.dma_semaphore, #tpu.memory_space<semaphore_mem>>)
    %dma_start3A_42 = arith.constant 0 : i32
    %dma_start3A_43 = tpu.memref_slice %arg16[%add3A_16, %dma_start3A_42] : memref<10000x128xf32, #tpu.memory_space<vmem_shared>> -> memref<64x128xf32, #tpu.memory_space<vmem_shared>>
    %dma_start3A_44 = arith.constant 0 : i32
    %dma_start3A_45 = tpu.memref_slice %arg16[%add3A_16, %dma_start3A_44] : memref<10000x128xf32, #tpu.memory_space<vmem_shared>> -> memref<64x128xf32, #tpu.memory_space<vmem_shared>>
    tpu.enqueue_dma source(%arg10 : memref<64x128xf32, #tpu.memory_space<vmem>>) target(%dma_start3A_45 : memref<64x128xf32, #tpu.memory_space<vmem_shared>>) target_semaphore(%arg17 : memref<!tpu.dma_semaphore, #tpu.memory_space<semaphore_mem>>)
    %dma_start3A_46 = arith.constant 0 : i32
    %dma_start3A_47 = tpu.memref_slice %arg16[%add3A_18, %dma_start3A_46] : memref<10000x128xf32, #tpu.memory_space<vmem_shared>> -> memref<64x128xf32, #tpu.memory_space<vmem_shared>>
    %dma_start3A_48 = arith.constant 0 : i32
    %dma_start3A_49 = tpu.memref_slice %arg16[%add3A_18, %dma_start3A_48] : memref<10000x128xf32, #tpu.memory_space<vmem_shared>> -> memref<64x128xf32, #tpu.memory_space<vmem_shared>>
    tpu.enqueue_dma source(%arg10 : memref<64x128xf32, #tpu.memory_space<vmem>>) target(%dma_start3A_49 : memref<64x128xf32, #tpu.memory_space<vmem_shared>>) target_semaphore(%arg17 : memref<!tpu.dma_semaphore, #tpu.memory_space<semaphore_mem>>)
    %dma_start3A_50 = arith.constant 0 : i32
    %dma_start3A_51 = tpu.memref_slice %arg16[%add3A_20, %dma_start3A_50] : memref<10000x128xf32, #tpu.memory_space<vmem_shared>> -> memref<64x128xf32, #tpu.memory_space<vmem_shared>>
    %dma_start3A_52 = arith.constant 0 : i32
    %dma_start3A_53 = tpu.memref_slice %arg16[%add3A_20, %dma_start3A_52] : memref<10000x128xf32, #tpu.memory_space<vmem_shared>> -> memref<64x128xf32, #tpu.memory_space<vmem_shared>>
    tpu.enqueue_dma source(%arg10 : memref<64x128xf32, #tpu.memory_space<vmem>>) target(%dma_start3A_53 : memref<64x128xf32, #tpu.memory_space<vmem_shared>>) target_semaphore(%arg17 : memref<!tpu.dma_semaphore, #tpu.memory_space<semaphore_mem>>)
    %dma_start3A_54 = arith.constant 0 : i32
    %dma_start3A_55 = tpu.memref_slice %arg16[%add3A_22, %dma_start3A_54] : memref<10000x128xf32, #tpu.memory_space<vmem_shared>> -> memref<64x128xf32, #tpu.memory_space<vmem_shared>>
    %dma_start3A_56 = arith.constant 0 : i32
    %dma_start3A_57 = tpu.memref_slice %arg16[%add3A_22, %dma_start3A_56] : memref<10000x128xf32, #tpu.memory_space<vmem_shared>> -> memref<64x128xf32, #tpu.memory_space<vmem_shared>>
    tpu.enqueue_dma source(%arg10 : memref<64x128xf32, #tpu.memory_space<vmem>>) target(%dma_start3A_57 : memref<64x128xf32, #tpu.memory_space<vmem_shared>>) target_semaphore(%arg17 : memref<!tpu.dma_semaphore, #tpu.memory_space<semaphore_mem>>)
    %dma_start3A_58 = arith.constant 0 : i32
    %dma_start3A_59 = tpu.memref_slice %arg16[%add3A_24, %dma_start3A_58] : memref<10000x128xf32, #tpu.memory_space<vmem_shared>> -> memref<64x128xf32, #tpu.memory_space<vmem_shared>>
    %dma_start3A_60 = arith.constant 0 : i32
    %dma_start3A_61 = tpu.memref_slice %arg16[%add3A_24, %dma_start3A_60] : memref<10000x128xf32, #tpu.memory_space<vmem_shared>> -> memref<64x128xf32, #tpu.memory_space<vmem_shared>>
    tpu.enqueue_dma source(%arg10 : memref<64x128xf32, #tpu.memory_space<vmem>>) target(%dma_start3A_61 : memref<64x128xf32, #tpu.memory_space<vmem_shared>>) target_semaphore(%arg17 : memref<!tpu.dma_semaphore, #tpu.memory_space<semaphore_mem>>)
    %dma_start3A_62 = arith.constant 0 : i32
    %dma_start3A_63 = tpu.memref_slice %arg16[%add3A_26, %dma_start3A_62] : memref<10000x128xf32, #tpu.memory_space<vmem_shared>> -> memref<64x128xf32, #tpu.memory_space<vmem_shared>>
    %dma_start3A_64 = arith.constant 0 : i32
    %dma_start3A_65 = tpu.memref_slice %arg16[%add3A_26, %dma_start3A_64] : memref<10000x128xf32, #tpu.memory_space<vmem_shared>> -> memref<64x128xf32, #tpu.memory_space<vmem_shared>>
    tpu.enqueue_dma source(%arg10 : memref<64x128xf32, #tpu.memory_space<vmem>>) target(%dma_start3A_65 : memref<64x128xf32, #tpu.memory_space<vmem_shared>>) target_semaphore(%arg17 : memref<!tpu.dma_semaphore, #tpu.memory_space<semaphore_mem>>)
    %dma_wait3A = arith.constant 0 : i32
    %dma_wait3A_66 = tpu.memref_slice %arg16[%add3A_8, %dma_wait3A] : memref<10000x128xf32, #tpu.memory_space<vmem_shared>> -> memref<64x128xf32, #tpu.memory_space<vmem_shared>>
    %dma_wait3A_67 = arith.constant 0 : i32
    %dma_wait3A_68 = tpu.memref_slice %arg16[%add3A_8, %dma_wait3A_67] : memref<10000x128xf32, #tpu.memory_space<vmem_shared>> -> memref<64x128xf32, #tpu.memory_space<vmem_shared>>
    tpu.wait_dma2 semaphore(%arg17 : memref<!tpu.dma_semaphore, #tpu.memory_space<semaphore_mem>>) src(%arg10 : memref<64x128xf32, #tpu.memory_space<vmem>>) dst(%dma_wait3A_68 : memref<64x128xf32, #tpu.memory_space<vmem_shared>>)
    %dma_wait3A_69 = arith.constant 0 : i32
    %dma_wait3A_70 = tpu.memref_slice %arg16[%add3A_10, %dma_wait3A_69] : memref<10000x128xf32, #tpu.memory_space<vmem_shared>> -> memref<64x128xf32, #tpu.memory_space<vmem_shared>>
    %dma_wait3A_71 = arith.constant 0 : i32
    %dma_wait3A_72 = tpu.memref_slice %arg16[%add3A_10, %dma_wait3A_71] : memref<10000x128xf32, #tpu.memory_space<vmem_shared>> -> memref<64x128xf32, #tpu.memory_space<vmem_shared>>
    tpu.wait_dma2 semaphore(%arg17 : memref<!tpu.dma_semaphore, #tpu.memory_space<semaphore_mem>>) src(%arg10 : memref<64x128xf32, #tpu.memory_space<vmem>>) dst(%dma_wait3A_72 : memref<64x128xf32, #tpu.memory_space<vmem_shared>>)
    %dma_wait3A_73 = arith.constant 0 : i32
    %dma_wait3A_74 = tpu.memref_slice %arg16[%add3A_12, %dma_wait3A_73] : memref<10000x128xf32, #tpu.memory_space<vmem_shared>> -> memref<64x128xf32, #tpu.memory_space<vmem_shared>>
    %dma_wait3A_75 = arith.constant 0 : i32
    %dma_wait3A_76 = tpu.memref_slice %arg16[%add3A_12, %dma_wait3A_75] : memref<10000x128xf32, #tpu.memory_space<vmem_shared>> -> memref<64x128xf32, #tpu.memory_space<vmem_shared>>
    tpu.wait_dma2 semaphore(%arg17 : memref<!tpu.dma_semaphore, #tpu.memory_space<semaphore_mem>>) src(%arg10 : memref<64x128xf32, #tpu.memory_space<vmem>>) dst(%dma_wait3A_76 : memref<64x128xf32, #tpu.memory_space<vmem_shared>>)
    %dma_wait3A_77 = arith.constant 0 : i32
    %dma_wait3A_78 = tpu.memref_slice %arg16[%add3A_14, %dma_wait3A_77] : memref<10000x128xf32, #tpu.memory_space<vmem_shared>> -> memref<64x128xf32, #tpu.memory_space<vmem_shared>>
    %dma_wait3A_79 = arith.constant 0 : i32
    %dma_wait3A_80 = tpu.memref_slice %arg16[%add3A_14, %dma_wait3A_79] : memref<10000x128xf32, #tpu.memory_space<vmem_shared>> -> memref<64x128xf32, #tpu.memory_space<vmem_shared>>
    tpu.wait_dma2 semaphore(%arg17 : memref<!tpu.dma_semaphore, #tpu.memory_space<semaphore_mem>>) src(%arg10 : memref<64x128xf32, #tpu.memory_space<vmem>>) dst(%dma_wait3A_80 : memref<64x128xf32, #tpu.memory_space<vmem_shared>>)
    %dma_wait3A_81 = arith.constant 0 : i32
    %dma_wait3A_82 = tpu.memref_slice %arg16[%add3A_16, %dma_wait3A_81] : memref<10000x128xf32, #tpu.memory_space<vmem_shared>> -> memref<64x128xf32, #tpu.memory_space<vmem_shared>>
    %dma_wait3A_83 = arith.constant 0 : i32
    %dma_wait3A_84 = tpu.memref_slice %arg16[%add3A_16, %dma_wait3A_83] : memref<10000x128xf32, #tpu.memory_space<vmem_shared>> -> memref<64x128xf32, #tpu.memory_space<vmem_shared>>
    tpu.wait_dma2 semaphore(%arg17 : memref<!tpu.dma_semaphore, #tpu.memory_space<semaphore_mem>>) src(%arg10 : memref<64x128xf32, #tpu.memory_space<vmem>>) dst(%dma_wait3A_84 : memref<64x128xf32, #tpu.memory_space<vmem_shared>>)
    %dma_wait3A_85 = arith.constant 0 : i32
    %dma_wait3A_86 = tpu.memref_slice %arg16[%add3A_18, %dma_wait3A_85] : memref<10000x128xf32, #tpu.memory_space<vmem_shared>> -> memref<64x128xf32, #tpu.memory_space<vmem_shared>>
    %dma_wait3A_87 = arith.constant 0 : i32
    %dma_wait3A_88 = tpu.memref_slice %arg16[%add3A_18, %dma_wait3A_87] : memref<10000x128xf32, #tpu.memory_space<vmem_shared>> -> memref<64x128xf32, #tpu.memory_space<vmem_shared>>
    tpu.wait_dma2 semaphore(%arg17 : memref<!tpu.dma_semaphore, #tpu.memory_space<semaphore_mem>>) src(%arg10 : memref<64x128xf32, #tpu.memory_space<vmem>>) dst(%dma_wait3A_88 : memref<64x128xf32, #tpu.memory_space<vmem_shared>>)
    %dma_wait3A_89 = arith.constant 0 : i32
    %dma_wait3A_90 = tpu.memref_slice %arg16[%add3A_20, %dma_wait3A_89] : memref<10000x128xf32, #tpu.memory_space<vmem_shared>> -> memref<64x128xf32, #tpu.memory_space<vmem_shared>>
    %dma_wait3A_91 = arith.constant 0 : i32
    %dma_wait3A_92 = tpu.memref_slice %arg16[%add3A_20, %dma_wait3A_91] : memref<10000x128xf32, #tpu.memory_space<vmem_shared>> -> memref<64x128xf32, #tpu.memory_space<vmem_shared>>
    tpu.wait_dma2 semaphore(%arg17 : memref<!tpu.dma_semaphore, #tpu.memory_space<semaphore_mem>>) src(%arg10 : memref<64x128xf32, #tpu.memory_space<vmem>>) dst(%dma_wait3A_92 : memref<64x128xf32, #tpu.memory_space<vmem_shared>>)
    %dma_wait3A_93 = arith.constant 0 : i32
    %dma_wait3A_94 = tpu.memref_slice %arg16[%add3A_22, %dma_wait3A_93] : memref<10000x128xf32, #tpu.memory_space<vmem_shared>> -> memref<64x128xf32, #tpu.memory_space<vmem_shared>>
    %dma_wait3A_95 = arith.constant 0 : i32
    %dma_wait3A_96 = tpu.memref_slice %arg16[%add3A_22, %dma_wait3A_95] : memref<10000x128xf32, #tpu.memory_space<vmem_shared>> -> memref<64x128xf32, #tpu.memory_space<vmem_shared>>
    tpu.wait_dma2 semaphore(%arg17 : memref<!tpu.dma_semaphore, #tpu.memory_space<semaphore_mem>>) src(%arg10 : memref<64x128xf32, #tpu.memory_space<vmem>>) dst(%dma_wait3A_96 : memref<64x128xf32, #tpu.memory_space<vmem_shared>>)
    %dma_wait3A_97 = arith.constant 0 : i32
    %dma_wait3A_98 = tpu.memref_slice %arg16[%add3A_24, %dma_wait3A_97] : memref<10000x128xf32, #tpu.memory_space<vmem_shared>> -> memref<64x128xf32, #tpu.memory_space<vmem_shared>>
    %dma_wait3A_99 = arith.constant 0 : i32
    %dma_wait3A_100 = tpu.memref_slice %arg16[%add3A_24, %dma_wait3A_99] : memref<10000x128xf32, #tpu.memory_space<vmem_shared>> -> memref<64x128xf32, #tpu.memory_space<vmem_shared>>
    tpu.wait_dma2 semaphore(%arg17 : memref<!tpu.dma_semaphore, #tpu.memory_space<semaphore_mem>>) src(%arg10 : memref<64x128xf32, #tpu.memory_space<vmem>>) dst(%dma_wait3A_100 : memref<64x128xf32, #tpu.memory_space<vmem_shared>>)
    %dma_wait3A_101 = arith.constant 0 : i32
    %dma_wait3A_102 = tpu.memref_slice %arg16[%add3A_26, %dma_wait3A_101] : memref<10000x128xf32, #tpu.memory_space<vmem_shared>> -> memref<64x128xf32, #tpu.memory_space<vmem_shared>>
    %dma_wait3A_103 = arith.constant 0 : i32
    %dma_wait3A_104 = tpu.memref_slice %arg16[%add3A_26, %dma_wait3A_103] : memref<10000x128xf32, #tpu.memory_space<vmem_shared>> -> memref<64x128xf32, #tpu.memory_space<vmem_shared>>
    tpu.wait_dma2 semaphore(%arg17 : memref<!tpu.dma_semaphore, #tpu.memory_space<semaphore_mem>>) src(%arg10 : memref<64x128xf32, #tpu.memory_space<vmem>>) dst(%dma_wait3A_104 : memref<64x128xf32, #tpu.memory_space<vmem_shared>>)
    %barrier3A = arith.constant 0 : index
    tpu.barrier barrier_id(%barrier3A)
    %mul3A_105 = arith.constant 156 : i32
    %mul3A_106 = arith.muli %mul3A_105, %add3A : i32
    %jit3A = arith.constant 2 : i32
    %div3A = arith.divsi %mul3A_106, %jit3A : i32
    %sign3A = arith.constant 0 : i32
    %sign3A_107 = arith.cmpi sgt, %mul3A_106, %sign3A : i32
    %sign3A_108 = arith.extui %sign3A_107 : i1 to i32
    %sign3A_109 = arith.constant 0 : i32
    %sign3A_110 = arith.cmpi slt, %mul3A_106, %sign3A_109 : i32
    %sign3A_111 = arith.extui %sign3A_110 : i1 to i32
    %sign3A_112 = arith.subi %sign3A_108, %sign3A_111 : i32
    %sign3A_113 = arith.constant 0 : i32
    %sign3A_114 = arith.cmpi sgt, %jit3A, %sign3A_113 : i32
    %sign3A_115 = arith.extui %sign3A_114 : i1 to i32
    %sign3A_116 = arith.constant 0 : i32
    %sign3A_117 = arith.cmpi slt, %jit3A, %sign3A_116 : i32
    %sign3A_118 = arith.extui %sign3A_117 : i1 to i32
    %sign3A_119 = arith.subi %sign3A_115, %sign3A_118 : i32
    %ne3A = arith.cmpi ne, %sign3A_112, %sign3A_119 : i32
    %rem3A = arith.remsi %mul3A_106, %jit3A : i32
    %ne3A_120 = arith.constant 0 : i32
    %ne3A_121 = arith.cmpi ne, %rem3A, %ne3A_120 : i32
    %and3A = arith.andi %ne3A, %ne3A_121 : i1
    %sub3A = arith.constant 1 : i32
    %sub3A_122 = arith.subi %div3A, %sub3A : i32
    %select_n3A = arith.select %and3A, %sub3A_122, %div3A : i32
    %mul3A_123 = arith.constant 2 : i32
    %mul3A_124 = arith.muli %select_n3A, %mul3A_123 : i32
    %mul3A_125 = arith.constant 64 : i32
    %mul3A_126 = arith.muli %mul3A_124, %mul3A_125 : i32
    %dma_start3A_127 = arith.constant 0 : i32
    %dma_start3A_128 = tpu.memref_slice %arg4[%dma_start3A_127, %mul3A_126] : memref<2x320000xi32, #tpu.memory_space<hbm>> -> memref<2x128xi32, #tpu.memory_space<hbm>>
    %dma_start3A_129 = arith.constant 0 : i32
    %dma_start3A_130 = tpu.memref_slice %arg4[%dma_start3A_129, %mul3A_126] : memref<2x320000xi32, #tpu.memory_space<hbm>> -> memref<2x128xi32, #tpu.memory_space<hbm>>
    tpu.enqueue_dma source(%dma_start3A_130 : memref<2x128xi32, #tpu.memory_space<hbm>>) target(%arg6 : memref<2x128xi32, #tpu.memory_space<vmem>>) target_semaphore(%arg17 : memref<!tpu.dma_semaphore, #tpu.memory_space<semaphore_mem>>)
    %dma_wait3A_131 = arith.constant 0 : i32
    %dma_wait3A_132 = tpu.memref_slice %arg4[%dma_wait3A_131, %mul3A_126] : memref<2x320000xi32, #tpu.memory_space<hbm>> -> memref<2x128xi32, #tpu.memory_space<hbm>>
    %dma_wait3A_133 = arith.constant 0 : i32
    %dma_wait3A_134 = tpu.memref_slice %arg4[%dma_wait3A_133, %mul3A_126] : memref<2x320000xi32, #tpu.memory_space<hbm>> -> memref<2x128xi32, #tpu.memory_space<hbm>>
    tpu.wait_dma2 semaphore(%arg17 : memref<!tpu.dma_semaphore, #tpu.memory_space<semaphore_mem>>) src(%dma_wait3A_134 : memref<2x128xi32, #tpu.memory_space<hbm>>) dst(%arg6 : memref<2x128xi32, #tpu.memory_space<vmem>>)
    %dma_start3A_135 = arith.constant 0 : i32
    %dma_start3A_136 = arith.constant 0 : i32
    %dma_start3A_137 = tpu.memref_slice %arg6[%dma_start3A_135, %dma_start3A_136] : memref<2x128xi32, #tpu.memory_space<vmem>> -> memref<1x64xi32, #tpu.memory_space<vmem>>
    %dma_start3A_138 = tpu.memref_squeeze %dma_start3A_137 : memref<1x64xi32, #tpu.memory_space<vmem>> -> memref<64xi32, #tpu.memory_space<vmem>>
    %dma_start3A_139 = arith.constant 0 : i32
    %dma_start3A_140 = arith.constant 0 : i32
    %dma_start3A_141 = tpu.memref_slice %arg2[%dma_start3A_139, %dma_start3A_140] : memref<10000x128xf32, #tpu.memory_space<hbm>> -> memref<10000x128xf32, #tpu.memory_space<hbm>>
    tpu.enqueue_indirect_dma source(%dma_start3A_141 : memref<10000x128xf32, #tpu.memory_space<hbm>>) target(%arg10 : memref<64x128xf32, #tpu.memory_space<vmem>>) offsets(%dma_start3A_138 : memref<64xi32, #tpu.memory_space<vmem>>) semaphore(%arg18 : memref<!tpu.dma_semaphore, #tpu.memory_space<semaphore_mem>>)
    %dma_start3A_142 = arith.constant 1 : i32
    %dma_start3A_143 = arith.constant 0 : i32
    %dma_start3A_144 = tpu.memref_slice %arg6[%dma_start3A_142, %dma_start3A_143] : memref<2x128xi32, #tpu.memory_space<vmem>> -> memref<1x64xi32, #tpu.memory_space<vmem>>
    %dma_start3A_145 = tpu.memref_squeeze %dma_start3A_144 : memref<1x64xi32, #tpu.memory_space<vmem>> -> memref<64xi32, #tpu.memory_space<vmem>>
    %dma_start3A_146 = arith.constant 0 : i32
    %dma_start3A_147 = arith.constant 0 : i32
    %dma_start3A_148 = tpu.memref_slice %arg3[%dma_start3A_146, %dma_start3A_147] : memref<10000x128xf32, #tpu.memory_space<hbm>> -> memref<10000x128xf32, #tpu.memory_space<hbm>>
    tpu.enqueue_indirect_dma source(%dma_start3A_148 : memref<10000x128xf32, #tpu.memory_space<hbm>>) target(%arg12 : memref<64x128xf32, #tpu.memory_space<vmem>>) offsets(%dma_start3A_145 : memref<64xi32, #tpu.memory_space<vmem>>) semaphore(%arg20 : memref<!tpu.dma_semaphore, #tpu.memory_space<semaphore_mem>>)
    %dma_start3A_149 = arith.constant 0 : i32
    %dma_start3A_150 = arith.constant 64 : i32
    %dma_start3A_151 = tpu.memref_slice %arg6[%dma_start3A_149, %dma_start3A_150] : memref<2x128xi32, #tpu.memory_space<vmem>> -> memref<1x64xi32, #tpu.memory_space<vmem>>
    %dma_start3A_152 = tpu.memref_squeeze %dma_start3A_151 : memref<1x64xi32, #tpu.memory_space<vmem>> -> memref<64xi32, #tpu.memory_space<vmem>>
    %dma_start3A_153 = arith.constant 0 : i32
    %dma_start3A_154 = arith.constant 0 : i32
    %dma_start3A_155 = tpu.memref_slice %arg2[%dma_start3A_153, %dma_start3A_154] : memref<10000x128xf32, #tpu.memory_space<hbm>> -> memref<10000x128xf32, #tpu.memory_space<hbm>>
    tpu.enqueue_indirect_dma source(%dma_start3A_155 : memref<10000x128xf32, #tpu.memory_space<hbm>>) target(%arg11 : memref<64x128xf32, #tpu.memory_space<vmem>>) offsets(%dma_start3A_152 : memref<64xi32, #tpu.memory_space<vmem>>) semaphore(%arg19 : memref<!tpu.dma_semaphore, #tpu.memory_space<semaphore_mem>>)
    %dma_start3A_156 = arith.constant 1 : i32
    %dma_start3A_157 = arith.constant 64 : i32
    %dma_start3A_158 = tpu.memref_slice %arg6[%dma_start3A_156, %dma_start3A_157] : memref<2x128xi32, #tpu.memory_space<vmem>> -> memref<1x64xi32, #tpu.memory_space<vmem>>
    %dma_start3A_159 = tpu.memref_squeeze %dma_start3A_158 : memref<1x64xi32, #tpu.memory_space<vmem>> -> memref<64xi32, #tpu.memory_space<vmem>>
    %dma_start3A_160 = arith.constant 0 : i32
    %dma_start3A_161 = arith.constant 0 : i32
    %dma_start3A_162 = tpu.memref_slice %arg3[%dma_start3A_160, %dma_start3A_161] : memref<10000x128xf32, #tpu.memory_space<hbm>> -> memref<10000x128xf32, #tpu.memory_space<hbm>>
    tpu.enqueue_indirect_dma source(%dma_start3A_162 : memref<10000x128xf32, #tpu.memory_space<hbm>>) target(%arg13 : memref<64x128xf32, #tpu.memory_space<vmem>>) offsets(%dma_start3A_159 : memref<64xi32, #tpu.memory_space<vmem>>) semaphore(%arg21 : memref<!tpu.dma_semaphore, #tpu.memory_space<semaphore_mem>>)
    %scan3A_163 = arith.constant 0 : i32
    %scan3A_164 = arith.constant 78 : i32
    %scan3A_165 = arith.addi %scan3A_163, %scan3A_164 : i32
    %scan3A_166 = arith.constant 1 : i32
    scf.for %scan3A_323 = %scan3A_163 to %scan3A_165 step %scan3A_166  : i32 {
      %mul3A_324 = arith.constant 1 : i32
      %mul3A_325 = arith.muli %scan3A_323, %mul3A_324 : i32
      %add3A_326 = arith.constant 0 : i32
      %add3A_327 = arith.addi %add3A_326, %mul3A_325 : i32
      %rem3A_328 = arith.constant 2 : i32
      %rem3A_329 = arith.remsi %add3A_327, %rem3A_328 : i32
      %ge3A = arith.constant 1 : i32
      %ge3A_330 = arith.cmpi sge, %add3A_327, %ge3A : i32
      %convert_element_type3A_331 = arith.extui %ge3A_330 : i1 to i32
      %cond3A_332 = arith.constant 0 : i32
      %cond3A_333 = arith.cmpi ne, %convert_element_type3A_331, %cond3A_332 : i32
      scf.if %cond3A_333 {
        %dma_wait3A_433 = arith.constant 0 : i32
        %dma_wait3A_434 = arith.constant 0 : i32
        %dma_wait3A_435 = tpu.memref_slice %arg2[%dma_wait3A_433, %dma_wait3A_434] : memref<10000x128xf32, #tpu.memory_space<hbm>> -> memref<64x128xf32, #tpu.memory_space<hbm>>
        %dma_wait3A_436 = arith.constant 0 : i32
        %dma_wait3A_437 = arith.constant 0 : i32
        %dma_wait3A_438 = tpu.memref_slice %arg2[%dma_wait3A_436, %dma_wait3A_437] : memref<10000x128xf32, #tpu.memory_space<hbm>> -> memref<64x128xf32, #tpu.memory_space<hbm>>
        tpu.wait_dma2 semaphore(%arg22 : memref<!tpu.dma_semaphore, #tpu.memory_space<semaphore_mem>>) src(%dma_wait3A_438 : memref<64x128xf32, #tpu.memory_space<hbm>>) dst(%arg14 : memref<64x128xf32, #tpu.memory_space<vmem>>)
      } else {
      }
      %dma_wait3A_334 = arith.constant 0 : i32
      %dma_wait3A_335 = arith.constant 0 : i32
      %dma_wait3A_336 = tpu.memref_slice %arg2[%dma_wait3A_334, %dma_wait3A_335] : memref<10000x128xf32, #tpu.memory_space<hbm>> -> memref<64x128xf32, #tpu.memory_space<hbm>>
      %dma_wait3A_337 = arith.constant 0 : i32
      %dma_wait3A_338 = arith.constant 0 : i32
      %dma_wait3A_339 = tpu.memref_slice %arg2[%dma_wait3A_337, %dma_wait3A_338] : memref<10000x128xf32, #tpu.memory_space<hbm>> -> memref<64x128xf32, #tpu.memory_space<hbm>>
      tpu.wait_dma2 semaphore(%arg18 : memref<!tpu.dma_semaphore, #tpu.memory_space<semaphore_mem>>) src(%dma_wait3A_339 : memref<64x128xf32, #tpu.memory_space<hbm>>) dst(%arg10 : memref<64x128xf32, #tpu.memory_space<vmem>>)
      %dma_wait3A_340 = arith.constant 0 : i32
      %dma_wait3A_341 = arith.constant 0 : i32
      %dma_wait3A_342 = tpu.memref_slice %arg3[%dma_wait3A_340, %dma_wait3A_341] : memref<10000x128xf32, #tpu.memory_space<hbm>> -> memref<64x128xf32, #tpu.memory_space<hbm>>
      %dma_wait3A_343 = arith.constant 0 : i32
      %dma_wait3A_344 = arith.constant 0 : i32
      %dma_wait3A_345 = tpu.memref_slice %arg3[%dma_wait3A_343, %dma_wait3A_344] : memref<10000x128xf32, #tpu.memory_space<hbm>> -> memref<64x128xf32, #tpu.memory_space<hbm>>
      tpu.wait_dma2 semaphore(%arg20 : memref<!tpu.dma_semaphore, #tpu.memory_space<semaphore_mem>>) src(%dma_wait3A_345 : memref<64x128xf32, #tpu.memory_space<hbm>>) dst(%arg12 : memref<64x128xf32, #tpu.memory_space<vmem>>)
      %eq3A = arith.constant 0 : i32
      %eq3A_346 = arith.cmpi eq, %rem3A_329, %eq3A : i32
      %convert_element_type3A_347 = arith.extui %eq3A_346 : i1 to i32
      %cond3A_348 = arith.constant 0 : i32
      %cond3A_349 = arith.cmpi ne, %convert_element_type3A_347, %cond3A_348 : i32
      scf.if %cond3A_349 {
        %get3A = arith.constant 1 : i32
        %get3A_433 = arith.index_cast %get3A : i32 to index
        %get3A_434 = arith.constant 0 : index
        %get3A_435 = tpu.vector_load %arg6[%get3A_433, %get3A_434] {strides = array<i32>} : memref<2x128xi32, #tpu.memory_space<vmem>>, vector<16xi32>,
        %swap3A = arith.constant 0 : index
        %swap3A_436 = tpu.vector_load %arg8[%swap3A] {strides = array<i32>} : memref<64xi32, #tpu.memory_space<vmem>>, vector<16xi32>,
        tpu.vector_store %arg8[%swap3A], %get3A_435 {strides = array<i32>} : memref<64xi32, #tpu.memory_space<vmem>>, vector<16xi32>,
        %get3A_437 = arith.constant 1 : i32
        %get3A_438 = arith.index_cast %get3A_437 : i32 to index
        %get3A_439 = arith.constant 16 : index
        %get3A_440 = tpu.vector_load %arg6[%get3A_438, %get3A_439] {strides = array<i32>} : memref<2x128xi32, #tpu.memory_space<vmem>>, vector<16xi32>,
        %swap3A_441 = arith.constant 16 : index
        %swap3A_442 = tpu.vector_load %arg8[%swap3A_441] {strides = array<i32>} : memref<64xi32, #tpu.memory_space<vmem>>, vector<16xi32>,
        tpu.vector_store %arg8[%swap3A_441], %get3A_440 {strides = array<i32>} : memref<64xi32, #tpu.memory_space<vmem>>, vector<16xi32>,
        %get3A_443 = arith.constant 1 : i32
        %get3A_444 = arith.index_cast %get3A_443 : i32 to index
        %get3A_445 = arith.constant 32 : index
        %get3A_446 = tpu.vector_load %arg6[%get3A_444, %get3A_445] {strides = array<i32>} : memref<2x128xi32, #tpu.memory_space<vmem>>, vector<16xi32>,
        %swap3A_447 = arith.constant 32 : index
        %swap3A_448 = tpu.vector_load %arg8[%swap3A_447] {strides = array<i32>} : memref<64xi32, #tpu.memory_space<vmem>>, vector<16xi32>,
        tpu.vector_store %arg8[%swap3A_447], %get3A_446 {strides = array<i32>} : memref<64xi32, #tpu.memory_space<vmem>>, vector<16xi32>,
        %get3A_449 = arith.constant 1 : i32
        %get3A_450 = arith.index_cast %get3A_449 : i32 to index
        %get3A_451 = arith.constant 48 : index
        %get3A_452 = tpu.vector_load %arg6[%get3A_450, %get3A_451] {strides = array<i32>} : memref<2x128xi32, #tpu.memory_space<vmem>>, vector<16xi32>,
        %swap3A_453 = arith.constant 48 : index
        %swap3A_454 = tpu.vector_load %arg8[%swap3A_453] {strides = array<i32>} : memref<64xi32, #tpu.memory_space<vmem>>, vector<16xi32>,
        tpu.vector_store %arg8[%swap3A_453], %get3A_452 {strides = array<i32>} : memref<64xi32, #tpu.memory_space<vmem>>, vector<16xi32>,
        %add3A_455 = arith.constant 1 : i32
        %add3A_456 = arith.addi %add3A_327, %add3A_455 : i32
        %lt3A_457 = arith.constant 78 : i32
        %lt3A_458 = arith.cmpi slt, %add3A_456, %lt3A_457 : i32
        %convert_element_type3A_459 = arith.extui %lt3A_458 : i1 to i32
        %cond3A_460 = arith.constant 0 : i32
        %cond3A_461 = arith.cmpi ne, %convert_element_type3A_459, %cond3A_460 : i32
        scf.if %cond3A_461 {
          %jit3A_462 = arith.constant 2 : i32
          %div3A_463 = arith.divsi %mul3A_106, %jit3A_462 : i32
          %sign3A_464 = arith.constant 0 : i32
          %sign3A_465 = arith.cmpi sgt, %mul3A_106, %sign3A_464 : i32
          %sign3A_466 = arith.extui %sign3A_465 : i1 to i32
          %sign3A_467 = arith.constant 0 : i32
          %sign3A_468 = arith.cmpi slt, %mul3A_106, %sign3A_467 : i32
          %sign3A_469 = arith.extui %sign3A_468 : i1 to i32
          %sign3A_470 = arith.subi %sign3A_466, %sign3A_469 : i32
          %sign3A_471 = arith.constant 0 : i32
          %sign3A_472 = arith.cmpi sgt, %jit3A_462, %sign3A_471 : i32
          %sign3A_473 = arith.extui %sign3A_472 : i1 to i32
          %sign3A_474 = arith.constant 0 : i32
          %sign3A_475 = arith.cmpi slt, %jit3A_462, %sign3A_474 : i32
          %sign3A_476 = arith.extui %sign3A_475 : i1 to i32
          %sign3A_477 = arith.subi %sign3A_473, %sign3A_476 : i32
          %ne3A_478 = arith.cmpi ne, %sign3A_470, %sign3A_477 : i32
          %rem3A_479 = arith.remsi %mul3A_106, %jit3A_462 : i32
          %ne3A_480 = arith.constant 0 : i32
          %ne3A_481 = arith.cmpi ne, %rem3A_479, %ne3A_480 : i32
          %and3A_482 = arith.andi %ne3A_478, %ne3A_481 : i1
          %sub3A_483 = arith.constant 1 : i32
          %sub3A_484 = arith.subi %div3A_463, %sub3A_483 : i32
          %select_n3A_485 = arith.select %and3A_482, %sub3A_484, %div3A_463 : i32
          %add3A_486 = arith.addi %select_n3A_485, %add3A_327 : i32
          %add3A_487 = arith.constant 1 : i32
          %add3A_488 = arith.addi %add3A_486, %add3A_487 : i32
          %mul3A_489 = arith.constant 2 : i32
          %mul3A_490 = arith.muli %add3A_488, %mul3A_489 : i32
          %mul3A_491 = arith.constant 64 : i32
          %mul3A_492 = arith.muli %mul3A_490, %mul3A_491 : i32
          %dma_start3A_493 = arith.constant 0 : i32
          %dma_start3A_494 = tpu.memref_slice %arg4[%dma_start3A_493, %mul3A_492] : memref<2x320000xi32, #tpu.memory_space<hbm>> -> memref<2x128xi32, #tpu.memory_space<hbm>>
          %dma_start3A_495 = arith.constant 0 : i32
          %dma_start3A_496 = tpu.memref_slice %arg4[%dma_start3A_495, %mul3A_492] : memref<2x320000xi32, #tpu.memory_space<hbm>> -> memref<2x128xi32, #tpu.memory_space<hbm>>
          tpu.enqueue_dma source(%dma_start3A_496 : memref<2x128xi32, #tpu.memory_space<hbm>>) target(%arg7 : memref<2x128xi32, #tpu.memory_space<vmem>>) target_semaphore(%arg17 : memref<!tpu.dma_semaphore, #tpu.memory_space<semaphore_mem>>)
        } else {
        }
      } else {
      }
      %eq3A_350 = arith.constant 1 : i32
      %eq3A_351 = arith.cmpi eq, %rem3A_329, %eq3A_350 : i32
      %convert_element_type3A_352 = arith.extui %eq3A_351 : i1 to i32
      %cond3A_353 = arith.constant 0 : i32
      %cond3A_354 = arith.cmpi ne, %convert_element_type3A_352, %cond3A_353 : i32
      scf.if %cond3A_354 {
        %get3A = arith.constant 1 : i32
        %get3A_433 = arith.index_cast %get3A : i32 to index
        %get3A_434 = arith.constant 0 : index
        %get3A_435 = tpu.vector_load %arg7[%get3A_433, %get3A_434] {strides = array<i32>} : memref<2x128xi32, #tpu.memory_space<vmem>>, vector<16xi32>,
        %swap3A = arith.constant 0 : index
        %swap3A_436 = tpu.vector_load %arg8[%swap3A] {strides = array<i32>} : memref<64xi32, #tpu.memory_space<vmem>>, vector<16xi32>,
        tpu.vector_store %arg8[%swap3A], %get3A_435 {strides = array<i32>} : memref<64xi32, #tpu.memory_space<vmem>>, vector<16xi32>,
        %get3A_437 = arith.constant 1 : i32
        %get3A_438 = arith.index_cast %get3A_437 : i32 to index
        %get3A_439 = arith.constant 16 : index
        %get3A_440 = tpu.vector_load %arg7[%get3A_438, %get3A_439] {strides = array<i32>} : memref<2x128xi32, #tpu.memory_space<vmem>>, vector<16xi32>,
        %swap3A_441 = arith.constant 16 : index
        %swap3A_442 = tpu.vector_load %arg8[%swap3A_441] {strides = array<i32>} : memref<64xi32, #tpu.memory_space<vmem>>, vector<16xi32>,
        tpu.vector_store %arg8[%swap3A_441], %get3A_440 {strides = array<i32>} : memref<64xi32, #tpu.memory_space<vmem>>, vector<16xi32>,
        %get3A_443 = arith.constant 1 : i32
        %get3A_444 = arith.index_cast %get3A_443 : i32 to index
        %get3A_445 = arith.constant 32 : index
        %get3A_446 = tpu.vector_load %arg7[%get3A_444, %get3A_445] {strides = array<i32>} : memref<2x128xi32, #tpu.memory_space<vmem>>, vector<16xi32>,
        %swap3A_447 = arith.constant 32 : index
        %swap3A_448 = tpu.vector_load %arg8[%swap3A_447] {strides = array<i32>} : memref<64xi32, #tpu.memory_space<vmem>>, vector<16xi32>,
        tpu.vector_store %arg8[%swap3A_447], %get3A_446 {strides = array<i32>} : memref<64xi32, #tpu.memory_space<vmem>>, vector<16xi32>,
        %get3A_449 = arith.constant 1 : i32
        %get3A_450 = arith.index_cast %get3A_449 : i32 to index
        %get3A_451 = arith.constant 48 : index
        %get3A_452 = tpu.vector_load %arg7[%get3A_450, %get3A_451] {strides = array<i32>} : memref<2x128xi32, #tpu.memory_space<vmem>>, vector<16xi32>,
        %swap3A_453 = arith.constant 48 : index
        %swap3A_454 = tpu.vector_load %arg8[%swap3A_453] {strides = array<i32>} : memref<64xi32, #tpu.memory_space<vmem>>, vector<16xi32>,
        tpu.vector_store %arg8[%swap3A_453], %get3A_452 {strides = array<i32>} : memref<64xi32, #tpu.memory_space<vmem>>, vector<16xi32>,
        %add3A_455 = arith.constant 1 : i32
        %add3A_456 = arith.addi %add3A_327, %add3A_455 : i32
        %lt3A_457 = arith.constant 78 : i32
        %lt3A_458 = arith.cmpi slt, %add3A_456, %lt3A_457 : i32
        %convert_element_type3A_459 = arith.extui %lt3A_458 : i1 to i32
        %cond3A_460 = arith.constant 0 : i32
        %cond3A_461 = arith.cmpi ne, %convert_element_type3A_459, %cond3A_460 : i32
        scf.if %cond3A_461 {
          %jit3A_462 = arith.constant 2 : i32
          %div3A_463 = arith.divsi %mul3A_106, %jit3A_462 : i32
          %sign3A_464 = arith.constant 0 : i32
          %sign3A_465 = arith.cmpi sgt, %mul3A_106, %sign3A_464 : i32
          %sign3A_466 = arith.extui %sign3A_465 : i1 to i32
          %sign3A_467 = arith.constant 0 : i32
          %sign3A_468 = arith.cmpi slt, %mul3A_106, %sign3A_467 : i32
          %sign3A_469 = arith.extui %sign3A_468 : i1 to i32
          %sign3A_470 = arith.subi %sign3A_466, %sign3A_469 : i32
          %sign3A_471 = arith.constant 0 : i32
          %sign3A_472 = arith.cmpi sgt, %jit3A_462, %sign3A_471 : i32
          %sign3A_473 = arith.extui %sign3A_472 : i1 to i32
          %sign3A_474 = arith.constant 0 : i32
          %sign3A_475 = arith.cmpi slt, %jit3A_462, %sign3A_474 : i32
          %sign3A_476 = arith.extui %sign3A_475 : i1 to i32
          %sign3A_477 = arith.subi %sign3A_473, %sign3A_476 : i32
          %ne3A_478 = arith.cmpi ne, %sign3A_470, %sign3A_477 : i32
          %rem3A_479 = arith.remsi %mul3A_106, %jit3A_462 : i32
          %ne3A_480 = arith.constant 0 : i32
          %ne3A_481 = arith.cmpi ne, %rem3A_479, %ne3A_480 : i32
          %and3A_482 = arith.andi %ne3A_478, %ne3A_481 : i1
          %sub3A_483 = arith.constant 1 : i32
          %sub3A_484 = arith.subi %div3A_463, %sub3A_483 : i32
          %select_n3A_485 = arith.select %and3A_482, %sub3A_484, %div3A_463 : i32
          %add3A_486 = arith.addi %select_n3A_485, %add3A_327 : i32
          %add3A_487 = arith.constant 1 : i32
          %add3A_488 = arith.addi %add3A_486, %add3A_487 : i32
          %mul3A_489 = arith.constant 2 : i32
          %mul3A_490 = arith.muli %add3A_488, %mul3A_489 : i32
          %mul3A_491 = arith.constant 64 : i32
          %mul3A_492 = arith.muli %mul3A_490, %mul3A_491 : i32
          %dma_start3A_493 = arith.constant 0 : i32
          %dma_start3A_494 = tpu.memref_slice %arg4[%dma_start3A_493, %mul3A_492] : memref<2x320000xi32, #tpu.memory_space<hbm>> -> memref<2x128xi32, #tpu.memory_space<hbm>>
          %dma_start3A_495 = arith.constant 0 : i32
          %dma_start3A_496 = tpu.memref_slice %arg4[%dma_start3A_495, %mul3A_492] : memref<2x320000xi32, #tpu.memory_space<hbm>> -> memref<2x128xi32, #tpu.memory_space<hbm>>
          tpu.enqueue_dma source(%dma_start3A_496 : memref<2x128xi32, #tpu.memory_space<hbm>>) target(%arg6 : memref<2x128xi32, #tpu.memory_space<vmem>>) target_semaphore(%arg17 : memref<!tpu.dma_semaphore, #tpu.memory_space<semaphore_mem>>)
        } else {
        }
      } else {
      }
      %parallel_loop3A = arith.constant 0 : i32
      %parallel_loop3A_355 = arith.constant 64 : i32
      %parallel_loop3A_356 = arith.constant 1 : i32
      scf.for %parallel_loop3A_433 = %parallel_loop3A to %parallel_loop3A_355 step %parallel_loop3A_356  : i32 {
        %parallel_loop3A_434 = arith.index_cast %parallel_loop3A_433 : i32 to index
        %parallel_loop3A_435 = arith.constant 0 : index
        %parallel_loop3A_436 = tpu.vector_load %arg10[%parallel_loop3A_434, %parallel_loop3A_435] {strides = array<i32>} : memref<64x128xf32, #tpu.memory_space<vmem>>, vector<16xf32>,
        %parallel_loop3A_437 = arith.index_cast %parallel_loop3A_433 : i32 to index
        %parallel_loop3A_438 = arith.constant 16 : index
        %parallel_loop3A_439 = tpu.vector_load %arg10[%parallel_loop3A_437, %parallel_loop3A_438] {strides = array<i32>} : memref<64x128xf32, #tpu.memory_space<vmem>>, vector<16xf32>,
        %parallel_loop3A_440 = arith.index_cast %parallel_loop3A_433 : i32 to index
        %parallel_loop3A_441 = arith.constant 32 : index
        %parallel_loop3A_442 = tpu.vector_load %arg10[%parallel_loop3A_440, %parallel_loop3A_441] {strides = array<i32>} : memref<64x128xf32, #tpu.memory_space<vmem>>, vector<16xf32>,
        %parallel_loop3A_443 = arith.index_cast %parallel_loop3A_433 : i32 to index
        %parallel_loop3A_444 = arith.constant 48 : index
        %parallel_loop3A_445 = tpu.vector_load %arg10[%parallel_loop3A_443, %parallel_loop3A_444] {strides = array<i32>} : memref<64x128xf32, #tpu.memory_space<vmem>>, vector<16xf32>,
        %parallel_loop3A_446 = arith.index_cast %parallel_loop3A_433 : i32 to index
        %parallel_loop3A_447 = arith.constant 64 : index
        %parallel_loop3A_448 = tpu.vector_load %arg10[%parallel_loop3A_446, %parallel_loop3A_447] {strides = array<i32>} : memref<64x128xf32, #tpu.memory_space<vmem>>, vector<16xf32>,
        %parallel_loop3A_449 = arith.index_cast %parallel_loop3A_433 : i32 to index
        %parallel_loop3A_450 = arith.constant 80 : index
        %parallel_loop3A_451 = tpu.vector_load %arg10[%parallel_loop3A_449, %parallel_loop3A_450] {strides = array<i32>} : memref<64x128xf32, #tpu.memory_space<vmem>>, vector<16xf32>,
        %parallel_loop3A_452 = arith.index_cast %parallel_loop3A_433 : i32 to index
        %parallel_loop3A_453 = arith.constant 96 : index
        %parallel_loop3A_454 = tpu.vector_load %arg10[%parallel_loop3A_452, %parallel_loop3A_453] {strides = array<i32>} : memref<64x128xf32, #tpu.memory_space<vmem>>, vector<16xf32>,
        %parallel_loop3A_455 = arith.index_cast %parallel_loop3A_433 : i32 to index
        %parallel_loop3A_456 = arith.constant 112 : index
        %parallel_loop3A_457 = tpu.vector_load %arg10[%parallel_loop3A_455, %parallel_loop3A_456] {strides = array<i32>} : memref<64x128xf32, #tpu.memory_space<vmem>>, vector<16xf32>,
        %parallel_loop3A_458 = arith.index_cast %parallel_loop3A_433 : i32 to index
        %parallel_loop3A_459 = arith.constant 0 : index
        %parallel_loop3A_460 = tpu.vector_load %arg12[%parallel_loop3A_458, %parallel_loop3A_459] {strides = array<i32>} : memref<64x128xf32, #tpu.memory_space<vmem>>, vector<16xf32>,
        %parallel_loop3A_461 = arith.index_cast %parallel_loop3A_433 : i32 to index
        %parallel_loop3A_462 = arith.constant 16 : index
        %parallel_loop3A_463 = tpu.vector_load %arg12[%parallel_loop3A_461, %parallel_loop3A_462] {strides = array<i32>} : memref<64x128xf32, #tpu.memory_space<vmem>>, vector<16xf32>,
        %parallel_loop3A_464 = arith.mulf %parallel_loop3A_436, %parallel_loop3A_460 : vector<16xf32>
        %parallel_loop3A_465 = arith.mulf %parallel_loop3A_439, %parallel_loop3A_463 : vector<16xf32>
        %parallel_loop3A_466 = arith.addf %parallel_loop3A_464, %parallel_loop3A_465 : vector<16xf32>
        %parallel_loop3A_467 = arith.constant true
        %parallel_loop3A_468 = vector.broadcast %parallel_loop3A_467 : i1 to vector<16xi1>
        %parallel_loop3A_469 = tpu.scan <sum>, %parallel_loop3A_466 masked %parallel_loop3A_468 : vector<16xf32>, vector<16xi1> -> vector<16xf32>
        %parallel_loop3A_470 = vector.extract %parallel_loop3A_469[15] : f32 from vector<16xf32>
        %parallel_loop3A_471 = vector.broadcast %parallel_loop3A_470 : f32 to vector<16xf32>
        %parallel_loop3A_472 = math.exp %parallel_loop3A_471 : vector<16xf32>
        %parallel_loop3A_473 = arith.mulf %parallel_loop3A_442, %parallel_loop3A_460 : vector<16xf32>
        %parallel_loop3A_474 = arith.mulf %parallel_loop3A_445, %parallel_loop3A_463 : vector<16xf32>
        %parallel_loop3A_475 = arith.addf %parallel_loop3A_473, %parallel_loop3A_474 : vector<16xf32>
        %parallel_loop3A_476 = arith.constant true
        %parallel_loop3A_477 = vector.broadcast %parallel_loop3A_476 : i1 to vector<16xi1>
        %parallel_loop3A_478 = tpu.scan <sum>, %parallel_loop3A_475 masked %parallel_loop3A_477 : vector<16xf32>, vector<16xi1> -> vector<16xf32>
        %parallel_loop3A_479 = vector.extract %parallel_loop3A_478[15] : f32 from vector<16xf32>
        %parallel_loop3A_480 = vector.broadcast %parallel_loop3A_479 : f32 to vector<16xf32>
        %parallel_loop3A_481 = math.exp %parallel_loop3A_480 : vector<16xf32>
        %parallel_loop3A_482 = arith.mulf %parallel_loop3A_448, %parallel_loop3A_460 : vector<16xf32>
        %parallel_loop3A_483 = arith.mulf %parallel_loop3A_451, %parallel_loop3A_463 : vector<16xf32>
        %parallel_loop3A_484 = arith.addf %parallel_loop3A_482, %parallel_loop3A_483 : vector<16xf32>
        %parallel_loop3A_485 = arith.constant true
        %parallel_loop3A_486 = vector.broadcast %parallel_loop3A_485 : i1 to vector<16xi1>
        %parallel_loop3A_487 = tpu.scan <sum>, %parallel_loop3A_484 masked %parallel_loop3A_486 : vector<16xf32>, vector<16xi1> -> vector<16xf32>
        %parallel_loop3A_488 = vector.extract %parallel_loop3A_487[15] : f32 from vector<16xf32>
        %parallel_loop3A_489 = vector.broadcast %parallel_loop3A_488 : f32 to vector<16xf32>
        %parallel_loop3A_490 = math.exp %parallel_loop3A_489 : vector<16xf32>
        %parallel_loop3A_491 = arith.mulf %parallel_loop3A_454, %parallel_loop3A_460 : vector<16xf32>
        %parallel_loop3A_492 = arith.mulf %parallel_loop3A_457, %parallel_loop3A_463 : vector<16xf32>
        %parallel_loop3A_493 = arith.addf %parallel_loop3A_491, %parallel_loop3A_492 : vector<16xf32>
        %parallel_loop3A_494 = arith.constant true
        %parallel_loop3A_495 = vector.broadcast %parallel_loop3A_494 : i1 to vector<16xi1>
        %parallel_loop3A_496 = tpu.scan <sum>, %parallel_loop3A_493 masked %parallel_loop3A_495 : vector<16xf32>, vector<16xi1> -> vector<16xf32>
        %parallel_loop3A_497 = vector.extract %parallel_loop3A_496[15] : f32 from vector<16xf32>
        %parallel_loop3A_498 = vector.broadcast %parallel_loop3A_497 : f32 to vector<16xf32>
        %parallel_loop3A_499 = math.exp %parallel_loop3A_498 : vector<16xf32>
        %parallel_loop3A_500 = arith.addf %parallel_loop3A_472, %parallel_loop3A_481 : vector<16xf32>
        %parallel_loop3A_501 = arith.addf %parallel_loop3A_490, %parallel_loop3A_499 : vector<16xf32>
        %parallel_loop3A_502 = arith.addf %parallel_loop3A_500, %parallel_loop3A_501 : vector<16xf32>
        %parallel_loop3A_503 = arith.constant 1.000000e+00 : f32
        %parallel_loop3A_504 = vector.broadcast %parallel_loop3A_503 : f32 to vector<16xf32>
        %parallel_loop3A_505 = arith.divf %parallel_loop3A_504, %parallel_loop3A_502 : vector<16xf32>
        %parallel_loop3A_506 = arith.mulf %parallel_loop3A_472, %parallel_loop3A_505 : vector<16xf32>
        %parallel_loop3A_507 = arith.mulf %parallel_loop3A_506, %parallel_loop3A_436 : vector<16xf32>
        %parallel_loop3A_508 = arith.index_cast %parallel_loop3A_433 : i32 to index
        %parallel_loop3A_509 = arith.constant 0 : index
        %parallel_loop3A_510 = tpu.vector_load %arg14[%parallel_loop3A_508, %parallel_loop3A_509] {strides = array<i32>} : memref<64x128xf32, #tpu.memory_space<vmem>>, vector<16xf32>,
        tpu.vector_store %arg14[%parallel_loop3A_508, %parallel_loop3A_509], %parallel_loop3A_507 {strides = array<i32>} : memref<64x128xf32, #tpu.memory_space<vmem>>, vector<16xf32>,
        %parallel_loop3A_511 = arith.mulf %parallel_loop3A_506, %parallel_loop3A_439 : vector<16xf32>
        %parallel_loop3A_512 = arith.index_cast %parallel_loop3A_433 : i32 to index
        %parallel_loop3A_513 = arith.constant 16 : index
        %parallel_loop3A_514 = tpu.vector_load %arg14[%parallel_loop3A_512, %parallel_loop3A_513] {strides = array<i32>} : memref<64x128xf32, #tpu.memory_space<vmem>>, vector<16xf32>,
        tpu.vector_store %arg14[%parallel_loop3A_512, %parallel_loop3A_513], %parallel_loop3A_511 {strides = array<i32>} : memref<64x128xf32, #tpu.memory_space<vmem>>, vector<16xf32>,
        %parallel_loop3A_515 = arith.mulf %parallel_loop3A_481, %parallel_loop3A_505 : vector<16xf32>
        %parallel_loop3A_516 = arith.mulf %parallel_loop3A_515, %parallel_loop3A_442 : vector<16xf32>
        %parallel_loop3A_517 = arith.index_cast %parallel_loop3A_433 : i32 to index
        %parallel_loop3A_518 = arith.constant 32 : index
        %parallel_loop3A_519 = tpu.vector_load %arg14[%parallel_loop3A_517, %parallel_loop3A_518] {strides = array<i32>} : memref<64x128xf32, #tpu.memory_space<vmem>>, vector<16xf32>,
        tpu.vector_store %arg14[%parallel_loop3A_517, %parallel_loop3A_518], %parallel_loop3A_516 {strides = array<i32>} : memref<64x128xf32, #tpu.memory_space<vmem>>, vector<16xf32>,
        %parallel_loop3A_520 = arith.mulf %parallel_loop3A_515, %parallel_loop3A_445 : vector<16xf32>
        %parallel_loop3A_521 = arith.index_cast %parallel_loop3A_433 : i32 to index
        %parallel_loop3A_522 = arith.constant 48 : index
        %parallel_loop3A_523 = tpu.vector_load %arg14[%parallel_loop3A_521, %parallel_loop3A_522] {strides = array<i32>} : memref<64x128xf32, #tpu.memory_space<vmem>>, vector<16xf32>,
        tpu.vector_store %arg14[%parallel_loop3A_521, %parallel_loop3A_522], %parallel_loop3A_520 {strides = array<i32>} : memref<64x128xf32, #tpu.memory_space<vmem>>, vector<16xf32>,
        %parallel_loop3A_524 = arith.mulf %parallel_loop3A_490, %parallel_loop3A_505 : vector<16xf32>
        %parallel_loop3A_525 = arith.mulf %parallel_loop3A_524, %parallel_loop3A_448 : vector<16xf32>
        %parallel_loop3A_526 = arith.index_cast %parallel_loop3A_433 : i32 to index
        %parallel_loop3A_527 = arith.constant 64 : index
        %parallel_loop3A_528 = tpu.vector_load %arg14[%parallel_loop3A_526, %parallel_loop3A_527] {strides = array<i32>} : memref<64x128xf32, #tpu.memory_space<vmem>>, vector<16xf32>,
        tpu.vector_store %arg14[%parallel_loop3A_526, %parallel_loop3A_527], %parallel_loop3A_525 {strides = array<i32>} : memref<64x128xf32, #tpu.memory_space<vmem>>, vector<16xf32>,
        %parallel_loop3A_529 = arith.mulf %parallel_loop3A_524, %parallel_loop3A_451 : vector<16xf32>
        %parallel_loop3A_530 = arith.index_cast %parallel_loop3A_433 : i32 to index
        %parallel_loop3A_531 = arith.constant 80 : index
        %parallel_loop3A_532 = tpu.vector_load %arg14[%parallel_loop3A_530, %parallel_loop3A_531] {strides = array<i32>} : memref<64x128xf32, #tpu.memory_space<vmem>>, vector<16xf32>,
        tpu.vector_store %arg14[%parallel_loop3A_530, %parallel_loop3A_531], %parallel_loop3A_529 {strides = array<i32>} : memref<64x128xf32, #tpu.memory_space<vmem>>, vector<16xf32>,
        %parallel_loop3A_533 = arith.mulf %parallel_loop3A_499, %parallel_loop3A_505 : vector<16xf32>
        %parallel_loop3A_534 = arith.mulf %parallel_loop3A_533, %parallel_loop3A_454 : vector<16xf32>
        %parallel_loop3A_535 = arith.index_cast %parallel_loop3A_433 : i32 to index
        %parallel_loop3A_536 = arith.constant 96 : index
        %parallel_loop3A_537 = tpu.vector_load %arg14[%parallel_loop3A_535, %parallel_loop3A_536] {strides = array<i32>} : memref<64x128xf32, #tpu.memory_space<vmem>>, vector<16xf32>,
        tpu.vector_store %arg14[%parallel_loop3A_535, %parallel_loop3A_536], %parallel_loop3A_534 {strides = array<i32>} : memref<64x128xf32, #tpu.memory_space<vmem>>, vector<16xf32>,
        %parallel_loop3A_538 = arith.mulf %parallel_loop3A_533, %parallel_loop3A_457 : vector<16xf32>
        %parallel_loop3A_539 = arith.index_cast %parallel_loop3A_433 : i32 to index
        %parallel_loop3A_540 = arith.constant 112 : index
        %parallel_loop3A_541 = tpu.vector_load %arg14[%parallel_loop3A_539, %parallel_loop3A_540] {strides = array<i32>} : memref<64x128xf32, #tpu.memory_space<vmem>>, vector<16xf32>,
        tpu.vector_store %arg14[%parallel_loop3A_539, %parallel_loop3A_540], %parallel_loop3A_538 {strides = array<i32>} : memref<64x128xf32, #tpu.memory_space<vmem>>, vector<16xf32>,
      } {sc.loop_unroll_factor = 2 : i64, sc.parallel_access}
      %dma_start3A_357 = arith.constant 0 : i32
      %dma_start3A_358 = arith.constant 0 : i32
      %dma_start3A_359 = tpu.memref_slice %arg16[%dma_start3A_357, %dma_start3A_358] : memref<10000x128xf32, #tpu.memory_space<vmem_shared>> -> memref<10000x128xf32, #tpu.memory_space<vmem_shared>>
      tpu.enqueue_indirect_dma source(%arg14 : memref<64x128xf32, #tpu.memory_space<vmem>>) target(%dma_start3A_359 : memref<10000x128xf32, #tpu.memory_space<vmem_shared>>) offsets(%arg8 : memref<64xi32, #tpu.memory_space<vmem>>) semaphore(%arg22 : memref<!tpu.dma_semaphore, #tpu.memory_space<semaphore_mem>>) {add = true}
      %eq3A_360 = arith.constant 0 : i32
      %eq3A_361 = arith.cmpi eq, %rem3A_329, %eq3A_360 : i32
      %add3A_362 = arith.constant 1 : i32
      %add3A_363 = arith.addi %add3A_327, %add3A_362 : i32
      %lt3A_364 = arith.constant 78 : i32
      %lt3A_365 = arith.cmpi slt, %add3A_363, %lt3A_364 : i32
      %and3A_366 = arith.andi %eq3A_361, %lt3A_365 : i1
      %convert_element_type3A_367 = arith.extui %and3A_366 : i1 to i32
      %cond3A_368 = arith.constant 0 : i32
      %cond3A_369 = arith.cmpi ne, %convert_element_type3A_367, %cond3A_368 : i32
      scf.if %cond3A_369 {
        %dma_wait3A_433 = arith.constant 0 : i32
        %dma_wait3A_434 = arith.constant 0 : i32
        %dma_wait3A_435 = tpu.memref_slice %arg4[%dma_wait3A_433, %dma_wait3A_434] : memref<2x320000xi32, #tpu.memory_space<hbm>> -> memref<2x128xi32, #tpu.memory_space<hbm>>
        %dma_wait3A_436 = arith.constant 0 : i32
        %dma_wait3A_437 = arith.constant 0 : i32
        %dma_wait3A_438 = tpu.memref_slice %arg4[%dma_wait3A_436, %dma_wait3A_437] : memref<2x320000xi32, #tpu.memory_space<hbm>> -> memref<2x128xi32, #tpu.memory_space<hbm>>
        tpu.wait_dma2 semaphore(%arg17 : memref<!tpu.dma_semaphore, #tpu.memory_space<semaphore_mem>>) src(%dma_wait3A_438 : memref<2x128xi32, #tpu.memory_space<hbm>>) dst(%arg7 : memref<2x128xi32, #tpu.memory_space<vmem>>)
        %dma_start3A_439 = arith.constant 0 : i32
        %dma_start3A_440 = arith.constant 0 : i32
        %dma_start3A_441 = tpu.memref_slice %arg7[%dma_start3A_439, %dma_start3A_440] : memref<2x128xi32, #tpu.memory_space<vmem>> -> memref<1x64xi32, #tpu.memory_space<vmem>>
        %dma_start3A_442 = tpu.memref_squeeze %dma_start3A_441 : memref<1x64xi32, #tpu.memory_space<vmem>> -> memref<64xi32, #tpu.memory_space<vmem>>
        %dma_start3A_443 = arith.constant 0 : i32
        %dma_start3A_444 = arith.constant 0 : i32
        %dma_start3A_445 = tpu.memref_slice %arg2[%dma_start3A_443, %dma_start3A_444] : memref<10000x128xf32, #tpu.memory_space<hbm>> -> memref<10000x128xf32, #tpu.memory_space<hbm>>
        tpu.enqueue_indirect_dma source(%dma_start3A_445 : memref<10000x128xf32, #tpu.memory_space<hbm>>) target(%arg10 : memref<64x128xf32, #tpu.memory_space<vmem>>) offsets(%dma_start3A_442 : memref<64xi32, #tpu.memory_space<vmem>>) semaphore(%arg18 : memref<!tpu.dma_semaphore, #tpu.memory_space<semaphore_mem>>)
        %dma_start3A_446 = arith.constant 1 : i32
        %dma_start3A_447 = arith.constant 0 : i32
        %dma_start3A_448 = tpu.memref_slice %arg7[%dma_start3A_446, %dma_start3A_447] : memref<2x128xi32, #tpu.memory_space<vmem>> -> memref<1x64xi32, #tpu.memory_space<vmem>>
        %dma_start3A_449 = tpu.memref_squeeze %dma_start3A_448 : memref<1x64xi32, #tpu.memory_space<vmem>> -> memref<64xi32, #tpu.memory_space<vmem>>
        %dma_start3A_450 = arith.constant 0 : i32
        %dma_start3A_451 = arith.constant 0 : i32
        %dma_start3A_452 = tpu.memref_slice %arg3[%dma_start3A_450, %dma_start3A_451] : memref<10000x128xf32, #tpu.memory_space<hbm>> -> memref<10000x128xf32, #tpu.memory_space<hbm>>
        tpu.enqueue_indirect_dma source(%dma_start3A_452 : memref<10000x128xf32, #tpu.memory_space<hbm>>) target(%arg12 : memref<64x128xf32, #tpu.memory_space<vmem>>) offsets(%dma_start3A_449 : memref<64xi32, #tpu.memory_space<vmem>>) semaphore(%arg20 : memref<!tpu.dma_semaphore, #tpu.memory_space<semaphore_mem>>)
      } else {
      }
      %eq3A_370 = arith.constant 1 : i32
      %eq3A_371 = arith.cmpi eq, %rem3A_329, %eq3A_370 : i32
      %add3A_372 = arith.constant 1 : i32
      %add3A_373 = arith.addi %add3A_327, %add3A_372 : i32
      %lt3A_374 = arith.constant 78 : i32
      %lt3A_375 = arith.cmpi slt, %add3A_373, %lt3A_374 : i32
      %and3A_376 = arith.andi %eq3A_371, %lt3A_375 : i1
      %convert_element_type3A_377 = arith.extui %and3A_376 : i1 to i32
      %cond3A_378 = arith.constant 0 : i32
      %cond3A_379 = arith.cmpi ne, %convert_element_type3A_377, %cond3A_378 : i32
      scf.if %cond3A_379 {
        %dma_wait3A_433 = arith.constant 0 : i32
        %dma_wait3A_434 = arith.constant 0 : i32
        %dma_wait3A_435 = tpu.memref_slice %arg4[%dma_wait3A_433, %dma_wait3A_434] : memref<2x320000xi32, #tpu.memory_space<hbm>> -> memref<2x128xi32, #tpu.memory_space<hbm>>
        %dma_wait3A_436 = arith.constant 0 : i32
        %dma_wait3A_437 = arith.constant 0 : i32
        %dma_wait3A_438 = tpu.memref_slice %arg4[%dma_wait3A_436, %dma_wait3A_437] : memref<2x320000xi32, #tpu.memory_space<hbm>> -> memref<2x128xi32, #tpu.memory_space<hbm>>
        tpu.wait_dma2 semaphore(%arg17 : memref<!tpu.dma_semaphore, #tpu.memory_space<semaphore_mem>>) src(%dma_wait3A_438 : memref<2x128xi32, #tpu.memory_space<hbm>>) dst(%arg6 : memref<2x128xi32, #tpu.memory_space<vmem>>)
        %dma_start3A_439 = arith.constant 0 : i32
        %dma_start3A_440 = arith.constant 0 : i32
        %dma_start3A_441 = tpu.memref_slice %arg6[%dma_start3A_439, %dma_start3A_440] : memref<2x128xi32, #tpu.memory_space<vmem>> -> memref<1x64xi32, #tpu.memory_space<vmem>>
        %dma_start3A_442 = tpu.memref_squeeze %dma_start3A_441 : memref<1x64xi32, #tpu.memory_space<vmem>> -> memref<64xi32, #tpu.memory_space<vmem>>
        %dma_start3A_443 = arith.constant 0 : i32
        %dma_start3A_444 = arith.constant 0 : i32
        %dma_start3A_445 = tpu.memref_slice %arg2[%dma_start3A_443, %dma_start3A_444] : memref<10000x128xf32, #tpu.memory_space<hbm>> -> memref<10000x128xf32, #tpu.memory_space<hbm>>
        tpu.enqueue_indirect_dma source(%dma_start3A_445 : memref<10000x128xf32, #tpu.memory_space<hbm>>) target(%arg10 : memref<64x128xf32, #tpu.memory_space<vmem>>) offsets(%dma_start3A_442 : memref<64xi32, #tpu.memory_space<vmem>>) semaphore(%arg18 : memref<!tpu.dma_semaphore, #tpu.memory_space<semaphore_mem>>)
        %dma_start3A_446 = arith.constant 1 : i32
        %dma_start3A_447 = arith.constant 0 : i32
        %dma_start3A_448 = tpu.memref_slice %arg6[%dma_start3A_446, %dma_start3A_447] : memref<2x128xi32, #tpu.memory_space<vmem>> -> memref<1x64xi32, #tpu.memory_space<vmem>>
        %dma_start3A_449 = tpu.memref_squeeze %dma_start3A_448 : memref<1x64xi32, #tpu.memory_space<vmem>> -> memref<64xi32, #tpu.memory_space<vmem>>
        %dma_start3A_450 = arith.constant 0 : i32
        %dma_start3A_451 = arith.constant 0 : i32
        %dma_start3A_452 = tpu.memref_slice %arg3[%dma_start3A_450, %dma_start3A_451] : memref<10000x128xf32, #tpu.memory_space<hbm>> -> memref<10000x128xf32, #tpu.memory_space<hbm>>
        tpu.enqueue_indirect_dma source(%dma_start3A_452 : memref<10000x128xf32, #tpu.memory_space<hbm>>) target(%arg12 : memref<64x128xf32, #tpu.memory_space<vmem>>) offsets(%dma_start3A_449 : memref<64xi32, #tpu.memory_space<vmem>>) semaphore(%arg20 : memref<!tpu.dma_semaphore, #tpu.memory_space<semaphore_mem>>)
      } else {
      }
      %ge3A_380 = arith.constant 1 : i32
      %ge3A_381 = arith.cmpi sge, %add3A_327, %ge3A_380 : i32
      %convert_element_type3A_382 = arith.extui %ge3A_381 : i1 to i32
      %cond3A_383 = arith.constant 0 : i32
      %cond3A_384 = arith.cmpi ne, %convert_element_type3A_382, %cond3A_383 : i32
      scf.if %cond3A_384 {
        %dma_wait3A_433 = arith.constant 0 : i32
        %dma_wait3A_434 = arith.constant 0 : i32
        %dma_wait3A_435 = tpu.memref_slice %arg2[%dma_wait3A_433, %dma_wait3A_434] : memref<10000x128xf32, #tpu.memory_space<hbm>> -> memref<64x128xf32, #tpu.memory_space<hbm>>
        %dma_wait3A_436 = arith.constant 0 : i32
        %dma_wait3A_437 = arith.constant 0 : i32
        %dma_wait3A_438 = tpu.memref_slice %arg2[%dma_wait3A_436, %dma_wait3A_437] : memref<10000x128xf32, #tpu.memory_space<hbm>> -> memref<64x128xf32, #tpu.memory_space<hbm>>
        tpu.wait_dma2 semaphore(%arg23 : memref<!tpu.dma_semaphore, #tpu.memory_space<semaphore_mem>>) src(%dma_wait3A_438 : memref<64x128xf32, #tpu.memory_space<hbm>>) dst(%arg15 : memref<64x128xf32, #tpu.memory_space<vmem>>)
      } else {
      }
      %dma_wait3A_385 = arith.constant 0 : i32
      %dma_wait3A_386 = arith.constant 0 : i32
      %dma_wait3A_387 = tpu.memref_slice %arg2[%dma_wait3A_385, %dma_wait3A_386] : memref<10000x128xf32, #tpu.memory_space<hbm>> -> memref<64x128xf32, #tpu.memory_space<hbm>>
      %dma_wait3A_388 = arith.constant 0 : i32
      %dma_wait3A_389 = arith.constant 0 : i32
      %dma_wait3A_390 = tpu.memref_slice %arg2[%dma_wait3A_388, %dma_wait3A_389] : memref<10000x128xf32, #tpu.memory_space<hbm>> -> memref<64x128xf32, #tpu.memory_space<hbm>>
      tpu.wait_dma2 semaphore(%arg19 : memref<!tpu.dma_semaphore, #tpu.memory_space<semaphore_mem>>) src(%dma_wait3A_390 : memref<64x128xf32, #tpu.memory_space<hbm>>) dst(%arg11 : memref<64x128xf32, #tpu.memory_space<vmem>>)
      %dma_wait3A_391 = arith.constant 0 : i32
      %dma_wait3A_392 = arith.constant 0 : i32
      %dma_wait3A_393 = tpu.memref_slice %arg3[%dma_wait3A_391, %dma_wait3A_392] : memref<10000x128xf32, #tpu.memory_space<hbm>> -> memref<64x128xf32, #tpu.memory_space<hbm>>
      %dma_wait3A_394 = arith.constant 0 : i32
      %dma_wait3A_395 = arith.constant 0 : i32
      %dma_wait3A_396 = tpu.memref_slice %arg3[%dma_wait3A_394, %dma_wait3A_395] : memref<10000x128xf32, #tpu.memory_space<hbm>> -> memref<64x128xf32, #tpu.memory_space<hbm>>
      tpu.wait_dma2 semaphore(%arg21 : memref<!tpu.dma_semaphore, #tpu.memory_space<semaphore_mem>>) src(%dma_wait3A_396 : memref<64x128xf32, #tpu.memory_space<hbm>>) dst(%arg13 : memref<64x128xf32, #tpu.memory_space<vmem>>)
      %eq3A_397 = arith.constant 0 : i32
      %eq3A_398 = arith.cmpi eq, %rem3A_329, %eq3A_397 : i32
      %convert_element_type3A_399 = arith.extui %eq3A_398 : i1 to i32
      %cond3A_400 = arith.constant 0 : i32
      %cond3A_401 = arith.cmpi ne, %convert_element_type3A_399, %cond3A_400 : i32
      scf.if %cond3A_401 {
        %get3A = arith.constant 1 : i32
        %get3A_433 = arith.index_cast %get3A : i32 to index
        %get3A_434 = arith.constant 64 : index
        %get3A_435 = tpu.vector_load %arg6[%get3A_433, %get3A_434] {strides = array<i32>} : memref<2x128xi32, #tpu.memory_space<vmem>>, vector<16xi32>,
        %swap3A = arith.constant 0 : index
        %swap3A_436 = tpu.vector_load %arg9[%swap3A] {strides = array<i32>} : memref<64xi32, #tpu.memory_space<vmem>>, vector<16xi32>,
        tpu.vector_store %arg9[%swap3A], %get3A_435 {strides = array<i32>} : memref<64xi32, #tpu.memory_space<vmem>>, vector<16xi32>,
        %get3A_437 = arith.constant 1 : i32
        %get3A_438 = arith.index_cast %get3A_437 : i32 to index
        %get3A_439 = arith.constant 80 : index
        %get3A_440 = tpu.vector_load %arg6[%get3A_438, %get3A_439] {strides = array<i32>} : memref<2x128xi32, #tpu.memory_space<vmem>>, vector<16xi32>,
        %swap3A_441 = arith.constant 16 : index
        %swap3A_442 = tpu.vector_load %arg9[%swap3A_441] {strides = array<i32>} : memref<64xi32, #tpu.memory_space<vmem>>, vector<16xi32>,
        tpu.vector_store %arg9[%swap3A_441], %get3A_440 {strides = array<i32>} : memref<64xi32, #tpu.memory_space<vmem>>, vector<16xi32>,
        %get3A_443 = arith.constant 1 : i32
        %get3A_444 = arith.index_cast %get3A_443 : i32 to index
        %get3A_445 = arith.constant 96 : index
        %get3A_446 = tpu.vector_load %arg6[%get3A_444, %get3A_445] {strides = array<i32>} : memref<2x128xi32, #tpu.memory_space<vmem>>, vector<16xi32>,
        %swap3A_447 = arith.constant 32 : index
        %swap3A_448 = tpu.vector_load %arg9[%swap3A_447] {strides = array<i32>} : memref<64xi32, #tpu.memory_space<vmem>>, vector<16xi32>,
        tpu.vector_store %arg9[%swap3A_447], %get3A_446 {strides = array<i32>} : memref<64xi32, #tpu.memory_space<vmem>>, vector<16xi32>,
        %get3A_449 = arith.constant 1 : i32
        %get3A_450 = arith.index_cast %get3A_449 : i32 to index
        %get3A_451 = arith.constant 112 : index
        %get3A_452 = tpu.vector_load %arg6[%get3A_450, %get3A_451] {strides = array<i32>} : memref<2x128xi32, #tpu.memory_space<vmem>>, vector<16xi32>,
        %swap3A_453 = arith.constant 48 : index
        %swap3A_454 = tpu.vector_load %arg9[%swap3A_453] {strides = array<i32>} : memref<64xi32, #tpu.memory_space<vmem>>, vector<16xi32>,
        tpu.vector_store %arg9[%swap3A_453], %get3A_452 {strides = array<i32>} : memref<64xi32, #tpu.memory_space<vmem>>, vector<16xi32>,
      } else {
      }
      %eq3A_402 = arith.constant 1 : i32
      %eq3A_403 = arith.cmpi eq, %rem3A_329, %eq3A_402 : i32
      %convert_element_type3A_404 = arith.extui %eq3A_403 : i1 to i32
      %cond3A_405 = arith.constant 0 : i32
      %cond3A_406 = arith.cmpi ne, %convert_element_type3A_404, %cond3A_405 : i32
      scf.if %cond3A_406 {
        %get3A = arith.constant 1 : i32
        %get3A_433 = arith.index_cast %get3A : i32 to index
        %get3A_434 = arith.constant 64 : index
        %get3A_435 = tpu.vector_load %arg7[%get3A_433, %get3A_434] {strides = array<i32>} : memref<2x128xi32, #tpu.memory_space<vmem>>, vector<16xi32>,
        %swap3A = arith.constant 0 : index
        %swap3A_436 = tpu.vector_load %arg9[%swap3A] {strides = array<i32>} : memref<64xi32, #tpu.memory_space<vmem>>, vector<16xi32>,
        tpu.vector_store %arg9[%swap3A], %get3A_435 {strides = array<i32>} : memref<64xi32, #tpu.memory_space<vmem>>, vector<16xi32>,
        %get3A_437 = arith.constant 1 : i32
        %get3A_438 = arith.index_cast %get3A_437 : i32 to index
        %get3A_439 = arith.constant 80 : index
        %get3A_440 = tpu.vector_load %arg7[%get3A_438, %get3A_439] {strides = array<i32>} : memref<2x128xi32, #tpu.memory_space<vmem>>, vector<16xi32>,
        %swap3A_441 = arith.constant 16 : index
        %swap3A_442 = tpu.vector_load %arg9[%swap3A_441] {strides = array<i32>} : memref<64xi32, #tpu.memory_space<vmem>>, vector<16xi32>,
        tpu.vector_store %arg9[%swap3A_441], %get3A_440 {strides = array<i32>} : memref<64xi32, #tpu.memory_space<vmem>>, vector<16xi32>,
        %get3A_443 = arith.constant 1 : i32
        %get3A_444 = arith.index_cast %get3A_443 : i32 to index
        %get3A_445 = arith.constant 96 : index
        %get3A_446 = tpu.vector_load %arg7[%get3A_444, %get3A_445] {strides = array<i32>} : memref<2x128xi32, #tpu.memory_space<vmem>>, vector<16xi32>,
        %swap3A_447 = arith.constant 32 : index
        %swap3A_448 = tpu.vector_load %arg9[%swap3A_447] {strides = array<i32>} : memref<64xi32, #tpu.memory_space<vmem>>, vector<16xi32>,
        tpu.vector_store %arg9[%swap3A_447], %get3A_446 {strides = array<i32>} : memref<64xi32, #tpu.memory_space<vmem>>, vector<16xi32>,
        %get3A_449 = arith.constant 1 : i32
        %get3A_450 = arith.index_cast %get3A_449 : i32 to index
        %get3A_451 = arith.constant 112 : index
        %get3A_452 = tpu.vector_load %arg7[%get3A_450, %get3A_451] {strides = array<i32>} : memref<2x128xi32, #tpu.memory_space<vmem>>, vector<16xi32>,
        %swap3A_453 = arith.constant 48 : index
        %swap3A_454 = tpu.vector_load %arg9[%swap3A_453] {strides = array<i32>} : memref<64xi32, #tpu.memory_space<vmem>>, vector<16xi32>,
        tpu.vector_store %arg9[%swap3A_453], %get3A_452 {strides = array<i32>} : memref<64xi32, #tpu.memory_space<vmem>>, vector<16xi32>,
      } else {
      }
      %parallel_loop3A_407 = arith.constant 0 : i32
      %parallel_loop3A_408 = arith.constant 64 : i32
      %parallel_loop3A_409 = arith.constant 1 : i32
      scf.for %parallel_loop3A_433 = %parallel_loop3A_407 to %parallel_loop3A_408 step %parallel_loop3A_409  : i32 {
        %parallel_loop3A_434 = arith.index_cast %parallel_loop3A_433 : i32 to index
        %parallel_loop3A_435 = arith.constant 0 : index
        %parallel_loop3A_436 = tpu.vector_load %arg11[%parallel_loop3A_434, %parallel_loop3A_435] {strides = array<i32>} : memref<64x128xf32, #tpu.memory_space<vmem>>, vector<16xf32>,
        %parallel_loop3A_437 = arith.index_cast %parallel_loop3A_433 : i32 to index
        %parallel_loop3A_438 = arith.constant 16 : index
        %parallel_loop3A_439 = tpu.vector_load %arg11[%parallel_loop3A_437, %parallel_loop3A_438] {strides = array<i32>} : memref<64x128xf32, #tpu.memory_space<vmem>>, vector<16xf32>,
        %parallel_loop3A_440 = arith.index_cast %parallel_loop3A_433 : i32 to index
        %parallel_loop3A_441 = arith.constant 32 : index
        %parallel_loop3A_442 = tpu.vector_load %arg11[%parallel_loop3A_440, %parallel_loop3A_441] {strides = array<i32>} : memref<64x128xf32, #tpu.memory_space<vmem>>, vector<16xf32>,
        %parallel_loop3A_443 = arith.index_cast %parallel_loop3A_433 : i32 to index
        %parallel_loop3A_444 = arith.constant 48 : index
        %parallel_loop3A_445 = tpu.vector_load %arg11[%parallel_loop3A_443, %parallel_loop3A_444] {strides = array<i32>} : memref<64x128xf32, #tpu.memory_space<vmem>>, vector<16xf32>,
        %parallel_loop3A_446 = arith.index_cast %parallel_loop3A_433 : i32 to index
        %parallel_loop3A_447 = arith.constant 64 : index
        %parallel_loop3A_448 = tpu.vector_load %arg11[%parallel_loop3A_446, %parallel_loop3A_447] {strides = array<i32>} : memref<64x128xf32, #tpu.memory_space<vmem>>, vector<16xf32>,
        %parallel_loop3A_449 = arith.index_cast %parallel_loop3A_433 : i32 to index
        %parallel_loop3A_450 = arith.constant 80 : index
        %parallel_loop3A_451 = tpu.vector_load %arg11[%parallel_loop3A_449, %parallel_loop3A_450] {strides = array<i32>} : memref<64x128xf32, #tpu.memory_space<vmem>>, vector<16xf32>,
        %parallel_loop3A_452 = arith.index_cast %parallel_loop3A_433 : i32 to index
        %parallel_loop3A_453 = arith.constant 96 : index
        %parallel_loop3A_454 = tpu.vector_load %arg11[%parallel_loop3A_452, %parallel_loop3A_453] {strides = array<i32>} : memref<64x128xf32, #tpu.memory_space<vmem>>, vector<16xf32>,
        %parallel_loop3A_455 = arith.index_cast %parallel_loop3A_433 : i32 to index
        %parallel_loop3A_456 = arith.constant 112 : index
        %parallel_loop3A_457 = tpu.vector_load %arg11[%parallel_loop3A_455, %parallel_loop3A_456] {strides = array<i32>} : memref<64x128xf32, #tpu.memory_space<vmem>>, vector<16xf32>,
        %parallel_loop3A_458 = arith.index_cast %parallel_loop3A_433 : i32 to index
        %parallel_loop3A_459 = arith.constant 0 : index
        %parallel_loop3A_460 = tpu.vector_load %arg13[%parallel_loop3A_458, %parallel_loop3A_459] {strides = array<i32>} : memref<64x128xf32, #tpu.memory_space<vmem>>, vector<16xf32>,
        %parallel_loop3A_461 = arith.index_cast %parallel_loop3A_433 : i32 to index
        %parallel_loop3A_462 = arith.constant 16 : index
        %parallel_loop3A_463 = tpu.vector_load %arg13[%parallel_loop3A_461, %parallel_loop3A_462] {strides = array<i32>} : memref<64x128xf32, #tpu.memory_space<vmem>>, vector<16xf32>,
        %parallel_loop3A_464 = arith.mulf %parallel_loop3A_436, %parallel_loop3A_460 : vector<16xf32>
        %parallel_loop3A_465 = arith.mulf %parallel_loop3A_439, %parallel_loop3A_463 : vector<16xf32>
        %parallel_loop3A_466 = arith.addf %parallel_loop3A_464, %parallel_loop3A_465 : vector<16xf32>
        %parallel_loop3A_467 = arith.constant true
        %parallel_loop3A_468 = vector.broadcast %parallel_loop3A_467 : i1 to vector<16xi1>
        %parallel_loop3A_469 = tpu.scan <sum>, %parallel_loop3A_466 masked %parallel_loop3A_468 : vector<16xf32>, vector<16xi1> -> vector<16xf32>
        %parallel_loop3A_470 = vector.extract %parallel_loop3A_469[15] : f32 from vector<16xf32>
        %parallel_loop3A_471 = vector.broadcast %parallel_loop3A_470 : f32 to vector<16xf32>
        %parallel_loop3A_472 = math.exp %parallel_loop3A_471 : vector<16xf32>
        %parallel_loop3A_473 = arith.mulf %parallel_loop3A_442, %parallel_loop3A_460 : vector<16xf32>
        %parallel_loop3A_474 = arith.mulf %parallel_loop3A_445, %parallel_loop3A_463 : vector<16xf32>
        %parallel_loop3A_475 = arith.addf %parallel_loop3A_473, %parallel_loop3A_474 : vector<16xf32>
        %parallel_loop3A_476 = arith.constant true
        %parallel_loop3A_477 = vector.broadcast %parallel_loop3A_476 : i1 to vector<16xi1>
        %parallel_loop3A_478 = tpu.scan <sum>, %parallel_loop3A_475 masked %parallel_loop3A_477 : vector<16xf32>, vector<16xi1> -> vector<16xf32>
        %parallel_loop3A_479 = vector.extract %parallel_loop3A_478[15] : f32 from vector<16xf32>
        %parallel_loop3A_480 = vector.broadcast %parallel_loop3A_479 : f32 to vector<16xf32>
        %parallel_loop3A_481 = math.exp %parallel_loop3A_480 : vector<16xf32>
        %parallel_loop3A_482 = arith.mulf %parallel_loop3A_448, %parallel_loop3A_460 : vector<16xf32>
        %parallel_loop3A_483 = arith.mulf %parallel_loop3A_451, %parallel_loop3A_463 : vector<16xf32>
        %parallel_loop3A_484 = arith.addf %parallel_loop3A_482, %parallel_loop3A_483 : vector<16xf32>
        %parallel_loop3A_485 = arith.constant true
        %parallel_loop3A_486 = vector.broadcast %parallel_loop3A_485 : i1 to vector<16xi1>
        %parallel_loop3A_487 = tpu.scan <sum>, %parallel_loop3A_484 masked %parallel_loop3A_486 : vector<16xf32>, vector<16xi1> -> vector<16xf32>
        %parallel_loop3A_488 = vector.extract %parallel_loop3A_487[15] : f32 from vector<16xf32>
        %parallel_loop3A_489 = vector.broadcast %parallel_loop3A_488 : f32 to vector<16xf32>
        %parallel_loop3A_490 = math.exp %parallel_loop3A_489 : vector<16xf32>
        %parallel_loop3A_491 = arith.mulf %parallel_loop3A_454, %parallel_loop3A_460 : vector<16xf32>
        %parallel_loop3A_492 = arith.mulf %parallel_loop3A_457, %parallel_loop3A_463 : vector<16xf32>
        %parallel_loop3A_493 = arith.addf %parallel_loop3A_491, %parallel_loop3A_492 : vector<16xf32>
        %parallel_loop3A_494 = arith.constant true
        %parallel_loop3A_495 = vector.broadcast %parallel_loop3A_494 : i1 to vector<16xi1>
        %parallel_loop3A_496 = tpu.scan <sum>, %parallel_loop3A_493 masked %parallel_loop3A_495 : vector<16xf32>, vector<16xi1> -> vector<16xf32>
        %parallel_loop3A_497 = vector.extract %parallel_loop3A_496[15] : f32 from vector<16xf32>
        %parallel_loop3A_498 = vector.broadcast %parallel_loop3A_497 : f32 to vector<16xf32>
        %parallel_loop3A_499 = math.exp %parallel_loop3A_498 : vector<16xf32>
        %parallel_loop3A_500 = arith.addf %parallel_loop3A_472, %parallel_loop3A_481 : vector<16xf32>
        %parallel_loop3A_501 = arith.addf %parallel_loop3A_490, %parallel_loop3A_499 : vector<16xf32>
        %parallel_loop3A_502 = arith.addf %parallel_loop3A_500, %parallel_loop3A_501 : vector<16xf32>
        %parallel_loop3A_503 = arith.constant 1.000000e+00 : f32
        %parallel_loop3A_504 = vector.broadcast %parallel_loop3A_503 : f32 to vector<16xf32>
        %parallel_loop3A_505 = arith.divf %parallel_loop3A_504, %parallel_loop3A_502 : vector<16xf32>
        %parallel_loop3A_506 = arith.mulf %parallel_loop3A_472, %parallel_loop3A_505 : vector<16xf32>
        %parallel_loop3A_507 = arith.mulf %parallel_loop3A_506, %parallel_loop3A_436 : vector<16xf32>
        %parallel_loop3A_508 = arith.index_cast %parallel_loop3A_433 : i32 to index
        %parallel_loop3A_509 = arith.constant 0 : index
        %parallel_loop3A_510 = tpu.vector_load %arg15[%parallel_loop3A_508, %parallel_loop3A_509] {strides = array<i32>} : memref<64x128xf32, #tpu.memory_space<vmem>>, vector<16xf32>,
        tpu.vector_store %arg15[%parallel_loop3A_508, %parallel_loop3A_509], %parallel_loop3A_507 {strides = array<i32>} : memref<64x128xf32, #tpu.memory_space<vmem>>, vector<16xf32>,
        %parallel_loop3A_511 = arith.mulf %parallel_loop3A_506, %parallel_loop3A_439 : vector<16xf32>
        %parallel_loop3A_512 = arith.index_cast %parallel_loop3A_433 : i32 to index
        %parallel_loop3A_513 = arith.constant 16 : index
        %parallel_loop3A_514 = tpu.vector_load %arg15[%parallel_loop3A_512, %parallel_loop3A_513] {strides = array<i32>} : memref<64x128xf32, #tpu.memory_space<vmem>>, vector<16xf32>,
        tpu.vector_store %arg15[%parallel_loop3A_512, %parallel_loop3A_513], %parallel_loop3A_511 {strides = array<i32>} : memref<64x128xf32, #tpu.memory_space<vmem>>, vector<16xf32>,
        %parallel_loop3A_515 = arith.mulf %parallel_loop3A_481, %parallel_loop3A_505 : vector<16xf32>
        %parallel_loop3A_516 = arith.mulf %parallel_loop3A_515, %parallel_loop3A_442 : vector<16xf32>
        %parallel_loop3A_517 = arith.index_cast %parallel_loop3A_433 : i32 to index
        %parallel_loop3A_518 = arith.constant 32 : index
        %parallel_loop3A_519 = tpu.vector_load %arg15[%parallel_loop3A_517, %parallel_loop3A_518] {strides = array<i32>} : memref<64x128xf32, #tpu.memory_space<vmem>>, vector<16xf32>,
        tpu.vector_store %arg15[%parallel_loop3A_517, %parallel_loop3A_518], %parallel_loop3A_516 {strides = array<i32>} : memref<64x128xf32, #tpu.memory_space<vmem>>, vector<16xf32>,
        %parallel_loop3A_520 = arith.mulf %parallel_loop3A_515, %parallel_loop3A_445 : vector<16xf32>
        %parallel_loop3A_521 = arith.index_cast %parallel_loop3A_433 : i32 to index
        %parallel_loop3A_522 = arith.constant 48 : index
        %parallel_loop3A_523 = tpu.vector_load %arg15[%parallel_loop3A_521, %parallel_loop3A_522] {strides = array<i32>} : memref<64x128xf32, #tpu.memory_space<vmem>>, vector<16xf32>,
        tpu.vector_store %arg15[%parallel_loop3A_521, %parallel_loop3A_522], %parallel_loop3A_520 {strides = array<i32>} : memref<64x128xf32, #tpu.memory_space<vmem>>, vector<16xf32>,
        %parallel_loop3A_524 = arith.mulf %parallel_loop3A_490, %parallel_loop3A_505 : vector<16xf32>
        %parallel_loop3A_525 = arith.mulf %parallel_loop3A_524, %parallel_loop3A_448 : vector<16xf32>
        %parallel_loop3A_526 = arith.index_cast %parallel_loop3A_433 : i32 to index
        %parallel_loop3A_527 = arith.constant 64 : index
        %parallel_loop3A_528 = tpu.vector_load %arg15[%parallel_loop3A_526, %parallel_loop3A_527] {strides = array<i32>} : memref<64x128xf32, #tpu.memory_space<vmem>>, vector<16xf32>,
        tpu.vector_store %arg15[%parallel_loop3A_526, %parallel_loop3A_527], %parallel_loop3A_525 {strides = array<i32>} : memref<64x128xf32, #tpu.memory_space<vmem>>, vector<16xf32>,
        %parallel_loop3A_529 = arith.mulf %parallel_loop3A_524, %parallel_loop3A_451 : vector<16xf32>
        %parallel_loop3A_530 = arith.index_cast %parallel_loop3A_433 : i32 to index
        %parallel_loop3A_531 = arith.constant 80 : index
        %parallel_loop3A_532 = tpu.vector_load %arg15[%parallel_loop3A_530, %parallel_loop3A_531] {strides = array<i32>} : memref<64x128xf32, #tpu.memory_space<vmem>>, vector<16xf32>,
        tpu.vector_store %arg15[%parallel_loop3A_530, %parallel_loop3A_531], %parallel_loop3A_529 {strides = array<i32>} : memref<64x128xf32, #tpu.memory_space<vmem>>, vector<16xf32>,
        %parallel_loop3A_533 = arith.mulf %parallel_loop3A_499, %parallel_loop3A_505 : vector<16xf32>
        %parallel_loop3A_534 = arith.mulf %parallel_loop3A_533, %parallel_loop3A_454 : vector<16xf32>
        %parallel_loop3A_535 = arith.index_cast %parallel_loop3A_433 : i32 to index
        %parallel_loop3A_536 = arith.constant 96 : index
        %parallel_loop3A_537 = tpu.vector_load %arg15[%parallel_loop3A_535, %parallel_loop3A_536] {strides = array<i32>} : memref<64x128xf32, #tpu.memory_space<vmem>>, vector<16xf32>,
        tpu.vector_store %arg15[%parallel_loop3A_535, %parallel_loop3A_536], %parallel_loop3A_534 {strides = array<i32>} : memref<64x128xf32, #tpu.memory_space<vmem>>, vector<16xf32>,
        %parallel_loop3A_538 = arith.mulf %parallel_loop3A_533, %parallel_loop3A_457 : vector<16xf32>
        %parallel_loop3A_539 = arith.index_cast %parallel_loop3A_433 : i32 to index
        %parallel_loop3A_540 = arith.constant 112 : index
        %parallel_loop3A_541 = tpu.vector_load %arg15[%parallel_loop3A_539, %parallel_loop3A_540] {strides = array<i32>} : memref<64x128xf32, #tpu.memory_space<vmem>>, vector<16xf32>,
        tpu.vector_store %arg15[%parallel_loop3A_539, %parallel_loop3A_540], %parallel_loop3A_538 {strides = array<i32>} : memref<64x128xf32, #tpu.memory_space<vmem>>, vector<16xf32>,
      } {sc.loop_unroll_factor = 2 : i64, sc.parallel_access}
      %dma_start3A_410 = arith.constant 0 : i32
      %dma_start3A_411 = arith.constant 0 : i32
      %dma_start3A_412 = tpu.memref_slice %arg16[%dma_start3A_410, %dma_start3A_411] : memref<10000x128xf32, #tpu.memory_space<vmem_shared>> -> memref<10000x128xf32, #tpu.memory_space<vmem_shared>>
      tpu.enqueue_indirect_dma source(%arg15 : memref<64x128xf32, #tpu.memory_space<vmem>>) target(%dma_start3A_412 : memref<10000x128xf32, #tpu.memory_space<vmem_shared>>) offsets(%arg9 : memref<64xi32, #tpu.memory_space<vmem>>) semaphore(%arg23 : memref<!tpu.dma_semaphore, #tpu.memory_space<semaphore_mem>>) {add = true}
      %eq3A_413 = arith.constant 0 : i32
      %eq3A_414 = arith.cmpi eq, %rem3A_329, %eq3A_413 : i32
      %add3A_415 = arith.constant 1 : i32
      %add3A_416 = arith.addi %add3A_327, %add3A_415 : i32
      %lt3A_417 = arith.constant 78 : i32
      %lt3A_418 = arith.cmpi slt, %add3A_416, %lt3A_417 : i32
      %and3A_419 = arith.andi %eq3A_414, %lt3A_418 : i1
      %convert_element_type3A_420 = arith.extui %and3A_419 : i1 to i32
      %cond3A_421 = arith.constant 0 : i32
      %cond3A_422 = arith.cmpi ne, %convert_element_type3A_420, %cond3A_421 : i32
      scf.if %cond3A_422 {
        %dma_start3A_433 = arith.constant 0 : i32
        %dma_start3A_434 = arith.constant 64 : i32
        %dma_start3A_435 = tpu.memref_slice %arg7[%dma_start3A_433, %dma_start3A_434] : memref<2x128xi32, #tpu.memory_space<vmem>> -> memref<1x64xi32, #tpu.memory_space<vmem>>
        %dma_start3A_436 = tpu.memref_squeeze %dma_start3A_435 : memref<1x64xi32, #tpu.memory_space<vmem>> -> memref<64xi32, #tpu.memory_space<vmem>>
        %dma_start3A_437 = arith.constant 0 : i32
        %dma_start3A_438 = arith.constant 0 : i32
        %dma_start3A_439 = tpu.memref_slice %arg2[%dma_start3A_437, %dma_start3A_438] : memref<10000x128xf32, #tpu.memory_space<hbm>> -> memref<10000x128xf32, #tpu.memory_space<hbm>>
        tpu.enqueue_indirect_dma source(%dma_start3A_439 : memref<10000x128xf32, #tpu.memory_space<hbm>>) target(%arg11 : memref<64x128xf32, #tpu.memory_space<vmem>>) offsets(%dma_start3A_436 : memref<64xi32, #tpu.memory_space<vmem>>) semaphore(%arg19 : memref<!tpu.dma_semaphore, #tpu.memory_space<semaphore_mem>>)
        %dma_start3A_440 = arith.constant 1 : i32
        %dma_start3A_441 = arith.constant 64 : i32
        %dma_start3A_442 = tpu.memref_slice %arg7[%dma_start3A_440, %dma_start3A_441] : memref<2x128xi32, #tpu.memory_space<vmem>> -> memref<1x64xi32, #tpu.memory_space<vmem>>
        %dma_start3A_443 = tpu.memref_squeeze %dma_start3A_442 : memref<1x64xi32, #tpu.memory_space<vmem>> -> memref<64xi32, #tpu.memory_space<vmem>>
        %dma_start3A_444 = arith.constant 0 : i32
        %dma_start3A_445 = arith.constant 0 : i32
        %dma_start3A_446 = tpu.memref_slice %arg3[%dma_start3A_444, %dma_start3A_445] : memref<10000x128xf32, #tpu.memory_space<hbm>> -> memref<10000x128xf32, #tpu.memory_space<hbm>>
        tpu.enqueue_indirect_dma source(%dma_start3A_446 : memref<10000x128xf32, #tpu.memory_space<hbm>>) target(%arg13 : memref<64x128xf32, #tpu.memory_space<vmem>>) offsets(%dma_start3A_443 : memref<64xi32, #tpu.memory_space<vmem>>) semaphore(%arg21 : memref<!tpu.dma_semaphore, #tpu.memory_space<semaphore_mem>>)
      } else {
      }
      %eq3A_423 = arith.constant 1 : i32
      %eq3A_424 = arith.cmpi eq, %rem3A_329, %eq3A_423 : i32
      %add3A_425 = arith.constant 1 : i32
      %add3A_426 = arith.addi %add3A_327, %add3A_425 : i32
      %lt3A_427 = arith.constant 78 : i32
      %lt3A_428 = arith.cmpi slt, %add3A_426, %lt3A_427 : i32
      %and3A_429 = arith.andi %eq3A_424, %lt3A_428 : i1
      %convert_element_type3A_430 = arith.extui %and3A_429 : i1 to i32
      %cond3A_431 = arith.constant 0 : i32
      %cond3A_432 = arith.cmpi ne, %convert_element_type3A_430, %cond3A_431 : i32
      scf.if %cond3A_432 {
        %dma_start3A_433 = arith.constant 0 : i32
        %dma_start3A_434 = arith.constant 64 : i32
        %dma_start3A_435 = tpu.memref_slice %arg6[%dma_start3A_433, %dma_start3A_434] : memref<2x128xi32, #tpu.memory_space<vmem>> -> memref<1x64xi32, #tpu.memory_space<vmem>>
        %dma_start3A_436 = tpu.memref_squeeze %dma_start3A_435 : memref<1x64xi32, #tpu.memory_space<vmem>> -> memref<64xi32, #tpu.memory_space<vmem>>
        %dma_start3A_437 = arith.constant 0 : i32
        %dma_start3A_438 = arith.constant 0 : i32
        %dma_start3A_439 = tpu.memref_slice %arg2[%dma_start3A_437, %dma_start3A_438] : memref<10000x128xf32, #tpu.memory_space<hbm>> -> memref<10000x128xf32, #tpu.memory_space<hbm>>
        tpu.enqueue_indirect_dma source(%dma_start3A_439 : memref<10000x128xf32, #tpu.memory_space<hbm>>) target(%arg11 : memref<64x128xf32, #tpu.memory_space<vmem>>) offsets(%dma_start3A_436 : memref<64xi32, #tpu.memory_space<vmem>>) semaphore(%arg19 : memref<!tpu.dma_semaphore, #tpu.memory_space<semaphore_mem>>)
        %dma_start3A_440 = arith.constant 1 : i32
        %dma_start3A_441 = arith.constant 64 : i32
        %dma_start3A_442 = tpu.memref_slice %arg6[%dma_start3A_440, %dma_start3A_441] : memref<2x128xi32, #tpu.memory_space<vmem>> -> memref<1x64xi32, #tpu.memory_space<vmem>>
        %dma_start3A_443 = tpu.memref_squeeze %dma_start3A_442 : memref<1x64xi32, #tpu.memory_space<vmem>> -> memref<64xi32, #tpu.memory_space<vmem>>
        %dma_start3A_444 = arith.constant 0 : i32
        %dma_start3A_445 = arith.constant 0 : i32
        %dma_start3A_446 = tpu.memref_slice %arg3[%dma_start3A_444, %dma_start3A_445] : memref<10000x128xf32, #tpu.memory_space<hbm>> -> memref<10000x128xf32, #tpu.memory_space<hbm>>
        tpu.enqueue_indirect_dma source(%dma_start3A_446 : memref<10000x128xf32, #tpu.memory_space<hbm>>) target(%arg13 : memref<64x128xf32, #tpu.memory_space<vmem>>) offsets(%dma_start3A_443 : memref<64xi32, #tpu.memory_space<vmem>>) semaphore(%arg21 : memref<!tpu.dma_semaphore, #tpu.memory_space<semaphore_mem>>)
      } else {
      }
    }
    %scan3A_167 = arith.constant 78 : i32
    %dma_wait3A_168 = arith.constant 0 : i32
    %dma_wait3A_169 = arith.constant 0 : i32
    %dma_wait3A_170 = tpu.memref_slice %arg2[%dma_wait3A_168, %dma_wait3A_169] : memref<10000x128xf32, #tpu.memory_space<hbm>> -> memref<64x128xf32, #tpu.memory_space<hbm>>
    %dma_wait3A_171 = arith.constant 0 : i32
    %dma_wait3A_172 = arith.constant 0 : i32
    %dma_wait3A_173 = tpu.memref_slice %arg2[%dma_wait3A_171, %dma_wait3A_172] : memref<10000x128xf32, #tpu.memory_space<hbm>> -> memref<64x128xf32, #tpu.memory_space<hbm>>
    tpu.wait_dma2 semaphore(%arg22 : memref<!tpu.dma_semaphore, #tpu.memory_space<semaphore_mem>>) src(%dma_wait3A_173 : memref<64x128xf32, #tpu.memory_space<hbm>>) dst(%arg14 : memref<64x128xf32, #tpu.memory_space<vmem>>)
    %dma_wait3A_174 = arith.constant 0 : i32
    %dma_wait3A_175 = arith.constant 0 : i32
    %dma_wait3A_176 = tpu.memref_slice %arg2[%dma_wait3A_174, %dma_wait3A_175] : memref<10000x128xf32, #tpu.memory_space<hbm>> -> memref<64x128xf32, #tpu.memory_space<hbm>>
    %dma_wait3A_177 = arith.constant 0 : i32
    %dma_wait3A_178 = arith.constant 0 : i32
    %dma_wait3A_179 = tpu.memref_slice %arg2[%dma_wait3A_177, %dma_wait3A_178] : memref<10000x128xf32, #tpu.memory_space<hbm>> -> memref<64x128xf32, #tpu.memory_space<hbm>>
    tpu.wait_dma2 semaphore(%arg23 : memref<!tpu.dma_semaphore, #tpu.memory_space<semaphore_mem>>) src(%dma_wait3A_179 : memref<64x128xf32, #tpu.memory_space<hbm>>) dst(%arg15 : memref<64x128xf32, #tpu.memory_space<vmem>>)
    %lt3A = arith.constant 8 : i32
    %lt3A_180 = arith.cmpi slt, %add3A, %lt3A : i32
    %convert_element_type3A = arith.extui %lt3A_180 : i1 to i32
    %cond3A = arith.constant 0 : i32
    %cond3A_181 = arith.cmpi ne, %convert_element_type3A, %cond3A : i32
    scf.if %cond3A_181 {
      %jit3A_323 = arith.constant 2 : i32
      %div3A_324 = arith.divsi %add3A, %jit3A_323 : i32
      %sign3A_325 = arith.constant 0 : i32
      %sign3A_326 = arith.cmpi sgt, %add3A, %sign3A_325 : i32
      %sign3A_327 = arith.extui %sign3A_326 : i1 to i32
      %sign3A_328 = arith.constant 0 : i32
      %sign3A_329 = arith.cmpi slt, %add3A, %sign3A_328 : i32
      %sign3A_330 = arith.extui %sign3A_329 : i1 to i32
      %sign3A_331 = arith.subi %sign3A_327, %sign3A_330 : i32
      %sign3A_332 = arith.constant 0 : i32
      %sign3A_333 = arith.cmpi sgt, %jit3A_323, %sign3A_332 : i32
      %sign3A_334 = arith.extui %sign3A_333 : i1 to i32
      %sign3A_335 = arith.constant 0 : i32
      %sign3A_336 = arith.cmpi slt, %jit3A_323, %sign3A_335 : i32
      %sign3A_337 = arith.extui %sign3A_336 : i1 to i32
      %sign3A_338 = arith.subi %sign3A_334, %sign3A_337 : i32
      %ne3A_339 = arith.cmpi ne, %sign3A_331, %sign3A_338 : i32
      %rem3A_340 = arith.remsi %add3A, %jit3A_323 : i32
      %ne3A_341 = arith.constant 0 : i32
      %ne3A_342 = arith.cmpi ne, %rem3A_340, %ne3A_341 : i32
      %and3A_343 = arith.andi %ne3A_339, %ne3A_342 : i1
      %sub3A_344 = arith.constant 1 : i32
      %sub3A_345 = arith.subi %div3A_324, %sub3A_344 : i32
      %select_n3A_346 = arith.select %and3A_343, %sub3A_345, %div3A_324 : i32
      %add3A_347 = arith.constant 2496 : i32
      %add3A_348 = arith.addi %add3A_347, %select_n3A_346 : i32
      %mul3A_349 = arith.constant 2 : i32
      %mul3A_350 = arith.muli %add3A_348, %mul3A_349 : i32
      %mul3A_351 = arith.constant 64 : i32
      %mul3A_352 = arith.muli %mul3A_350, %mul3A_351 : i32
      %dma_start3A_353 = arith.constant 0 : i32
      %dma_start3A_354 = tpu.memref_slice %arg4[%dma_start3A_353, %mul3A_352] : memref<2x320000xi32, #tpu.memory_space<hbm>> -> memref<2x128xi32, #tpu.memory_space<hbm>>
      %dma_start3A_355 = arith.constant 0 : i32
      %dma_start3A_356 = tpu.memref_slice %arg4[%dma_start3A_355, %mul3A_352] : memref<2x320000xi32, #tpu.memory_space<hbm>> -> memref<2x128xi32, #tpu.memory_space<hbm>>
      tpu.enqueue_dma source(%dma_start3A_356 : memref<2x128xi32, #tpu.memory_space<hbm>>) target(%arg6 : memref<2x128xi32, #tpu.memory_space<vmem>>) target_semaphore(%arg17 : memref<!tpu.dma_semaphore, #tpu.memory_space<semaphore_mem>>)
      %dma_wait3A_357 = arith.constant 0 : i32
      %dma_wait3A_358 = tpu.memref_slice %arg4[%dma_wait3A_357, %mul3A_352] : memref<2x320000xi32, #tpu.memory_space<hbm>> -> memref<2x128xi32, #tpu.memory_space<hbm>>
      %dma_wait3A_359 = arith.constant 0 : i32
      %dma_wait3A_360 = tpu.memref_slice %arg4[%dma_wait3A_359, %mul3A_352] : memref<2x320000xi32, #tpu.memory_space<hbm>> -> memref<2x128xi32, #tpu.memory_space<hbm>>
      tpu.wait_dma2 semaphore(%arg17 : memref<!tpu.dma_semaphore, #tpu.memory_space<semaphore_mem>>) src(%dma_wait3A_360 : memref<2x128xi32, #tpu.memory_space<hbm>>) dst(%arg6 : memref<2x128xi32, #tpu.memory_space<vmem>>)
      %rem3A_361 = arith.constant 2 : i32
      %rem3A_362 = arith.remsi %add3A, %rem3A_361 : i32
      %eq3A = arith.constant 0 : i32
      %eq3A_363 = arith.cmpi eq, %rem3A_362, %eq3A : i32
      %convert_element_type3A_364 = arith.extui %eq3A_363 : i1 to i32
      %cond3A_365 = arith.constant 0 : i32
      %cond3A_366 = arith.cmpi ne, %convert_element_type3A_364, %cond3A_365 : i32
      scf.if %cond3A_366 {
        %dma_start3A_385 = arith.constant 0 : i32
        %dma_start3A_386 = arith.constant 0 : i32
        %dma_start3A_387 = tpu.memref_slice %arg6[%dma_start3A_385, %dma_start3A_386] : memref<2x128xi32, #tpu.memory_space<vmem>> -> memref<1x64xi32, #tpu.memory_space<vmem>>
        %dma_start3A_388 = tpu.memref_squeeze %dma_start3A_387 : memref<1x64xi32, #tpu.memory_space<vmem>> -> memref<64xi32, #tpu.memory_space<vmem>>
        %dma_start3A_389 = arith.constant 0 : i32
        %dma_start3A_390 = arith.constant 0 : i32
        %dma_start3A_391 = tpu.memref_slice %arg2[%dma_start3A_389, %dma_start3A_390] : memref<10000x128xf32, #tpu.memory_space<hbm>> -> memref<10000x128xf32, #tpu.memory_space<hbm>>
        tpu.enqueue_indirect_dma source(%dma_start3A_391 : memref<10000x128xf32, #tpu.memory_space<hbm>>) target(%arg10 : memref<64x128xf32, #tpu.memory_space<vmem>>) offsets(%dma_start3A_388 : memref<64xi32, #tpu.memory_space<vmem>>) semaphore(%arg18 : memref<!tpu.dma_semaphore, #tpu.memory_space<semaphore_mem>>)
        %dma_start3A_392 = arith.constant 1 : i32
        %dma_start3A_393 = arith.constant 0 : i32
        %dma_start3A_394 = tpu.memref_slice %arg6[%dma_start3A_392, %dma_start3A_393] : memref<2x128xi32, #tpu.memory_space<vmem>> -> memref<1x64xi32, #tpu.memory_space<vmem>>
        %dma_start3A_395 = tpu.memref_squeeze %dma_start3A_394 : memref<1x64xi32, #tpu.memory_space<vmem>> -> memref<64xi32, #tpu.memory_space<vmem>>
        %dma_start3A_396 = arith.constant 0 : i32
        %dma_start3A_397 = arith.constant 0 : i32
        %dma_start3A_398 = tpu.memref_slice %arg3[%dma_start3A_396, %dma_start3A_397] : memref<10000x128xf32, #tpu.memory_space<hbm>> -> memref<10000x128xf32, #tpu.memory_space<hbm>>
        tpu.enqueue_indirect_dma source(%dma_start3A_398 : memref<10000x128xf32, #tpu.memory_space<hbm>>) target(%arg12 : memref<64x128xf32, #tpu.memory_space<vmem>>) offsets(%dma_start3A_395 : memref<64xi32, #tpu.memory_space<vmem>>) semaphore(%arg20 : memref<!tpu.dma_semaphore, #tpu.memory_space<semaphore_mem>>)
        %dma_wait3A_399 = arith.constant 0 : i32
        %dma_wait3A_400 = arith.constant 0 : i32
        %dma_wait3A_401 = tpu.memref_slice %arg2[%dma_wait3A_399, %dma_wait3A_400] : memref<10000x128xf32, #tpu.memory_space<hbm>> -> memref<64x128xf32, #tpu.memory_space<hbm>>
        %dma_wait3A_402 = arith.constant 0 : i32
        %dma_wait3A_403 = arith.constant 0 : i32
        %dma_wait3A_404 = tpu.memref_slice %arg2[%dma_wait3A_402, %dma_wait3A_403] : memref<10000x128xf32, #tpu.memory_space<hbm>> -> memref<64x128xf32, #tpu.memory_space<hbm>>
        tpu.wait_dma2 semaphore(%arg18 : memref<!tpu.dma_semaphore, #tpu.memory_space<semaphore_mem>>) src(%dma_wait3A_404 : memref<64x128xf32, #tpu.memory_space<hbm>>) dst(%arg10 : memref<64x128xf32, #tpu.memory_space<vmem>>)
        %dma_wait3A_405 = arith.constant 0 : i32
        %dma_wait3A_406 = arith.constant 0 : i32
        %dma_wait3A_407 = tpu.memref_slice %arg3[%dma_wait3A_405, %dma_wait3A_406] : memref<10000x128xf32, #tpu.memory_space<hbm>> -> memref<64x128xf32, #tpu.memory_space<hbm>>
        %dma_wait3A_408 = arith.constant 0 : i32
        %dma_wait3A_409 = arith.constant 0 : i32
        %dma_wait3A_410 = tpu.memref_slice %arg3[%dma_wait3A_408, %dma_wait3A_409] : memref<10000x128xf32, #tpu.memory_space<hbm>> -> memref<64x128xf32, #tpu.memory_space<hbm>>
        tpu.wait_dma2 semaphore(%arg20 : memref<!tpu.dma_semaphore, #tpu.memory_space<semaphore_mem>>) src(%dma_wait3A_410 : memref<64x128xf32, #tpu.memory_space<hbm>>) dst(%arg12 : memref<64x128xf32, #tpu.memory_space<vmem>>)
        %get3A = arith.constant 1 : i32
        %get3A_411 = arith.index_cast %get3A : i32 to index
        %get3A_412 = arith.constant 0 : index
        %get3A_413 = tpu.vector_load %arg6[%get3A_411, %get3A_412] {strides = array<i32>} : memref<2x128xi32, #tpu.memory_space<vmem>>, vector<16xi32>,
        %swap3A = arith.constant 0 : index
        %swap3A_414 = tpu.vector_load %arg8[%swap3A] {strides = array<i32>} : memref<64xi32, #tpu.memory_space<vmem>>, vector<16xi32>,
        tpu.vector_store %arg8[%swap3A], %get3A_413 {strides = array<i32>} : memref<64xi32, #tpu.memory_space<vmem>>, vector<16xi32>,
        %get3A_415 = arith.constant 1 : i32
        %get3A_416 = arith.index_cast %get3A_415 : i32 to index
        %get3A_417 = arith.constant 16 : index
        %get3A_418 = tpu.vector_load %arg6[%get3A_416, %get3A_417] {strides = array<i32>} : memref<2x128xi32, #tpu.memory_space<vmem>>, vector<16xi32>,
        %swap3A_419 = arith.constant 16 : index
        %swap3A_420 = tpu.vector_load %arg8[%swap3A_419] {strides = array<i32>} : memref<64xi32, #tpu.memory_space<vmem>>, vector<16xi32>,
        tpu.vector_store %arg8[%swap3A_419], %get3A_418 {strides = array<i32>} : memref<64xi32, #tpu.memory_space<vmem>>, vector<16xi32>,
        %get3A_421 = arith.constant 1 : i32
        %get3A_422 = arith.index_cast %get3A_421 : i32 to index
        %get3A_423 = arith.constant 32 : index
        %get3A_424 = tpu.vector_load %arg6[%get3A_422, %get3A_423] {strides = array<i32>} : memref<2x128xi32, #tpu.memory_space<vmem>>, vector<16xi32>,
        %swap3A_425 = arith.constant 32 : index
        %swap3A_426 = tpu.vector_load %arg8[%swap3A_425] {strides = array<i32>} : memref<64xi32, #tpu.memory_space<vmem>>, vector<16xi32>,
        tpu.vector_store %arg8[%swap3A_425], %get3A_424 {strides = array<i32>} : memref<64xi32, #tpu.memory_space<vmem>>, vector<16xi32>,
        %get3A_427 = arith.constant 1 : i32
        %get3A_428 = arith.index_cast %get3A_427 : i32 to index
        %get3A_429 = arith.constant 48 : index
        %get3A_430 = tpu.vector_load %arg6[%get3A_428, %get3A_429] {strides = array<i32>} : memref<2x128xi32, #tpu.memory_space<vmem>>, vector<16xi32>,
        %swap3A_431 = arith.constant 48 : index
        %swap3A_432 = tpu.vector_load %arg8[%swap3A_431] {strides = array<i32>} : memref<64xi32, #tpu.memory_space<vmem>>, vector<16xi32>,
        tpu.vector_store %arg8[%swap3A_431], %get3A_430 {strides = array<i32>} : memref<64xi32, #tpu.memory_space<vmem>>, vector<16xi32>,
      } else {
      }
      %rem3A_367 = arith.constant 2 : i32
      %rem3A_368 = arith.remsi %add3A, %rem3A_367 : i32
      %eq3A_369 = arith.constant 1 : i32
      %eq3A_370 = arith.cmpi eq, %rem3A_368, %eq3A_369 : i32
      %convert_element_type3A_371 = arith.extui %eq3A_370 : i1 to i32
      %cond3A_372 = arith.constant 0 : i32
      %cond3A_373 = arith.cmpi ne, %convert_element_type3A_371, %cond3A_372 : i32
      scf.if %cond3A_373 {
        %dma_start3A_385 = arith.constant 0 : i32
        %dma_start3A_386 = arith.constant 64 : i32
        %dma_start3A_387 = tpu.memref_slice %arg6[%dma_start3A_385, %dma_start3A_386] : memref<2x128xi32, #tpu.memory_space<vmem>> -> memref<1x64xi32, #tpu.memory_space<vmem>>
        %dma_start3A_388 = tpu.memref_squeeze %dma_start3A_387 : memref<1x64xi32, #tpu.memory_space<vmem>> -> memref<64xi32, #tpu.memory_space<vmem>>
        %dma_start3A_389 = arith.constant 0 : i32
        %dma_start3A_390 = arith.constant 0 : i32
        %dma_start3A_391 = tpu.memref_slice %arg2[%dma_start3A_389, %dma_start3A_390] : memref<10000x128xf32, #tpu.memory_space<hbm>> -> memref<10000x128xf32, #tpu.memory_space<hbm>>
        tpu.enqueue_indirect_dma source(%dma_start3A_391 : memref<10000x128xf32, #tpu.memory_space<hbm>>) target(%arg10 : memref<64x128xf32, #tpu.memory_space<vmem>>) offsets(%dma_start3A_388 : memref<64xi32, #tpu.memory_space<vmem>>) semaphore(%arg18 : memref<!tpu.dma_semaphore, #tpu.memory_space<semaphore_mem>>)
        %dma_start3A_392 = arith.constant 1 : i32
        %dma_start3A_393 = arith.constant 64 : i32
        %dma_start3A_394 = tpu.memref_slice %arg6[%dma_start3A_392, %dma_start3A_393] : memref<2x128xi32, #tpu.memory_space<vmem>> -> memref<1x64xi32, #tpu.memory_space<vmem>>
        %dma_start3A_395 = tpu.memref_squeeze %dma_start3A_394 : memref<1x64xi32, #tpu.memory_space<vmem>> -> memref<64xi32, #tpu.memory_space<vmem>>
        %dma_start3A_396 = arith.constant 0 : i32
        %dma_start3A_397 = arith.constant 0 : i32
        %dma_start3A_398 = tpu.memref_slice %arg3[%dma_start3A_396, %dma_start3A_397] : memref<10000x128xf32, #tpu.memory_space<hbm>> -> memref<10000x128xf32, #tpu.memory_space<hbm>>
        tpu.enqueue_indirect_dma source(%dma_start3A_398 : memref<10000x128xf32, #tpu.memory_space<hbm>>) target(%arg12 : memref<64x128xf32, #tpu.memory_space<vmem>>) offsets(%dma_start3A_395 : memref<64xi32, #tpu.memory_space<vmem>>) semaphore(%arg20 : memref<!tpu.dma_semaphore, #tpu.memory_space<semaphore_mem>>)
        %dma_wait3A_399 = arith.constant 0 : i32
        %dma_wait3A_400 = arith.constant 0 : i32
        %dma_wait3A_401 = tpu.memref_slice %arg2[%dma_wait3A_399, %dma_wait3A_400] : memref<10000x128xf32, #tpu.memory_space<hbm>> -> memref<64x128xf32, #tpu.memory_space<hbm>>
        %dma_wait3A_402 = arith.constant 0 : i32
        %dma_wait3A_403 = arith.constant 0 : i32
        %dma_wait3A_404 = tpu.memref_slice %arg2[%dma_wait3A_402, %dma_wait3A_403] : memref<10000x128xf32, #tpu.memory_space<hbm>> -> memref<64x128xf32, #tpu.memory_space<hbm>>
        tpu.wait_dma2 semaphore(%arg18 : memref<!tpu.dma_semaphore, #tpu.memory_space<semaphore_mem>>) src(%dma_wait3A_404 : memref<64x128xf32, #tpu.memory_space<hbm>>) dst(%arg10 : memref<64x128xf32, #tpu.memory_space<vmem>>)
        %dma_wait3A_405 = arith.constant 0 : i32
        %dma_wait3A_406 = arith.constant 0 : i32
        %dma_wait3A_407 = tpu.memref_slice %arg3[%dma_wait3A_405, %dma_wait3A_406] : memref<10000x128xf32, #tpu.memory_space<hbm>> -> memref<64x128xf32, #tpu.memory_space<hbm>>
        %dma_wait3A_408 = arith.constant 0 : i32
        %dma_wait3A_409 = arith.constant 0 : i32
        %dma_wait3A_410 = tpu.memref_slice %arg3[%dma_wait3A_408, %dma_wait3A_409] : memref<10000x128xf32, #tpu.memory_space<hbm>> -> memref<64x128xf32, #tpu.memory_space<hbm>>
        tpu.wait_dma2 semaphore(%arg20 : memref<!tpu.dma_semaphore, #tpu.memory_space<semaphore_mem>>) src(%dma_wait3A_410 : memref<64x128xf32, #tpu.memory_space<hbm>>) dst(%arg12 : memref<64x128xf32, #tpu.memory_space<vmem>>)
        %get3A = arith.constant 1 : i32
        %get3A_411 = arith.index_cast %get3A : i32 to index
        %get3A_412 = arith.constant 64 : index
        %get3A_413 = tpu.vector_load %arg6[%get3A_411, %get3A_412] {strides = array<i32>} : memref<2x128xi32, #tpu.memory_space<vmem>>, vector<16xi32>,
        %swap3A = arith.constant 0 : index
        %swap3A_414 = tpu.vector_load %arg8[%swap3A] {strides = array<i32>} : memref<64xi32, #tpu.memory_space<vmem>>, vector<16xi32>,
        tpu.vector_store %arg8[%swap3A], %get3A_413 {strides = array<i32>} : memref<64xi32, #tpu.memory_space<vmem>>, vector<16xi32>,
        %get3A_415 = arith.constant 1 : i32
        %get3A_416 = arith.index_cast %get3A_415 : i32 to index
        %get3A_417 = arith.constant 80 : index
        %get3A_418 = tpu.vector_load %arg6[%get3A_416, %get3A_417] {strides = array<i32>} : memref<2x128xi32, #tpu.memory_space<vmem>>, vector<16xi32>,
        %swap3A_419 = arith.constant 16 : index
        %swap3A_420 = tpu.vector_load %arg8[%swap3A_419] {strides = array<i32>} : memref<64xi32, #tpu.memory_space<vmem>>, vector<16xi32>,
        tpu.vector_store %arg8[%swap3A_419], %get3A_418 {strides = array<i32>} : memref<64xi32, #tpu.memory_space<vmem>>, vector<16xi32>,
        %get3A_421 = arith.constant 1 : i32
        %get3A_422 = arith.index_cast %get3A_421 : i32 to index
        %get3A_423 = arith.constant 96 : index
        %get3A_424 = tpu.vector_load %arg6[%get3A_422, %get3A_423] {strides = array<i32>} : memref<2x128xi32, #tpu.memory_space<vmem>>, vector<16xi32>,
        %swap3A_425 = arith.constant 32 : index
        %swap3A_426 = tpu.vector_load %arg8[%swap3A_425] {strides = array<i32>} : memref<64xi32, #tpu.memory_space<vmem>>, vector<16xi32>,
        tpu.vector_store %arg8[%swap3A_425], %get3A_424 {strides = array<i32>} : memref<64xi32, #tpu.memory_space<vmem>>, vector<16xi32>,
        %get3A_427 = arith.constant 1 : i32
        %get3A_428 = arith.index_cast %get3A_427 : i32 to index
        %get3A_429 = arith.constant 112 : index
        %get3A_430 = tpu.vector_load %arg6[%get3A_428, %get3A_429] {strides = array<i32>} : memref<2x128xi32, #tpu.memory_space<vmem>>, vector<16xi32>,
        %swap3A_431 = arith.constant 48 : index
        %swap3A_432 = tpu.vector_load %arg8[%swap3A_431] {strides = array<i32>} : memref<64xi32, #tpu.memory_space<vmem>>, vector<16xi32>,
        tpu.vector_store %arg8[%swap3A_431], %get3A_430 {strides = array<i32>} : memref<64xi32, #tpu.memory_space<vmem>>, vector<16xi32>,
      } else {
      }
      %parallel_loop3A = arith.constant 0 : i32
      %parallel_loop3A_374 = arith.constant 64 : i32
      %parallel_loop3A_375 = arith.constant 1 : i32
      scf.for %parallel_loop3A_385 = %parallel_loop3A to %parallel_loop3A_374 step %parallel_loop3A_375  : i32 {
        %parallel_loop3A_386 = arith.index_cast %parallel_loop3A_385 : i32 to index
        %parallel_loop3A_387 = arith.constant 0 : index
        %parallel_loop3A_388 = tpu.vector_load %arg10[%parallel_loop3A_386, %parallel_loop3A_387] {strides = array<i32>} : memref<64x128xf32, #tpu.memory_space<vmem>>, vector<16xf32>,
        %parallel_loop3A_389 = arith.index_cast %parallel_loop3A_385 : i32 to index
        %parallel_loop3A_390 = arith.constant 16 : index
        %parallel_loop3A_391 = tpu.vector_load %arg10[%parallel_loop3A_389, %parallel_loop3A_390] {strides = array<i32>} : memref<64x128xf32, #tpu.memory_space<vmem>>, vector<16xf32>,
        %parallel_loop3A_392 = arith.index_cast %parallel_loop3A_385 : i32 to index
        %parallel_loop3A_393 = arith.constant 32 : index
        %parallel_loop3A_394 = tpu.vector_load %arg10[%parallel_loop3A_392, %parallel_loop3A_393] {strides = array<i32>} : memref<64x128xf32, #tpu.memory_space<vmem>>, vector<16xf32>,
        %parallel_loop3A_395 = arith.index_cast %parallel_loop3A_385 : i32 to index
        %parallel_loop3A_396 = arith.constant 48 : index
        %parallel_loop3A_397 = tpu.vector_load %arg10[%parallel_loop3A_395, %parallel_loop3A_396] {strides = array<i32>} : memref<64x128xf32, #tpu.memory_space<vmem>>, vector<16xf32>,
        %parallel_loop3A_398 = arith.index_cast %parallel_loop3A_385 : i32 to index
        %parallel_loop3A_399 = arith.constant 64 : index
        %parallel_loop3A_400 = tpu.vector_load %arg10[%parallel_loop3A_398, %parallel_loop3A_399] {strides = array<i32>} : memref<64x128xf32, #tpu.memory_space<vmem>>, vector<16xf32>,
        %parallel_loop3A_401 = arith.index_cast %parallel_loop3A_385 : i32 to index
        %parallel_loop3A_402 = arith.constant 80 : index
        %parallel_loop3A_403 = tpu.vector_load %arg10[%parallel_loop3A_401, %parallel_loop3A_402] {strides = array<i32>} : memref<64x128xf32, #tpu.memory_space<vmem>>, vector<16xf32>,
        %parallel_loop3A_404 = arith.index_cast %parallel_loop3A_385 : i32 to index
        %parallel_loop3A_405 = arith.constant 96 : index
        %parallel_loop3A_406 = tpu.vector_load %arg10[%parallel_loop3A_404, %parallel_loop3A_405] {strides = array<i32>} : memref<64x128xf32, #tpu.memory_space<vmem>>, vector<16xf32>,
        %parallel_loop3A_407 = arith.index_cast %parallel_loop3A_385 : i32 to index
        %parallel_loop3A_408 = arith.constant 112 : index
        %parallel_loop3A_409 = tpu.vector_load %arg10[%parallel_loop3A_407, %parallel_loop3A_408] {strides = array<i32>} : memref<64x128xf32, #tpu.memory_space<vmem>>, vector<16xf32>,
        %parallel_loop3A_410 = arith.index_cast %parallel_loop3A_385 : i32 to index
        %parallel_loop3A_411 = arith.constant 0 : index
        %parallel_loop3A_412 = tpu.vector_load %arg12[%parallel_loop3A_410, %parallel_loop3A_411] {strides = array<i32>} : memref<64x128xf32, #tpu.memory_space<vmem>>, vector<16xf32>,
        %parallel_loop3A_413 = arith.index_cast %parallel_loop3A_385 : i32 to index
        %parallel_loop3A_414 = arith.constant 16 : index
        %parallel_loop3A_415 = tpu.vector_load %arg12[%parallel_loop3A_413, %parallel_loop3A_414] {strides = array<i32>} : memref<64x128xf32, #tpu.memory_space<vmem>>, vector<16xf32>,
        %parallel_loop3A_416 = arith.mulf %parallel_loop3A_388, %parallel_loop3A_412 : vector<16xf32>
        %parallel_loop3A_417 = arith.mulf %parallel_loop3A_391, %parallel_loop3A_415 : vector<16xf32>
        %parallel_loop3A_418 = arith.addf %parallel_loop3A_416, %parallel_loop3A_417 : vector<16xf32>
        %parallel_loop3A_419 = arith.constant true
        %parallel_loop3A_420 = vector.broadcast %parallel_loop3A_419 : i1 to vector<16xi1>
        %parallel_loop3A_421 = tpu.scan <sum>, %parallel_loop3A_418 masked %parallel_loop3A_420 : vector<16xf32>, vector<16xi1> -> vector<16xf32>
        %parallel_loop3A_422 = vector.extract %parallel_loop3A_421[15] : f32 from vector<16xf32>
        %parallel_loop3A_423 = vector.broadcast %parallel_loop3A_422 : f32 to vector<16xf32>
        %parallel_loop3A_424 = math.exp %parallel_loop3A_423 : vector<16xf32>
        %parallel_loop3A_425 = arith.mulf %parallel_loop3A_394, %parallel_loop3A_412 : vector<16xf32>
        %parallel_loop3A_426 = arith.mulf %parallel_loop3A_397, %parallel_loop3A_415 : vector<16xf32>
        %parallel_loop3A_427 = arith.addf %parallel_loop3A_425, %parallel_loop3A_426 : vector<16xf32>
        %parallel_loop3A_428 = arith.constant true
        %parallel_loop3A_429 = vector.broadcast %parallel_loop3A_428 : i1 to vector<16xi1>
        %parallel_loop3A_430 = tpu.scan <sum>, %parallel_loop3A_427 masked %parallel_loop3A_429 : vector<16xf32>, vector<16xi1> -> vector<16xf32>
        %parallel_loop3A_431 = vector.extract %parallel_loop3A_430[15] : f32 from vector<16xf32>
        %parallel_loop3A_432 = vector.broadcast %parallel_loop3A_431 : f32 to vector<16xf32>
        %parallel_loop3A_433 = math.exp %parallel_loop3A_432 : vector<16xf32>
        %parallel_loop3A_434 = arith.mulf %parallel_loop3A_400, %parallel_loop3A_412 : vector<16xf32>
        %parallel_loop3A_435 = arith.mulf %parallel_loop3A_403, %parallel_loop3A_415 : vector<16xf32>
        %parallel_loop3A_436 = arith.addf %parallel_loop3A_434, %parallel_loop3A_435 : vector<16xf32>
        %parallel_loop3A_437 = arith.constant true
        %parallel_loop3A_438 = vector.broadcast %parallel_loop3A_437 : i1 to vector<16xi1>
        %parallel_loop3A_439 = tpu.scan <sum>, %parallel_loop3A_436 masked %parallel_loop3A_438 : vector<16xf32>, vector<16xi1> -> vector<16xf32>
        %parallel_loop3A_440 = vector.extract %parallel_loop3A_439[15] : f32 from vector<16xf32>
        %parallel_loop3A_441 = vector.broadcast %parallel_loop3A_440 : f32 to vector<16xf32>
        %parallel_loop3A_442 = math.exp %parallel_loop3A_441 : vector<16xf32>
        %parallel_loop3A_443 = arith.mulf %parallel_loop3A_406, %parallel_loop3A_412 : vector<16xf32>
        %parallel_loop3A_444 = arith.mulf %parallel_loop3A_409, %parallel_loop3A_415 : vector<16xf32>
        %parallel_loop3A_445 = arith.addf %parallel_loop3A_443, %parallel_loop3A_444 : vector<16xf32>
        %parallel_loop3A_446 = arith.constant true
        %parallel_loop3A_447 = vector.broadcast %parallel_loop3A_446 : i1 to vector<16xi1>
        %parallel_loop3A_448 = tpu.scan <sum>, %parallel_loop3A_445 masked %parallel_loop3A_447 : vector<16xf32>, vector<16xi1> -> vector<16xf32>
        %parallel_loop3A_449 = vector.extract %parallel_loop3A_448[15] : f32 from vector<16xf32>
        %parallel_loop3A_450 = vector.broadcast %parallel_loop3A_449 : f32 to vector<16xf32>
        %parallel_loop3A_451 = math.exp %parallel_loop3A_450 : vector<16xf32>
        %parallel_loop3A_452 = arith.addf %parallel_loop3A_424, %parallel_loop3A_433 : vector<16xf32>
        %parallel_loop3A_453 = arith.addf %parallel_loop3A_442, %parallel_loop3A_451 : vector<16xf32>
        %parallel_loop3A_454 = arith.addf %parallel_loop3A_452, %parallel_loop3A_453 : vector<16xf32>
        %parallel_loop3A_455 = arith.constant 1.000000e+00 : f32
        %parallel_loop3A_456 = vector.broadcast %parallel_loop3A_455 : f32 to vector<16xf32>
        %parallel_loop3A_457 = arith.divf %parallel_loop3A_456, %parallel_loop3A_454 : vector<16xf32>
        %parallel_loop3A_458 = arith.mulf %parallel_loop3A_424, %parallel_loop3A_457 : vector<16xf32>
        %parallel_loop3A_459 = arith.mulf %parallel_loop3A_458, %parallel_loop3A_388 : vector<16xf32>
        %parallel_loop3A_460 = arith.index_cast %parallel_loop3A_385 : i32 to index
        %parallel_loop3A_461 = arith.constant 0 : index
        %parallel_loop3A_462 = tpu.vector_load %arg14[%parallel_loop3A_460, %parallel_loop3A_461] {strides = array<i32>} : memref<64x128xf32, #tpu.memory_space<vmem>>, vector<16xf32>,
        tpu.vector_store %arg14[%parallel_loop3A_460, %parallel_loop3A_461], %parallel_loop3A_459 {strides = array<i32>} : memref<64x128xf32, #tpu.memory_space<vmem>>, vector<16xf32>,
        %parallel_loop3A_463 = arith.mulf %parallel_loop3A_458, %parallel_loop3A_391 : vector<16xf32>
        %parallel_loop3A_464 = arith.index_cast %parallel_loop3A_385 : i32 to index
        %parallel_loop3A_465 = arith.constant 16 : index
        %parallel_loop3A_466 = tpu.vector_load %arg14[%parallel_loop3A_464, %parallel_loop3A_465] {strides = array<i32>} : memref<64x128xf32, #tpu.memory_space<vmem>>, vector<16xf32>,
        tpu.vector_store %arg14[%parallel_loop3A_464, %parallel_loop3A_465], %parallel_loop3A_463 {strides = array<i32>} : memref<64x128xf32, #tpu.memory_space<vmem>>, vector<16xf32>,
        %parallel_loop3A_467 = arith.mulf %parallel_loop3A_433, %parallel_loop3A_457 : vector<16xf32>
        %parallel_loop3A_468 = arith.mulf %parallel_loop3A_467, %parallel_loop3A_394 : vector<16xf32>
        %parallel_loop3A_469 = arith.index_cast %parallel_loop3A_385 : i32 to index
        %parallel_loop3A_470 = arith.constant 32 : index
        %parallel_loop3A_471 = tpu.vector_load %arg14[%parallel_loop3A_469, %parallel_loop3A_470] {strides = array<i32>} : memref<64x128xf32, #tpu.memory_space<vmem>>, vector<16xf32>,
        tpu.vector_store %arg14[%parallel_loop3A_469, %parallel_loop3A_470], %parallel_loop3A_468 {strides = array<i32>} : memref<64x128xf32, #tpu.memory_space<vmem>>, vector<16xf32>,
        %parallel_loop3A_472 = arith.mulf %parallel_loop3A_467, %parallel_loop3A_397 : vector<16xf32>
        %parallel_loop3A_473 = arith.index_cast %parallel_loop3A_385 : i32 to index
        %parallel_loop3A_474 = arith.constant 48 : index
        %parallel_loop3A_475 = tpu.vector_load %arg14[%parallel_loop3A_473, %parallel_loop3A_474] {strides = array<i32>} : memref<64x128xf32, #tpu.memory_space<vmem>>, vector<16xf32>,
        tpu.vector_store %arg14[%parallel_loop3A_473, %parallel_loop3A_474], %parallel_loop3A_472 {strides = array<i32>} : memref<64x128xf32, #tpu.memory_space<vmem>>, vector<16xf32>,
        %parallel_loop3A_476 = arith.mulf %parallel_loop3A_442, %parallel_loop3A_457 : vector<16xf32>
        %parallel_loop3A_477 = arith.mulf %parallel_loop3A_476, %parallel_loop3A_400 : vector<16xf32>
        %parallel_loop3A_478 = arith.index_cast %parallel_loop3A_385 : i32 to index
        %parallel_loop3A_479 = arith.constant 64 : index
        %parallel_loop3A_480 = tpu.vector_load %arg14[%parallel_loop3A_478, %parallel_loop3A_479] {strides = array<i32>} : memref<64x128xf32, #tpu.memory_space<vmem>>, vector<16xf32>,
        tpu.vector_store %arg14[%parallel_loop3A_478, %parallel_loop3A_479], %parallel_loop3A_477 {strides = array<i32>} : memref<64x128xf32, #tpu.memory_space<vmem>>, vector<16xf32>,
        %parallel_loop3A_481 = arith.mulf %parallel_loop3A_476, %parallel_loop3A_403 : vector<16xf32>
        %parallel_loop3A_482 = arith.index_cast %parallel_loop3A_385 : i32 to index
        %parallel_loop3A_483 = arith.constant 80 : index
        %parallel_loop3A_484 = tpu.vector_load %arg14[%parallel_loop3A_482, %parallel_loop3A_483] {strides = array<i32>} : memref<64x128xf32, #tpu.memory_space<vmem>>, vector<16xf32>,
        tpu.vector_store %arg14[%parallel_loop3A_482, %parallel_loop3A_483], %parallel_loop3A_481 {strides = array<i32>} : memref<64x128xf32, #tpu.memory_space<vmem>>, vector<16xf32>,
        %parallel_loop3A_485 = arith.mulf %parallel_loop3A_451, %parallel_loop3A_457 : vector<16xf32>
        %parallel_loop3A_486 = arith.mulf %parallel_loop3A_485, %parallel_loop3A_406 : vector<16xf32>
        %parallel_loop3A_487 = arith.index_cast %parallel_loop3A_385 : i32 to index
        %parallel_loop3A_488 = arith.constant 96 : index
        %parallel_loop3A_489 = tpu.vector_load %arg14[%parallel_loop3A_487, %parallel_loop3A_488] {strides = array<i32>} : memref<64x128xf32, #tpu.memory_space<vmem>>, vector<16xf32>,
        tpu.vector_store %arg14[%parallel_loop3A_487, %parallel_loop3A_488], %parallel_loop3A_486 {strides = array<i32>} : memref<64x128xf32, #tpu.memory_space<vmem>>, vector<16xf32>,
        %parallel_loop3A_490 = arith.mulf %parallel_loop3A_485, %parallel_loop3A_409 : vector<16xf32>
        %parallel_loop3A_491 = arith.index_cast %parallel_loop3A_385 : i32 to index
        %parallel_loop3A_492 = arith.constant 112 : index
        %parallel_loop3A_493 = tpu.vector_load %arg14[%parallel_loop3A_491, %parallel_loop3A_492] {strides = array<i32>} : memref<64x128xf32, #tpu.memory_space<vmem>>, vector<16xf32>,
        tpu.vector_store %arg14[%parallel_loop3A_491, %parallel_loop3A_492], %parallel_loop3A_490 {strides = array<i32>} : memref<64x128xf32, #tpu.memory_space<vmem>>, vector<16xf32>,
      } {sc.loop_unroll_factor = 2 : i64, sc.parallel_access}
      %dma_start3A_376 = arith.constant 0 : i32
      %dma_start3A_377 = arith.constant 0 : i32
      %dma_start3A_378 = tpu.memref_slice %arg16[%dma_start3A_376, %dma_start3A_377] : memref<10000x128xf32, #tpu.memory_space<vmem_shared>> -> memref<10000x128xf32, #tpu.memory_space<vmem_shared>>
      tpu.enqueue_indirect_dma source(%arg14 : memref<64x128xf32, #tpu.memory_space<vmem>>) target(%dma_start3A_378 : memref<10000x128xf32, #tpu.memory_space<vmem_shared>>) offsets(%arg8 : memref<64xi32, #tpu.memory_space<vmem>>) semaphore(%arg22 : memref<!tpu.dma_semaphore, #tpu.memory_space<semaphore_mem>>) {add = true}
      %dma_wait3A_379 = arith.constant 0 : i32
      %dma_wait3A_380 = arith.constant 0 : i32
      %dma_wait3A_381 = tpu.memref_slice %arg2[%dma_wait3A_379, %dma_wait3A_380] : memref<10000x128xf32, #tpu.memory_space<hbm>> -> memref<64x128xf32, #tpu.memory_space<hbm>>
      %dma_wait3A_382 = arith.constant 0 : i32
      %dma_wait3A_383 = arith.constant 0 : i32
      %dma_wait3A_384 = tpu.memref_slice %arg2[%dma_wait3A_382, %dma_wait3A_383] : memref<10000x128xf32, #tpu.memory_space<hbm>> -> memref<64x128xf32, #tpu.memory_space<hbm>>
      tpu.wait_dma2 semaphore(%arg22 : memref<!tpu.dma_semaphore, #tpu.memory_space<semaphore_mem>>) src(%dma_wait3A_384 : memref<64x128xf32, #tpu.memory_space<hbm>>) dst(%arg14 : memref<64x128xf32, #tpu.memory_space<vmem>>)
    } else {
    }
    %barrier3A_182 = arith.constant 0 : index
    tpu.barrier barrier_id(%barrier3A_182)
    %add3A_183 = arith.constant 0 : i32
    %add3A_184 = arith.addi %mul3A_6, %add3A_183 : i32
    %add3A_185 = arith.constant 0 : i32
    %add3A_186 = arith.addi %mul3A_6, %add3A_185 : i32
    %add3A_187 = arith.constant 64 : i32
    %add3A_188 = arith.addi %mul3A_6, %add3A_187 : i32
    %add3A_189 = arith.constant 64 : i32
    %add3A_190 = arith.addi %mul3A_6, %add3A_189 : i32
    %add3A_191 = arith.constant 128 : i32
    %add3A_192 = arith.addi %mul3A_6, %add3A_191 : i32
    %add3A_193 = arith.constant 128 : i32
    %add3A_194 = arith.addi %mul3A_6, %add3A_193 : i32
    %add3A_195 = arith.constant 192 : i32
    %add3A_196 = arith.addi %mul3A_6, %add3A_195 : i32
    %add3A_197 = arith.constant 192 : i32
    %add3A_198 = arith.addi %mul3A_6, %add3A_197 : i32
    %add3A_199 = arith.constant 256 : i32
    %add3A_200 = arith.addi %mul3A_6, %add3A_199 : i32
    %add3A_201 = arith.constant 256 : i32
    %add3A_202 = arith.addi %mul3A_6, %add3A_201 : i32
    %add3A_203 = arith.constant 320 : i32
    %add3A_204 = arith.addi %mul3A_6, %add3A_203 : i32
    %add3A_205 = arith.constant 320 : i32
    %add3A_206 = arith.addi %mul3A_6, %add3A_205 : i32
    %add3A_207 = arith.constant 384 : i32
    %add3A_208 = arith.addi %mul3A_6, %add3A_207 : i32
    %add3A_209 = arith.constant 384 : i32
    %add3A_210 = arith.addi %mul3A_6, %add3A_209 : i32
    %add3A_211 = arith.constant 448 : i32
    %add3A_212 = arith.addi %mul3A_6, %add3A_211 : i32
    %add3A_213 = arith.constant 448 : i32
    %add3A_214 = arith.addi %mul3A_6, %add3A_213 : i32
    %add3A_215 = arith.constant 512 : i32
    %add3A_216 = arith.addi %mul3A_6, %add3A_215 : i32
    %add3A_217 = arith.constant 512 : i32
    %add3A_218 = arith.addi %mul3A_6, %add3A_217 : i32
    %add3A_219 = arith.constant 576 : i32
    %add3A_220 = arith.addi %mul3A_6, %add3A_219 : i32
    %add3A_221 = arith.constant 576 : i32
    %add3A_222 = arith.addi %mul3A_6, %add3A_221 : i32
    %dma_start3A_223 = arith.constant 0 : i32
    %dma_start3A_224 = tpu.memref_slice %arg5[%arg0, %add3A_186, %dma_start3A_223] : memref<2x10000x128xf32, #tpu.memory_space<hbm>> -> memref<1x64x128xf32, #tpu.memory_space<hbm>>
    %dma_start3A_225 = tpu.memref_squeeze %dma_start3A_224 : memref<1x64x128xf32, #tpu.memory_space<hbm>> -> memref<64x128xf32, #tpu.memory_space<hbm>>
    %dma_start3A_226 = arith.constant 0 : i32
    %dma_start3A_227 = tpu.memref_slice %arg16[%add3A_184, %dma_start3A_226] : memref<10000x128xf32, #tpu.memory_space<vmem_shared>> -> memref<64x128xf32, #tpu.memory_space<vmem_shared>>
    tpu.enqueue_dma source(%dma_start3A_227 : memref<64x128xf32, #tpu.memory_space<vmem_shared>>) target(%dma_start3A_225 : memref<64x128xf32, #tpu.memory_space<hbm>>) target_semaphore(%arg17 : memref<!tpu.dma_semaphore, #tpu.memory_space<semaphore_mem>>)
    %dma_start3A_228 = arith.constant 0 : i32
    %dma_start3A_229 = tpu.memref_slice %arg5[%arg0, %add3A_190, %dma_start3A_228] : memref<2x10000x128xf32, #tpu.memory_space<hbm>> -> memref<1x64x128xf32, #tpu.memory_space<hbm>>
    %dma_start3A_230 = tpu.memref_squeeze %dma_start3A_229 : memref<1x64x128xf32, #tpu.memory_space<hbm>> -> memref<64x128xf32, #tpu.memory_space<hbm>>
    %dma_start3A_231 = arith.constant 0 : i32
    %dma_start3A_232 = tpu.memref_slice %arg16[%add3A_188, %dma_start3A_231] : memref<10000x128xf32, #tpu.memory_space<vmem_shared>> -> memref<64x128xf32, #tpu.memory_space<vmem_shared>>
    tpu.enqueue_dma source(%dma_start3A_232 : memref<64x128xf32, #tpu.memory_space<vmem_shared>>) target(%dma_start3A_230 : memref<64x128xf32, #tpu.memory_space<hbm>>) target_semaphore(%arg17 : memref<!tpu.dma_semaphore, #tpu.memory_space<semaphore_mem>>)
    %dma_start3A_233 = arith.constant 0 : i32
    %dma_start3A_234 = tpu.memref_slice %arg5[%arg0, %add3A_194, %dma_start3A_233] : memref<2x10000x128xf32, #tpu.memory_space<hbm>> -> memref<1x64x128xf32, #tpu.memory_space<hbm>>
    %dma_start3A_235 = tpu.memref_squeeze %dma_start3A_234 : memref<1x64x128xf32, #tpu.memory_space<hbm>> -> memref<64x128xf32, #tpu.memory_space<hbm>>
    %dma_start3A_236 = arith.constant 0 : i32
    %dma_start3A_237 = tpu.memref_slice %arg16[%add3A_192, %dma_start3A_236] : memref<10000x128xf32, #tpu.memory_space<vmem_shared>> -> memref<64x128xf32, #tpu.memory_space<vmem_shared>>
    tpu.enqueue_dma source(%dma_start3A_237 : memref<64x128xf32, #tpu.memory_space<vmem_shared>>) target(%dma_start3A_235 : memref<64x128xf32, #tpu.memory_space<hbm>>) target_semaphore(%arg17 : memref<!tpu.dma_semaphore, #tpu.memory_space<semaphore_mem>>)
    %dma_start3A_238 = arith.constant 0 : i32
    %dma_start3A_239 = tpu.memref_slice %arg5[%arg0, %add3A_198, %dma_start3A_238] : memref<2x10000x128xf32, #tpu.memory_space<hbm>> -> memref<1x64x128xf32, #tpu.memory_space<hbm>>
    %dma_start3A_240 = tpu.memref_squeeze %dma_start3A_239 : memref<1x64x128xf32, #tpu.memory_space<hbm>> -> memref<64x128xf32, #tpu.memory_space<hbm>>
    %dma_start3A_241 = arith.constant 0 : i32
    %dma_start3A_242 = tpu.memref_slice %arg16[%add3A_196, %dma_start3A_241] : memref<10000x128xf32, #tpu.memory_space<vmem_shared>> -> memref<64x128xf32, #tpu.memory_space<vmem_shared>>
    tpu.enqueue_dma source(%dma_start3A_242 : memref<64x128xf32, #tpu.memory_space<vmem_shared>>) target(%dma_start3A_240 : memref<64x128xf32, #tpu.memory_space<hbm>>) target_semaphore(%arg17 : memref<!tpu.dma_semaphore, #tpu.memory_space<semaphore_mem>>)
    %dma_start3A_243 = arith.constant 0 : i32
    %dma_start3A_244 = tpu.memref_slice %arg5[%arg0, %add3A_202, %dma_start3A_243] : memref<2x10000x128xf32, #tpu.memory_space<hbm>> -> memref<1x64x128xf32, #tpu.memory_space<hbm>>
    %dma_start3A_245 = tpu.memref_squeeze %dma_start3A_244 : memref<1x64x128xf32, #tpu.memory_space<hbm>> -> memref<64x128xf32, #tpu.memory_space<hbm>>
    %dma_start3A_246 = arith.constant 0 : i32
    %dma_start3A_247 = tpu.memref_slice %arg16[%add3A_200, %dma_start3A_246] : memref<10000x128xf32, #tpu.memory_space<vmem_shared>> -> memref<64x128xf32, #tpu.memory_space<vmem_shared>>
    tpu.enqueue_dma source(%dma_start3A_247 : memref<64x128xf32, #tpu.memory_space<vmem_shared>>) target(%dma_start3A_245 : memref<64x128xf32, #tpu.memory_space<hbm>>) target_semaphore(%arg17 : memref<!tpu.dma_semaphore, #tpu.memory_space<semaphore_mem>>)
    %dma_start3A_248 = arith.constant 0 : i32
    %dma_start3A_249 = tpu.memref_slice %arg5[%arg0, %add3A_206, %dma_start3A_248] : memref<2x10000x128xf32, #tpu.memory_space<hbm>> -> memref<1x64x128xf32, #tpu.memory_space<hbm>>
    %dma_start3A_250 = tpu.memref_squeeze %dma_start3A_249 : memref<1x64x128xf32, #tpu.memory_space<hbm>> -> memref<64x128xf32, #tpu.memory_space<hbm>>
    %dma_start3A_251 = arith.constant 0 : i32
    %dma_start3A_252 = tpu.memref_slice %arg16[%add3A_204, %dma_start3A_251] : memref<10000x128xf32, #tpu.memory_space<vmem_shared>> -> memref<64x128xf32, #tpu.memory_space<vmem_shared>>
    tpu.enqueue_dma source(%dma_start3A_252 : memref<64x128xf32, #tpu.memory_space<vmem_shared>>) target(%dma_start3A_250 : memref<64x128xf32, #tpu.memory_space<hbm>>) target_semaphore(%arg17 : memref<!tpu.dma_semaphore, #tpu.memory_space<semaphore_mem>>)
    %dma_start3A_253 = arith.constant 0 : i32
    %dma_start3A_254 = tpu.memref_slice %arg5[%arg0, %add3A_210, %dma_start3A_253] : memref<2x10000x128xf32, #tpu.memory_space<hbm>> -> memref<1x64x128xf32, #tpu.memory_space<hbm>>
    %dma_start3A_255 = tpu.memref_squeeze %dma_start3A_254 : memref<1x64x128xf32, #tpu.memory_space<hbm>> -> memref<64x128xf32, #tpu.memory_space<hbm>>
    %dma_start3A_256 = arith.constant 0 : i32
    %dma_start3A_257 = tpu.memref_slice %arg16[%add3A_208, %dma_start3A_256] : memref<10000x128xf32, #tpu.memory_space<vmem_shared>> -> memref<64x128xf32, #tpu.memory_space<vmem_shared>>
    tpu.enqueue_dma source(%dma_start3A_257 : memref<64x128xf32, #tpu.memory_space<vmem_shared>>) target(%dma_start3A_255 : memref<64x128xf32, #tpu.memory_space<hbm>>) target_semaphore(%arg17 : memref<!tpu.dma_semaphore, #tpu.memory_space<semaphore_mem>>)
    %dma_start3A_258 = arith.constant 0 : i32
    %dma_start3A_259 = tpu.memref_slice %arg5[%arg0, %add3A_214, %dma_start3A_258] : memref<2x10000x128xf32, #tpu.memory_space<hbm>> -> memref<1x64x128xf32, #tpu.memory_space<hbm>>
    %dma_start3A_260 = tpu.memref_squeeze %dma_start3A_259 : memref<1x64x128xf32, #tpu.memory_space<hbm>> -> memref<64x128xf32, #tpu.memory_space<hbm>>
    %dma_start3A_261 = arith.constant 0 : i32
    %dma_start3A_262 = tpu.memref_slice %arg16[%add3A_212, %dma_start3A_261] : memref<10000x128xf32, #tpu.memory_space<vmem_shared>> -> memref<64x128xf32, #tpu.memory_space<vmem_shared>>
    tpu.enqueue_dma source(%dma_start3A_262 : memref<64x128xf32, #tpu.memory_space<vmem_shared>>) target(%dma_start3A_260 : memref<64x128xf32, #tpu.memory_space<hbm>>) target_semaphore(%arg17 : memref<!tpu.dma_semaphore, #tpu.memory_space<semaphore_mem>>)
    %dma_start3A_263 = arith.constant 0 : i32
    %dma_start3A_264 = tpu.memref_slice %arg5[%arg0, %add3A_218, %dma_start3A_263] : memref<2x10000x128xf32, #tpu.memory_space<hbm>> -> memref<1x64x128xf32, #tpu.memory_space<hbm>>
    %dma_start3A_265 = tpu.memref_squeeze %dma_start3A_264 : memref<1x64x128xf32, #tpu.memory_space<hbm>> -> memref<64x128xf32, #tpu.memory_space<hbm>>
    %dma_start3A_266 = arith.constant 0 : i32
    %dma_start3A_267 = tpu.memref_slice %arg16[%add3A_216, %dma_start3A_266] : memref<10000x128xf32, #tpu.memory_space<vmem_shared>> -> memref<64x128xf32, #tpu.memory_space<vmem_shared>>
    tpu.enqueue_dma source(%dma_start3A_267 : memref<64x128xf32, #tpu.memory_space<vmem_shared>>) target(%dma_start3A_265 : memref<64x128xf32, #tpu.memory_space<hbm>>) target_semaphore(%arg17 : memref<!tpu.dma_semaphore, #tpu.memory_space<semaphore_mem>>)
    %dma_start3A_268 = arith.constant 0 : i32
    %dma_start3A_269 = tpu.memref_slice %arg5[%arg0, %add3A_222, %dma_start3A_268] : memref<2x10000x128xf32, #tpu.memory_space<hbm>> -> memref<1x64x128xf32, #tpu.memory_space<hbm>>
    %dma_start3A_270 = tpu.memref_squeeze %dma_start3A_269 : memref<1x64x128xf32, #tpu.memory_space<hbm>> -> memref<64x128xf32, #tpu.memory_space<hbm>>
    %dma_start3A_271 = arith.constant 0 : i32
    %dma_start3A_272 = tpu.memref_slice %arg16[%add3A_220, %dma_start3A_271] : memref<10000x128xf32, #tpu.memory_space<vmem_shared>> -> memref<64x128xf32, #tpu.memory_space<vmem_shared>>
    tpu.enqueue_dma source(%dma_start3A_272 : memref<64x128xf32, #tpu.memory_space<vmem_shared>>) target(%dma_start3A_270 : memref<64x128xf32, #tpu.memory_space<hbm>>) target_semaphore(%arg17 : memref<!tpu.dma_semaphore, #tpu.memory_space<semaphore_mem>>)
    %dma_wait3A_273 = arith.constant 0 : i32
    %dma_wait3A_274 = tpu.memref_slice %arg5[%arg0, %add3A_186, %dma_wait3A_273] : memref<2x10000x128xf32, #tpu.memory_space<hbm>> -> memref<1x64x128xf32, #tpu.memory_space<hbm>>
    %dma_wait3A_275 = tpu.memref_squeeze %dma_wait3A_274 : memref<1x64x128xf32, #tpu.memory_space<hbm>> -> memref<64x128xf32, #tpu.memory_space<hbm>>
    %dma_wait3A_276 = arith.constant 0 : i32
    %dma_wait3A_277 = tpu.memref_slice %arg16[%add3A_184, %dma_wait3A_276] : memref<10000x128xf32, #tpu.memory_space<vmem_shared>> -> memref<64x128xf32, #tpu.memory_space<vmem_shared>>
    tpu.wait_dma2 semaphore(%arg17 : memref<!tpu.dma_semaphore, #tpu.memory_space<semaphore_mem>>) src(%dma_wait3A_277 : memref<64x128xf32, #tpu.memory_space<vmem_shared>>) dst(%dma_wait3A_275 : memref<64x128xf32, #tpu.memory_space<hbm>>)
    %dma_wait3A_278 = arith.constant 0 : i32
    %dma_wait3A_279 = tpu.memref_slice %arg5[%arg0, %add3A_190, %dma_wait3A_278] : memref<2x10000x128xf32, #tpu.memory_space<hbm>> -> memref<1x64x128xf32, #tpu.memory_space<hbm>>
    %dma_wait3A_280 = tpu.memref_squeeze %dma_wait3A_279 : memref<1x64x128xf32, #tpu.memory_space<hbm>> -> memref<64x128xf32, #tpu.memory_space<hbm>>
    %dma_wait3A_281 = arith.constant 0 : i32
    %dma_wait3A_282 = tpu.memref_slice %arg16[%add3A_188, %dma_wait3A_281] : memref<10000x128xf32, #tpu.memory_space<vmem_shared>> -> memref<64x128xf32, #tpu.memory_space<vmem_shared>>
    tpu.wait_dma2 semaphore(%arg17 : memref<!tpu.dma_semaphore, #tpu.memory_space<semaphore_mem>>) src(%dma_wait3A_282 : memref<64x128xf32, #tpu.memory_space<vmem_shared>>) dst(%dma_wait3A_280 : memref<64x128xf32, #tpu.memory_space<hbm>>)
    %dma_wait3A_283 = arith.constant 0 : i32
    %dma_wait3A_284 = tpu.memref_slice %arg5[%arg0, %add3A_194, %dma_wait3A_283] : memref<2x10000x128xf32, #tpu.memory_space<hbm>> -> memref<1x64x128xf32, #tpu.memory_space<hbm>>
    %dma_wait3A_285 = tpu.memref_squeeze %dma_wait3A_284 : memref<1x64x128xf32, #tpu.memory_space<hbm>> -> memref<64x128xf32, #tpu.memory_space<hbm>>
    %dma_wait3A_286 = arith.constant 0 : i32
    %dma_wait3A_287 = tpu.memref_slice %arg16[%add3A_192, %dma_wait3A_286] : memref<10000x128xf32, #tpu.memory_space<vmem_shared>> -> memref<64x128xf32, #tpu.memory_space<vmem_shared>>
    tpu.wait_dma2 semaphore(%arg17 : memref<!tpu.dma_semaphore, #tpu.memory_space<semaphore_mem>>) src(%dma_wait3A_287 : memref<64x128xf32, #tpu.memory_space<vmem_shared>>) dst(%dma_wait3A_285 : memref<64x128xf32, #tpu.memory_space<hbm>>)
    %dma_wait3A_288 = arith.constant 0 : i32
    %dma_wait3A_289 = tpu.memref_slice %arg5[%arg0, %add3A_198, %dma_wait3A_288] : memref<2x10000x128xf32, #tpu.memory_space<hbm>> -> memref<1x64x128xf32, #tpu.memory_space<hbm>>
    %dma_wait3A_290 = tpu.memref_squeeze %dma_wait3A_289 : memref<1x64x128xf32, #tpu.memory_space<hbm>> -> memref<64x128xf32, #tpu.memory_space<hbm>>
    %dma_wait3A_291 = arith.constant 0 : i32
    %dma_wait3A_292 = tpu.memref_slice %arg16[%add3A_196, %dma_wait3A_291] : memref<10000x128xf32, #tpu.memory_space<vmem_shared>> -> memref<64x128xf32, #tpu.memory_space<vmem_shared>>
    tpu.wait_dma2 semaphore(%arg17 : memref<!tpu.dma_semaphore, #tpu.memory_space<semaphore_mem>>) src(%dma_wait3A_292 : memref<64x128xf32, #tpu.memory_space<vmem_shared>>) dst(%dma_wait3A_290 : memref<64x128xf32, #tpu.memory_space<hbm>>)
    %dma_wait3A_293 = arith.constant 0 : i32
    %dma_wait3A_294 = tpu.memref_slice %arg5[%arg0, %add3A_202, %dma_wait3A_293] : memref<2x10000x128xf32, #tpu.memory_space<hbm>> -> memref<1x64x128xf32, #tpu.memory_space<hbm>>
    %dma_wait3A_295 = tpu.memref_squeeze %dma_wait3A_294 : memref<1x64x128xf32, #tpu.memory_space<hbm>> -> memref<64x128xf32, #tpu.memory_space<hbm>>
    %dma_wait3A_296 = arith.constant 0 : i32
    %dma_wait3A_297 = tpu.memref_slice %arg16[%add3A_200, %dma_wait3A_296] : memref<10000x128xf32, #tpu.memory_space<vmem_shared>> -> memref<64x128xf32, #tpu.memory_space<vmem_shared>>
    tpu.wait_dma2 semaphore(%arg17 : memref<!tpu.dma_semaphore, #tpu.memory_space<semaphore_mem>>) src(%dma_wait3A_297 : memref<64x128xf32, #tpu.memory_space<vmem_shared>>) dst(%dma_wait3A_295 : memref<64x128xf32, #tpu.memory_space<hbm>>)
    %dma_wait3A_298 = arith.constant 0 : i32
    %dma_wait3A_299 = tpu.memref_slice %arg5[%arg0, %add3A_206, %dma_wait3A_298] : memref<2x10000x128xf32, #tpu.memory_space<hbm>> -> memref<1x64x128xf32, #tpu.memory_space<hbm>>
    %dma_wait3A_300 = tpu.memref_squeeze %dma_wait3A_299 : memref<1x64x128xf32, #tpu.memory_space<hbm>> -> memref<64x128xf32, #tpu.memory_space<hbm>>
    %dma_wait3A_301 = arith.constant 0 : i32
    %dma_wait3A_302 = tpu.memref_slice %arg16[%add3A_204, %dma_wait3A_301] : memref<10000x128xf32, #tpu.memory_space<vmem_shared>> -> memref<64x128xf32, #tpu.memory_space<vmem_shared>>
    tpu.wait_dma2 semaphore(%arg17 : memref<!tpu.dma_semaphore, #tpu.memory_space<semaphore_mem>>) src(%dma_wait3A_302 : memref<64x128xf32, #tpu.memory_space<vmem_shared>>) dst(%dma_wait3A_300 : memref<64x128xf32, #tpu.memory_space<hbm>>)
    %dma_wait3A_303 = arith.constant 0 : i32
    %dma_wait3A_304 = tpu.memref_slice %arg5[%arg0, %add3A_210, %dma_wait3A_303] : memref<2x10000x128xf32, #tpu.memory_space<hbm>> -> memref<1x64x128xf32, #tpu.memory_space<hbm>>
    %dma_wait3A_305 = tpu.memref_squeeze %dma_wait3A_304 : memref<1x64x128xf32, #tpu.memory_space<hbm>> -> memref<64x128xf32, #tpu.memory_space<hbm>>
    %dma_wait3A_306 = arith.constant 0 : i32
    %dma_wait3A_307 = tpu.memref_slice %arg16[%add3A_208, %dma_wait3A_306] : memref<10000x128xf32, #tpu.memory_space<vmem_shared>> -> memref<64x128xf32, #tpu.memory_space<vmem_shared>>
    tpu.wait_dma2 semaphore(%arg17 : memref<!tpu.dma_semaphore, #tpu.memory_space<semaphore_mem>>) src(%dma_wait3A_307 : memref<64x128xf32, #tpu.memory_space<vmem_shared>>) dst(%dma_wait3A_305 : memref<64x128xf32, #tpu.memory_space<hbm>>)
    %dma_wait3A_308 = arith.constant 0 : i32
    %dma_wait3A_309 = tpu.memref_slice %arg5[%arg0, %add3A_214, %dma_wait3A_308] : memref<2x10000x128xf32, #tpu.memory_space<hbm>> -> memref<1x64x128xf32, #tpu.memory_space<hbm>>
    %dma_wait3A_310 = tpu.memref_squeeze %dma_wait3A_309 : memref<1x64x128xf32, #tpu.memory_space<hbm>> -> memref<64x128xf32, #tpu.memory_space<hbm>>
    %dma_wait3A_311 = arith.constant 0 : i32
    %dma_wait3A_312 = tpu.memref_slice %arg16[%add3A_212, %dma_wait3A_311] : memref<10000x128xf32, #tpu.memory_space<vmem_shared>> -> memref<64x128xf32, #tpu.memory_space<vmem_shared>>
    tpu.wait_dma2 semaphore(%arg17 : memref<!tpu.dma_semaphore, #tpu.memory_space<semaphore_mem>>) src(%dma_wait3A_312 : memref<64x128xf32, #tpu.memory_space<vmem_shared>>) dst(%dma_wait3A_310 : memref<64x128xf32, #tpu.memory_space<hbm>>)
    %dma_wait3A_313 = arith.constant 0 : i32
    %dma_wait3A_314 = tpu.memref_slice %arg5[%arg0, %add3A_218, %dma_wait3A_313] : memref<2x10000x128xf32, #tpu.memory_space<hbm>> -> memref<1x64x128xf32, #tpu.memory_space<hbm>>
    %dma_wait3A_315 = tpu.memref_squeeze %dma_wait3A_314 : memref<1x64x128xf32, #tpu.memory_space<hbm>> -> memref<64x128xf32, #tpu.memory_space<hbm>>
    %dma_wait3A_316 = arith.constant 0 : i32
    %dma_wait3A_317 = tpu.memref_slice %arg16[%add3A_216, %dma_wait3A_316] : memref<10000x128xf32, #tpu.memory_space<vmem_shared>> -> memref<64x128xf32, #tpu.memory_space<vmem_shared>>
    tpu.wait_dma2 semaphore(%arg17 : memref<!tpu.dma_semaphore, #tpu.memory_space<semaphore_mem>>) src(%dma_wait3A_317 : memref<64x128xf32, #tpu.memory_space<vmem_shared>>) dst(%dma_wait3A_315 : memref<64x128xf32, #tpu.memory_space<hbm>>)
    %dma_wait3A_318 = arith.constant 0 : i32
    %dma_wait3A_319 = tpu.memref_slice %arg5[%arg0, %add3A_222, %dma_wait3A_318] : memref<2x10000x128xf32, #tpu.memory_space<hbm>> -> memref<1x64x128xf32, #tpu.memory_space<hbm>>
    %dma_wait3A_320 = tpu.memref_squeeze %dma_wait3A_319 : memref<1x64x128xf32, #tpu.memory_space<hbm>> -> memref<64x128xf32, #tpu.memory_space<hbm>>
    %dma_wait3A_321 = arith.constant 0 : i32
    %dma_wait3A_322 = tpu.memref_slice %arg16[%add3A_220, %dma_wait3A_321] : memref<10000x128xf32, #tpu.memory_space<vmem_shared>> -> memref<64x128xf32, #tpu.memory_space<vmem_shared>>
    tpu.wait_dma2 semaphore(%arg17 : memref<!tpu.dma_semaphore, #tpu.memory_space<semaphore_mem>>) src(%dma_wait3A_322 : memref<64x128xf32, #tpu.memory_space<vmem_shared>>) dst(%dma_wait3A_320 : memref<64x128xf32, #tpu.memory_space<hbm>>)
    return
  }
}

</mosaic_0001>

<sc_bundles>
// kernel: _sc_routing.3.cloned.1.call-start
scs
__scs_entry_jumppad:
0x0: {  	(pc) =	sbr.rel $0x88, $3  }
0x1: {  	(tag) =	ssettag $0x0;
	lr =	simm.s32 $0x1  }
0x2: {  	[smem:$0x3F9E] =	sst lr;
	_ =	strace $0xD0000000  }
0x3: {  	_ = 	snop  }
0x4: {  	_ = 	snop  }
0x5: {  	_ = 	snop  }
0x6: {  	_ = 	snop  }
0x7: {  	_ = 	snop  }
__scs_overlays_trampoline_lowered:
0x8: {  	[smem:$0x3FAD] =	sst s0  }
0x9: {  	[smem:$0x3FAE] =	sst s1  }
0xa: {  	[smem:$0x3FAF] =	sst s2  }
0xb: {  	[smem:$0x3FB0] =	sst s3  }
0xc: {  	[smem:$0x3FB1] =	sst s4  }
0xd: {  	[smem:$0x3FB2] =	sst s5  }
0xe: {  	[smem:$0x3FB3] =	sst s6  }
0xf: {  	[smem:$0x3FB4] =	sst s7  }
0x10: {  	[smem:$0x3FB5] =	sst s8  }
0x11: {  	[smem:$0x3FB6] =	sst s9;
	s0 =	simm.s32 @!p0 $0x0  }
0x12: {  	s1 =	sld [smem:$0x3F9C];
	s0 =	simm.s32 @p0 $0x1  }
0x13: {  	[smem:$0x3FB7] =	sst s0;
	s0 =	simm.s32 @!p1 $0x0  }
0x14: {  	s2 =	sld [smem:$0x3F9B];
	s0 =	simm.s32 @p1 $0x1  }
0x15: {  	[smem:$0x3FB8] =	sst s0;
	s0 =	simm.s32 @!p2 $0x0  }
0x16: {  	s3 =	sld [smem:$0x3FDB];
	s0 =	simm.s32 @p2 $0x1  }
0x17: {  	s4 =	simm.s32 $0x1BF5;
	[smem:$0x3FBA] =	sst s0  }
0x18: {  	s0 =	sld [smem:$0x3F9D];
	_ =	swait.ge [sflag:s4], $0x0  }
0x19: {  	s7 =	sld [smem:$0x3F9E]  }
0x1a: {  	s8 =	sadd.s32 $0xFFFFE003, lr  }
0x1b: {  	s9 =	sadd.s32 $0xFFFFFEF7, lr;
	s5 =	simm.s32 $0xFFFFFFFF;
	p2 =	slt.u32 s8, $0xFFFFF086  }
0x1c: {  	p1 =	slt.u32 s9, $0xF7A;
	s5 =	simm.s32 @!p2 $0x0  }
0x1d: {  	s5 =	simm.s32 @p1 $0x1;
	p0 =	seq.s32 s7, s2  }
0x1e: {  	s7 =	smul.u32 @!p0 $0xF7A, s2;
	p2 =	seq.s32 @!p0 s5, $0x0  }
0x1f: {  	s9 =	smul.u32 $0xF7A, s1;
	s8 =	simm.s32 @!p0 $0x1BF5;
	p2 =	por !p2, p0  }
0x20: {  	[sflag:s8] =	ssyncset.s32 @!p0 $0xFFFFF086;
	s6 =	sadd.s32 @!p0 s3, s7;
	s7 =	simm.s32 @!p0 $0x108  }
0x21: {  	s3 =	sadd.s32 s3, s9;
	s6 =	sadd.s32 @!p0 $0x88, s6;
	s7 =	simm.s32 @p2 $0x1082  }
0x22: {  	[simem:s7], [sflag:s8] =	dma.local @!p0 [hbm:s6], $0xF7A  }
0x23: {  	s9 =	sor.u32 $0xD0000000, s2;
	s6 =	simm.s32 $0x108;
	_ =	swait.ge @!p0 [sflag:s8], $0x0  }
0x24: {  	s3 =	sadd.s32 $0x88, s3;
	s6 =	simm.s32 @!p1 $0x1082;
	[sflag:s4] =	ssyncset.s32 $0xFFFFF086  }
0x25: {  	[simem:s6], [sflag:s4] =	dma.local [hbm:s3], $0xF7A  }
0x26: {  	[smem:$0x3F9E] =	sst s1;
	(tag) =	ssettag s2;
	_ =	strace s9  }
0x27: {  	s1 =	sld [smem:$0x3FAE]  }
0x28: {  	s2 =	sld [smem:$0x3FAF]  }
0x29: {  	s4 =	sld [smem:$0x3FB1]  }
0x2a: {  	p0 =	seq.s32 s5, $0x0;
	s5 =	sld [smem:$0x3FB2]  }
0x2b: {  	s6 =	sld [smem:$0x3FB3]  }
0x2c: {  	s7 =	sld [smem:$0x3FB4]  }
0x2d: {  	s3 =	simm.s32 $0x108;
	s8 =	sld [smem:$0x3FB5]  }
0x2e: {  	s3 =	simm.s32 @!p0 $0x1082;
	s9 =	sld [smem:$0x3FB6]  }
0x2f: {  	lr =	sadd.s32 s0, s3;
	s0 =	sld [smem:$0x3FAD]  }
0x30: {  	s3 =	sld [smem:$0x3FB0]  }
0x31: {  	[smem:$0x3FB9] =	sst s10  }
0x32: {  	s10 =	sld [smem:$0x3FB7];
	_ =	sdelay $0x3  }
0x33: {  	p0 =	seq.s32 s10, $0x1;
	s10 =	sld [smem:$0x3FB9];
	_ =	sdelay $0x3  }
0x34: {  	[smem:$0x3FB9] =	sst s10  }
0x35: {  	s10 =	sld [smem:$0x3FB8];
	_ =	sdelay $0x3  }
0x36: {  	p1 =	seq.s32 s10, $0x1;
	s10 =	sld [smem:$0x3FB9];
	_ =	sdelay $0x3  }
0x37: {  	[smem:$0x3FB9] =	sst s10  }
0x38: {  	s10 =	sld [smem:$0x3FBA]  }
0x39: {  	_ = 	snop;
	(pc) =	sbr.ind lr, $3  }
0x3a: {  	_ = 	snop  }
0x3b: {  	_ = 	snop  }
0x3c: {  	p2 =	seq.s32 s10, $0x1;
	s10 =	sld [smem:$0x3FB9]  }
0x3d: {  	_ =	shalt  }
0x3e: {  	_ =	shalt  }
0x3f: {  	_ =	shalt  }
0x40: {  	_ =	shalt  }
0x41: {  	_ =	shalt  }
0x42: {  	_ =	shalt  }
0x43: {  	_ =	shalt  }
0x44: {  	_ =	shalt  }
0x45: {  	_ =	shalt  }
0x46: {  	_ =	shalt  }
0x47: {  	_ =	shalt  }
0x48: {  	_ =	shalt  }
0x49: {  	_ =	shalt  }
0x4a: {  	_ =	shalt  }
0x4b: {  	_ =	shalt  }
0x4c: {  	_ =	shalt  }
0x4d: {  	_ =	shalt  }
0x4e: {  	_ =	shalt  }
0x4f: {  	_ =	shalt  }
0x50: {  	_ =	shalt  }
0x51: {  	_ =	shalt  }
0x52: {  	_ =	shalt  }
0x53: {  	_ =	shalt  }
0x54: {  	_ =	shalt  }
0x55: {  	_ =	shalt  }
0x56: {  	_ =	shalt  }
0x57: {  	_ =	shalt  }
0x58: {  	_ =	shalt  }
0x59: {  	_ =	shalt  }
0x5a: {  	_ =	shalt  }
0x5b: {  	_ =	shalt  }
0x5c: {  	_ =	shalt  }
0x5d: {  	_ =	shalt  }
0x5e: {  	_ =	shalt  }
0x5f: {  	_ =	shalt  }
0x60: {  	_ =	shalt  }
0x61: {  	_ =	shalt  }
0x62: {  	_ =	shalt  }
0x63: {  	_ =	shalt  }
0x64: {  	_ =	shalt  }
0x65: {  	_ =	shalt  }
0x66: {  	_ =	shalt  }
0x67: {  	_ =	shalt  }
0x68: {  	_ =	shalt  }
0x69: {  	_ =	shalt  }
0x6a: {  	_ =	shalt  }
0x6b: {  	_ =	shalt  }
0x6c: {  	_ =	shalt  }
0x6d: {  	_ =	shalt  }
0x6e: {  	_ =	shalt  }
0x6f: {  	_ =	shalt  }
0x70: {  	_ =	shalt  }
0x71: {  	_ =	shalt  }
0x72: {  	_ =	shalt  }
0x73: {  	_ =	shalt  }
0x74: {  	_ =	shalt  }
0x75: {  	_ =	shalt  }
0x76: {  	_ =	shalt  }
0x77: {  	_ =	shalt  }
0x78: {  	_ =	shalt  }
0x79: {  	_ =	shalt  }
0x7a: {  	_ =	shalt  }
0x7b: {  	_ =	shalt  }
0x7c: {  	_ =	shalt  }
0x7d: {  	_ =	shalt  }
0x7e: {  	_ =	shalt  }
0x7f: {  	_ =	shalt  }
0x80: {  	_ =	shalt  }
0x81: {  	_ =	shalt  }
0x82: {  	_ =	shalt  }
0x83: {  	_ =	shalt  }
0x84: {  	_ =	shalt  }
0x85: {  	_ =	shalt  }
0x86: {  	_ =	shalt  }
0x87: {  	_ =	shalt  }
.Lfunc_end0:
.L_simem_size_0:
called_computation_lowered:
.L_overlay_start_0:
0x88: {  	s2 =	sld [smem:$0x3FD9]  }
0x89: {  	s3 =	sld [smem:$0x3FFE];
	_ =	sdelay $0x1  }
0x8a: {  	s1 =	srdreg.scid  }
0x8b: {  	s0 =	sand.u32 $0x1, s1  }
0x8c: {  	s18 =	sshll.u32 s0, $0xA;
	s2 =	sadd.s32 s3, s2  }
0x8d: {  	s2 =	sadd.s32 s2, s18  }
0x8e: {  	[smem:$0x3FC5] =	sst s2  }
0x8f: {  	_ = 	snop  }
0x90: {  	s2 =	sld [smem:$0x3FC9]  }
0x91: {  	s19 =	sld [smem:$0x3FC8]  }
0x92: {  	s4 =	sld [smem:$0x3FC7]  }
0x93: {  	s5 =	sld [smem:$0x3FD0];
	(tm) =	ssettm $0x1  }
0x94: {  	s6 =	sld [smem:$0x3FFB];
	_ =	sdelay $0x3  }
0x95: {  	_ =	strace s6  }
0x96: {  	s6 =	sld [smem:$0x3FFC];
	_ =	sdelay $0x3  }
0x97: {  	_ =	strace s6  }
0x98: {  	s6 =	sld [smem:$0x3FFD];
	_ =	sdelay $0x3  }
0x99: {  	_ =	strace s6  }
0x9a: {  	_ =	strace $0x8FFFFFFF  }
0x9b: {  	s20 =	sld [smem:$0x3FDB];
	_ =	sdelay $0x1  }
0x9c: {  	s7 =	simm.s32 $_scs_section_size  }
0x9d: {  	s8 =	simm.s32 $_size__tile_overlayer_lowered;
	s9 =	simm.s32 $_tile_overlayer_lowered  }
0x9e: {  	s23 =	simm.s32 $0x1BFF;
	s22 =	sshll.u32 s9, $0x1;
	s6 =	sadd.s32 s7, s20  }
0x9f: {  	s10 =	simm.s32 $0x0;
	s21 =	sshll.u32 s8, $0x1;
	s8 =	sadd.s32 s22, s6  }
0xa0: {  	[timem:s10], [sflag:s23] =	dma.local [hbm:s8], s21  }
0xa1: {  	_ =	swait.ge [sflag:s23], s21  }
0xa2: {  	s7 =	ssub.s32 $0x0, s21;
	[sflag:s23] =	ssyncset.done $0x0  }
0xa3: {  	[sflag:s23] =	ssyncadd.s32 s7;
	_ =	sdelay $0x1  }
0xa4: {  	s24 =	simm.s32 $0x1B8B  }
0xa5: {  	_ =	swait.ge [sflag:s24], $0x1  }
0xa6: {  	[sflag:s24] =	ssyncset.done $0x0  }
0xa7: {  	s25 =	simm.s32 $0x1B8E;
	[sflag:s24] =	ssyncadd.s32 $0xFFFFFFFF  }
0xa8: {  	s26 =	simm.s32 $execute0_lowered;
	[smem:$0x3FD2] =	sst s25  }
0xa9: {  	s7 =	sshll.u32 s26, $0x1;
	_ =	strace $0x80000046;
	[dreg:$0x1] =	wrdreg $0xFFFFFFFF  }
0xaa: {  	s28 =	simm.s32 $_size_execute0_lowered;
	s6 =	sadd.s32 s6, s7;
	[dreg:$0x0] =	wrdreg $0x0  }
0xab: {  	s7 =	sshll.u32 s28, $0x1;
	[dreg:$0x2] =	wrdreg s6  }
0xac: {  	[dreg:$0x3] =	wrdreg s7  }
0xad: {  	[dreg:$0x4] =	wrdreg $0xC0  }
0xae: {  	_ =	task [dreg:s10], $0x5FFFF  }
0xaf: {  	[dreg:$0x1] =	wrdreg $0xFFFFFFFF  }
0xb0: {  	[dreg:$0x0] =	wrdreg $0x60  }
0xb1: {  	[dreg:$0x2] =	wrdreg s2  }
0xb2: {  	[dreg:$0x3] =	wrdreg s19  }
0xb3: {  	[dreg:$0x4] =	wrdreg s4  }
0xb4: {  	[dreg:$0x5] =	wrdreg s5  }
0xb5: {  	[dreg:$0x6] =	wrdreg $0xC3000  }
0xb6: {  	[dreg:$0x7] =	wrdreg $0x9  }
0xb7: {  	_ =	task.clear_ibuf [dreg:s10], $0x8FFFF;
	_ =	strace $0x90000046  }
0xb8: {  	s29 =	simm.s32 $0x9;
	_ =	strace $0x80000048  }
0xb9: {  	_ =	swait.ge [sflag:s29], $0x1  }
0xba: {  	[sflag:s29] =	ssyncadd.s32 $0xFFFFFFFF  }
0xbb: {  	_ =	strace $0x90000048  }
0xbc: {  	_ =	sfence  }
0xbd: {  	s30 =	sld [smem:$0x0];
	_ =	sdelay $0x2  }
0xbe: {  	s31 =	sshll.u32 s1, $0xD;
	s1 =	sshrl.u32 s1, $0x2  }
0xbf: {  	s3 =	sand.u32 $0x4000, s31;
	s1 =	sadd.s32 s1, s30  }
0xc0: {  	s0 =	sor.u32 s3, s0;
	s1 =	sshll.u32 s1, $0x11  }
0xc1: {  	s0 =	sor.u32 s1, s0  }
0xc2: {  	s0 =	sadd.s32 $0x8F2B, s0  }
0xc3: {  	[sflag:s0] =	ssyncadd.remote.s32 $0x1  }
0xc4: {  	_ =	sfence.sel $0xFFFF  }
0xc5: {  	[dreg:$0x0] =	wrdreg $0xFFFFFFFF;
	(pc) =	sbr.abs _section_cstart, $3  }
0xc6: {  	[dreg:$0x1] =	wrdreg $0xFFFFFFFF  }
0xc7: {  	_ =	task.clear_ibuf [dreg:s10], $0x2FFFF;
	_ =	strace $0x9FFFFFFF  }
0xc8: {  	(tm) =	ssettm $0x7FFFFFFF  }
0xc9: {  	_ =	shalt  }
tec
execute0_lowered:
.L_overlay_start_1:
0x0: {  	(tag) =	ssettag $0x1  }
0x1: {  	s0 =	rddreg [dreg:$0x0]  }
0x2: {  	s1 =	rddreg [dreg:$0x1]  }
0x3: {  	s2 =	srdreg.scid;
	s5 =	rddreg [dreg:$0x3];
	s3 =	simm.s32 $0x0  }
0x4: {  	s20 =	stileid.u32;
	s31 =	simm.s32 $0x40;
	s28 =	simm.s32 $0xA300  }
0x5: {  	s29 =	simm.s32 $0x6;
	s6 =	sand.u32 $0x1, s2;
	s7 =	sshll.u32 s20, $0x1  }
0x6: {  	s8 =	smul.u32 $0x13800, s20;
	[smem:$0x7FF] =	sst s3;
	s2 =	ssub.s32 $0x2, s6  }
0x7: {  	s13 =	smul.u32 $0x138800, s6;
	p0 =	seq.s32 s6, $0x1;
	s4 =	sshrl.u32 s2, $0x1  }
0x8: {  	s9 =	sadd.s32 $0x4000, s8;
	s10 =	sadd.s32 $0x6000, s8;
	s11 =	sadd.s32 $0x8000, s8  }
0x9: {  	s12 =	sadd.s32 $0xA000, s8;
	s14 =	sadd.s32 $0xC000, s8;
	s15 =	sadd.s32 $0xE000, s8  }
0xa: {  	s16 =	sadd.s32 $0x10000, s8;
	s17 =	sadd.s32 $0x12000, s8;
	s2 =	ssub.s32 s2, s4  }
0xb: {  	s4 =	sor.u32 s6, s7;
	s7 =	sadd.s32 $0x2000, s8;
	s8 =	sadd.s32 s8, s13  }
0xc: {  	s19 =	sadd.s32 s13, s11;
	s18 =	sadd.s32 s13, s7;
	s24 =	sshrl.u32 s8, $0x3  }
0xd: {  	s8 =	sadd.s32 s13, s9;
	s22 =	sshrl.u32 s19, $0x3;
	p1 =	seq.s32 s4, $0x0  }
0xe: {  	s2 =	smax.u32 s2, $0x1;
	s25 =	sshrl.u32 s18, $0x3;
	s6 =	sadd.s32 s5, s24  }
0xf: {  	s18 =	sadd.s32 s13, s10;
	s23 =	sadd.s32 s5, s22;
	s24 =	sadd.s32 s13, s12  }
0x10: {  	p1 =	por !p1, !p0;
	[dreg:$0x6] =	wrdreg s6;
	s26 =	sadd.s32 s5, s25  }
0x11: {  	s6 =	sshrl.u32 s8, $0x3;
	s21 =	sshrl.u32 s18, $0x3;
	[dreg:$0xa] =	wrdreg s23  }
0x12: {  	s25 =	sadd.s32 s13, s14;
	s23 =	sadd.s32 s13, s16;
	[dreg:$0x7] =	wrdreg s26  }
0x13: {  	s6 =	sadd.s32 s5, s6;
	s19 =	sshrl.u32 s25, $0x3;
	s25 =	rddreg [dreg:$0x2]  }
0x14: {  	s26 =	sadd.s32 s13, s15;
	[dreg:$0x8] =	wrdreg s6;
	s6 =	sadd.s32 s5, s21  }
0x15: {  	s21 =	sshrl.u32 s26, $0x3;
	[dreg:$0x9] =	wrdreg s6;
	s6 =	sshrl.u32 s24, $0x3  }
0x16: {  	s22 =	sadd.s32 s5, s21;
	s24 =	sadd.s32 s13, s17;
	s13 =	rddreg [dreg:$0x4]  }
0x17: {  	p1 =	por !p1, !p1;
	s6 =	sadd.s32 s5, s6;
	[dreg:$0xd] =	wrdreg s22  }
0x18: {  	s26 =	smul.u32 $0x4E, s4;
	[dreg:$0xb] =	wrdreg s6;
	s6 =	sadd.s32 s5, s19  }
0x19: {  	s30 =	sadd.s32 $0x20, s25;
	[dreg:$0xc] =	wrdreg s6;
	s6 =	sshrl.u32 s23, $0x3  }
0x1a: {  	s8 =	sshrl.u32 s24, $0x3;
	s22 =	sadd.s32 s7, s13;
	s6 =	sadd.s32 s5, s6  }
0x1b: {  	s7 =	sadd.s32 s10, s13;
	s5 =	sadd.s32 s5, s8;
	[dreg:$0xe] =	wrdreg s6  }
0x1c: {  	s10 =	sadd.s32 s14, s13;
	s19 =	smul.u32 $0x4E000, s20;
	[dreg:$0xf] =	wrdreg s5  }
0x1d: {  	s8 =	sadd.s32 s11, s13;
	_ =	strace $0x80000047;
	[dreg:$0x11] =	wrdreg s7  }
0x1e: {  	s23 =	sadd.s32 s9, s13;
	s9 =	sadd.s32 s12, s13;
	[dreg:$0x12] =	wrdreg s8  }
0x1f: {  	s14 =	sadd.s32 s16, s13;
	s12 =	smul.u32 $0x9C0, s4;
	[dreg:$0x13] =	wrdreg s9  }
0x20: {  	s11 =	sadd.s32 s15, s13;
	s15 =	sadd.s32 s17, s13;
	[dreg:$0x14] =	wrdreg s10  }
0x21: {  	s6 =	sshrl.u32 s19, $0x2;
	s5 =	simm.s32 $0x1;
	[dreg:$0x15] =	wrdreg s11  }
0x22: {  	s16 =	sadd.s32 s25, s12;
	s12 =	simm.s32 $0x300;
	[dreg:$0x16] =	wrdreg s14  }
0x23: {  	s21 =	sadd.s32 s6, s13;
	s5 =	simm.s32 @!p1 $0x0;
	[dreg:$0x17] =	wrdreg s15  }
0x24: {  	[dreg:$0x18] =	wrdreg s16;
	s6 =	simm.s32 $0x380;
	s7 =	simm.s32 $0x3C0  }
0x25: {  	[dreg:$0x1c] =	wrdreg s2;
	s2 =	simm.s32 $0x1;
	s8 =	simm.s32 $0x200  }
0x26: {  	s9 =	simm.s32 $0x8300;
	s10 =	simm.s32 $0x7;
	s11 =	simm.s32 $0x3  }
0x27: {  	s14 =	simm.s32 $0x5;
	s15 =	simm.s32 $0x280;
	s5 =	ssub.s32 s20, s5  }
0x28: {  	s16 =	simm.s32 $0x0;
	[dreg:$0x10] =	wrdreg s22;
	s5 =	sshll.u32 s5, $0x8  }
0x29: {  	s6 =	simm.s32 @!p0 $0x280;
	s7 =	simm.s32 @!p0 $0x2C0;
	s5 =	sadd.s32 $0x9C000, s5  }
0x2a: {  	s24 =	sshrl.u32 s6, $0x2;
	s6 =	simm.s32 $0x2;
	s17 =	sshrl.u32 s5, $0x3  }
0x2b: {  	[dreg:$0x1f] =	wrdreg s24;
	s5 =	simm.s32 $0xC0;
	s4 =	sadd.s32 s25, s17  }
0x2c: {  	s5 =	simm.s32 @!p0 $0x80;
	s25 =	sshrl.u32 s7, $0x2;
	[dreg:$0x19] =	wrdreg s4  }
0x2d: {  	s4 =	simm.s32 $0x40;
	[dreg:$0x1b] =	wrdreg s5;
	s5 =	simm.s32 $0x340  }
.Ltmp0:
0x2e: {  	[smem:$0x7FD] =	sst s25;
	s4 =	simm.s32 @!p0 $0x0;
	(pc) =	sbr.rel .LBB2_1-.Ltmp0, $4  }
0x2f: {  	s5 =	simm.s32 @!p0 $0x240;
	[dreg:$0x1a] =	wrdreg s4;
	s4 =	simm.s32 $0x300  }
0x30: {  	s4 =	simm.s32 @!p0 $0x200;
	p0 =	sgt.u32 s20, $0x3;
	s20 =	sshrl.u32 s5, $0x2  }
0x31: {  	s7 =	simm.s32 $0x4;
	s19 =	sshrl.u32 s4, $0x2;
	[dreg:$0x1e] =	wrdreg s20  }
0x32: {  	v0 =	vimm.f32 $0.0e+00;
	s5 =	simm.s32 $0x4300;
	s4 =	simm.s32 $0x80;
	[dreg:$0x1d] =	wrdreg s19  }
.LBB2_17:
0x33: {  	s17 =	stileid.u32  }
0x34: {  	[bflag:$0x0] =	sbarrier.arrive $0xFFFF;
	s17 =	sshll.u32 s17, $0x6  }
0x35: {  	s18 =	sshrl.u32 s24, $0x3;
	s19 =	rddreg [dreg:$0x6];
	s17 =	sor.u32 $0x1C01, s17  }
0x36: {  	[hbm:s19], [sflag:s17] =	dma.local [spmem:s18], $0x400  }
0x37: {  	s22 =	rddreg [dreg:$0x10]  }
0x38: {  	s19 =	rddreg [dreg:$0x7];
	s20 =	sshrl.u32 s22, $0x3  }
0x39: {  	[hbm:s19], [sflag:s17] =	dma.local [spmem:s20], $0x400  }
0x3a: {  	s21 =	smov.u32 s24;
	s24 =	sshrl.u32 s23, $0x3;
	s19 =	rddreg [dreg:$0x8]  }
0x3b: {  	[hbm:s19], [sflag:s17] =	dma.local [spmem:s24], $0x400  }
0x3c: {  	s18 =	rddreg [dreg:$0x11]  }
0x3d: {  	s19 =	rddreg [dreg:$0x9];
	s18 =	sshrl.u32 s18, $0x3  }
0x3e: {  	[hbm:s19], [sflag:s17] =	dma.local [spmem:s18], $0x400  }
0x3f: {  	s18 =	rddreg [dreg:$0x12]  }
0x40: {  	s19 =	rddreg [dreg:$0xa];
	s18 =	sshrl.u32 s18, $0x3  }
0x41: {  	[hbm:s19], [sflag:s17] =	dma.local [spmem:s18], $0x400  }
0x42: {  	s18 =	rddreg [dreg:$0x13]  }
0x43: {  	s19 =	rddreg [dreg:$0xb];
	s18 =	sshrl.u32 s18, $0x3  }
0x44: {  	[hbm:s19], [sflag:s17] =	dma.local [spmem:s18], $0x400  }
0x45: {  	s18 =	rddreg [dreg:$0x14]  }
0x46: {  	s19 =	rddreg [dreg:$0xc];
	s18 =	sshrl.u32 s18, $0x3  }
0x47: {  	[hbm:s19], [sflag:s17] =	dma.local [spmem:s18], $0x400  }
0x48: {  	s18 =	rddreg [dreg:$0x15]  }
0x49: {  	s19 =	rddreg [dreg:$0xd];
	s18 =	sshrl.u32 s18, $0x3  }
0x4a: {  	[hbm:s19], [sflag:s17] =	dma.local [spmem:s18], $0x400  }
0x4b: {  	s18 =	rddreg [dreg:$0x16]  }
0x4c: {  	s19 =	rddreg [dreg:$0xe];
	s18 =	sshrl.u32 s18, $0x3  }
0x4d: {  	[hbm:s19], [sflag:s17] =	dma.local [spmem:s18], $0x400  }
0x4e: {  	s18 =	rddreg [dreg:$0x17]  }
0x4f: {  	s19 =	rddreg [dreg:$0xf];
	s18 =	sshrl.u32 s18, $0x3  }
0x50: {  	[hbm:s19], [sflag:s17] =	dma.local [spmem:s18], $0x400  }
0x51: {  	_ =	swait.ge [sflag:s2], $0x400  }
0x52: {  	[sflag:s2] =	ssyncset.done $0x0  }
0x53: {  	[sflag:s2] =	ssyncadd.s32 $0xFFFFFC00  }
0x54: {  	_ =	swait.ge [sflag:s2], $0x400  }
0x55: {  	[sflag:s2] =	ssyncset.done $0x0  }
0x56: {  	[sflag:s2] =	ssyncadd.s32 $0xFFFFFC00  }
0x57: {  	_ =	swait.ge [sflag:s2], $0x400  }
0x58: {  	[sflag:s2] =	ssyncset.done $0x0  }
0x59: {  	[sflag:s2] =	ssyncadd.s32 $0xFFFFFC00  }
0x5a: {  	_ =	swait.ge [sflag:s2], $0x400  }
0x5b: {  	[sflag:s2] =	ssyncset.done $0x0  }
0x5c: {  	[sflag:s2] =	ssyncadd.s32 $0xFFFFFC00  }
0x5d: {  	_ =	swait.ge [sflag:s2], $0x400  }
0x5e: {  	[sflag:s2] =	ssyncset.done $0x0  }
0x5f: {  	[sflag:s2] =	ssyncadd.s32 $0xFFFFFC00  }
0x60: {  	_ =	swait.ge [sflag:s2], $0x400  }
0x61: {  	[sflag:s2] =	ssyncset.done $0x0  }
0x62: {  	[sflag:s2] =	ssyncadd.s32 $0xFFFFFC00  }
0x63: {  	_ =	swait.ge [sflag:s2], $0x400  }
0x64: {  	[sflag:s2] =	ssyncset.done $0x0  }
0x65: {  	[sflag:s2] =	ssyncadd.s32 $0xFFFFFC00  }
0x66: {  	_ =	swait.ge [sflag:s2], $0x400  }
0x67: {  	[sflag:s2] =	ssyncset.done $0x0  }
0x68: {  	[sflag:s2] =	ssyncadd.s32 $0xFFFFFC00  }
0x69: {  	_ =	swait.ge [sflag:s2], $0x400  }
0x6a: {  	[sflag:s2] =	ssyncset.done $0x0  }
0x6b: {  	[sflag:s2] =	ssyncadd.s32 $0xFFFFFC00  }
0x6c: {  	_ =	swait.ge [sflag:s2], $0x400  }
0x6d: {  	s16 =	sadd.s32 $0x1, s16;
	s25 =	rddreg [dreg:$0x1c]  }
0x6e: {  	p1 =	sne.s32 s16, s25  }
.Ltmp1:
0x6f: {  	_ = 	snop;
	(pc) =	sbr.rel @!p1 .LBB2_18-.Ltmp1, $3  }
0x70: {  	_ =	sdelay $0x1  }
0x71: {  	[sflag:s2] =	ssyncset.done $0x0  }
0x72: {  	v0 =	vimm.f32 $0.0e+00;
	[sflag:s2] =	ssyncadd.s32 $0xFFFFFC00  }
.LBB2_1:
0x73: {  	s17 =	simm.s32 $0x0;
	s18 =	simm.s32 $0x200  }
.LBB2_2:
0x74: {  	p1 =	sne.s32 s18, $0x7E00;
	[tilespmem:s17+$0x370] =	vst v0  }
0x75: {  	[tilespmem:s17+$0x300] =	vst v0  }
0x76: {  	[tilespmem:s17+$0x310] =	vst v0  }
.Ltmp2:
0x77: {  	[tilespmem:s17+$0x320] =	vst v0;
	(pc) =	sbr.rel @p1 .LBB2_2-.Ltmp2, $4  }
0x78: {  	[tilespmem:s17+$0x330] =	vst v0  }
0x79: {  	[tilespmem:s17+$0x340] =	vst v0  }
0x7a: {  	[tilespmem:s17+$0x350] =	vst v0  }
0x7b: {  	[tilespmem:s17+$0x360] =	vst v0;
	s17 =	sshra.s32 s18, $0x2;
	s18 =	sadd.s32 $0x200, s18  }
0x7c: {  	[tilespmem:s17+$0x370] =	vst v0  }
0x7d: {  	[tilespmem:s17+$0x300] =	vst v0  }
0x7e: {  	[tilespmem:s17+$0x310] =	vst v0  }
0x7f: {  	[tilespmem:s17+$0x320] =	vst v0  }
0x80: {  	[tilespmem:s17+$0x330] =	vst v0  }
0x81: {  	[tilespmem:s17+$0x340] =	vst v0  }
0x82: {  	[tilespmem:s17+$0x350] =	vst v0  }
0x83: {  	[tilespmem:s17+$0x360] =	vst v0  }
0x84: {  	[spmem:s21] =	stream.linear.scatter [tilespmem:s12], [sflag:$0x1], $0x2000, $0x38;
	[tilespmem:$0x1FB80] =	vst v63  }
0x85: {  	_ = 	snop  }
0x86: {  	[spmem:s22] =	stream.linear.scatter [tilespmem:s12], [sflag:$0x1], $0x2000, $0x38;
	[tilespmem:$0x1FB80] =	vst v63  }
0x87: {  	_ = 	snop  }
0x88: {  	[spmem:s23] =	stream.linear.scatter [tilespmem:s12], [sflag:$0x1], $0x2000, $0x38;
	[tilespmem:$0x1FB80] =	vst v63  }
0x89: {  	s24 =	smov.u32 s21;
	s21 =	rddreg [dreg:$0x11]  }
0x8a: {  	[spmem:s21] =	stream.linear.scatter [tilespmem:s12], [sflag:$0x1], $0x2000, $0x38;
	[tilespmem:$0x1FB80] =	vst v63  }
0x8b: {  	s22 =	rddreg [dreg:$0x12]  }
0x8c: {  	[spmem:s22] =	stream.linear.scatter [tilespmem:s12], [sflag:$0x1], $0x2000, $0x38;
	[tilespmem:$0x1FB80] =	vst v63  }
0x8d: {  	s25 =	smov.u32 s23;
	s23 =	rddreg [dreg:$0x13]  }
0x8e: {  	[spmem:s23] =	stream.linear.scatter [tilespmem:s12], [sflag:$0x1], $0x2000, $0x38;
	[tilespmem:$0x1FB80] =	vst v63  }
0x8f: {  	s18 =	rddreg [dreg:$0x14]  }
0x90: {  	[spmem:s18] =	stream.linear.scatter [tilespmem:s12], [sflag:$0x1], $0x2000, $0x38;
	[tilespmem:$0x1FB80] =	vst v63  }
0x91: {  	s19 =	rddreg [dreg:$0x15]  }
0x92: {  	[spmem:s19] =	stream.linear.scatter [tilespmem:s12], [sflag:$0x1], $0x2000, $0x38;
	[tilespmem:$0x1FB80] =	vst v63  }
0x93: {  	s20 =	rddreg [dreg:$0x16]  }
0x94: {  	[spmem:s20] =	stream.linear.scatter [tilespmem:s12], [sflag:$0x1], $0x2000, $0x38;
	[tilespmem:$0x1FB80] =	vst v63  }
0x95: {  	s21 =	rddreg [dreg:$0x17]  }
0x96: {  	[spmem:s21] =	stream.linear.scatter [tilespmem:s12], [sflag:$0x1], $0x2000, $0x38;
	[tilespmem:$0x1FB80] =	vst v63  }
0x97: {  	_ =	swait.ge [sflag:s2], $0x2000  }
0x98: {  	[sflag:s2] =	ssyncset.done $0x0  }
0x99: {  	[sflag:s2] =	ssyncadd.s32 $0xFFFFE000  }
0x9a: {  	_ =	swait.ge [sflag:s2], $0x2000  }
0x9b: {  	[sflag:s2] =	ssyncset.done $0x0  }
0x9c: {  	[sflag:s2] =	ssyncadd.s32 $0xFFFFE000  }
0x9d: {  	_ =	swait.ge [sflag:s2], $0x2000  }
0x9e: {  	[sflag:s2] =	ssyncset.done $0x0  }
0x9f: {  	[sflag:s2] =	ssyncadd.s32 $0xFFFFE000  }
0xa0: {  	_ =	swait.ge [sflag:s2], $0x2000  }
0xa1: {  	[sflag:s2] =	ssyncset.done $0x0  }
0xa2: {  	[sflag:s2] =	ssyncadd.s32 $0xFFFFE000  }
0xa3: {  	_ =	swait.ge [sflag:s2], $0x2000  }
0xa4: {  	[sflag:s2] =	ssyncset.done $0x0  }
0xa5: {  	[sflag:s2] =	ssyncadd.s32 $0xFFFFE000  }
0xa6: {  	_ =	swait.ge [sflag:s2], $0x2000  }
0xa7: {  	[sflag:s2] =	ssyncset.done $0x0  }
0xa8: {  	[sflag:s2] =	ssyncadd.s32 $0xFFFFE000  }
0xa9: {  	_ =	swait.ge [sflag:s2], $0x2000  }
0xaa: {  	[sflag:s2] =	ssyncset.done $0x0  }
0xab: {  	[sflag:s2] =	ssyncadd.s32 $0xFFFFE000  }
0xac: {  	_ =	swait.ge [sflag:s2], $0x2000  }
0xad: {  	[sflag:s2] =	ssyncset.done $0x0  }
0xae: {  	[sflag:s2] =	ssyncadd.s32 $0xFFFFE000  }
0xaf: {  	_ =	swait.ge [sflag:s2], $0x2000  }
0xb0: {  	[sflag:s2] =	ssyncset.done $0x0  }
0xb1: {  	[sflag:s2] =	ssyncadd.s32 $0xFFFFE000  }
0xb2: {  	_ =	swait.ge [sflag:s2], $0x2000  }
0xb3: {  	[sflag:s2] =	ssyncset.done $0x0  }
0xb4: {  	[sflag:s2] =	ssyncadd.s32 $0xFFFFE000  }
0xb5: {  	[bflag:$0x0] =	sbarrier.arrive $0xFFFF  }
0xb6: {  	s17 =	simm.s32 $0x0;
	s18 =	rddreg [dreg:$0x18]  }
0xb7: {  	[tilespmem:s17], [sflag:$0x1] =	stream.linear.gather [hbm4b:s18+s17], $0x100, $0x38;
	[tilespmem:$0x1FB80] =	vst v63  }
0xb8: {  	_ =	swait.ge [sflag:s2], $0x100  }
0xb9: {  	[sflag:s2] =	ssyncset.done $0x0  }
0xba: {  	[sflag:s2] =	ssyncadd.s32 $0xFFFFFF00  }
0xbb: {  	[tilespmem:s12], [sflag:$0x2] =	stream.indirect.gather [hbm4b:s0+s31], $0x80, s17, s31, $0xb8;
	[tilespmem:$0x1FB80] =	vst v63  }
0xbc: {  	_ = 	snop  }
0xbd: {  	[tilespmem:s5], [sflag:$0x4] =	stream.indirect.gather [hbm4b:s1+s31], $0x80, s4, s31, $0xb8;
	[tilespmem:$0x1FB80] =	vst v63  }
0xbe: {  	s22 =	simm.s32 $0x2300  }
0xbf: {  	[tilespmem:s22], [sflag:$0x3] =	stream.indirect.gather [hbm4b:s0+s31], $0x80, s31, s31, $0xb8;
	[tilespmem:$0x1FB80] =	vst v63  }
0xc0: {  	s23 =	simm.s32 $0xC0;
	s19 =	simm.s32 $0x6300  }
0xc1: {  	[tilespmem:s19], [sflag:$0x5] =	stream.indirect.gather [hbm4b:s1+s31], $0x80, s23, s31, $0xb8;
	[tilespmem:$0x1FB80] =	vst v63  }
.LBB2_4:
0xc2: {  	p2 =	seq.s32 s17, $0x0  }
0xc3: {  	s18 =	simm.s32 @!p2 $0x6  }
0xc4: {  	_ =	swait.ge @!p2 [sflag:s18], $0x2000  }
0xc5: {  	[sflag:s18] =	ssyncset.done @!p2 $0x0  }
0xc6: {  	[sflag:s18] =	ssyncadd.s32 @!p2 $0xFFFFE000  }
0xc7: {  	_ =	swait.ge [sflag:s6], $0x2000  }
0xc8: {  	[sflag:s6] =	ssyncset.done $0x0  }
0xc9: {  	[sflag:s6] =	ssyncadd.s32 $0xFFFFE000  }
0xca: {  	_ =	swait.ge [sflag:s7], $0x2000  }
0xcb: {  	s18 =	sand.u32 $0x1, s17;
	[sflag:s7] =	ssyncset.done $0x0  }
0xcc: {  	p1 =	sne.s32 s18, $0x0;
	[sflag:s7] =	ssyncadd.s32 $0xFFFFE000  }
0xcd: {  	v0 =	vld @!p1 [tilespmem:$0x80]  }
0xce: {  	v1 =	vld @!p1 [tilespmem:$0x90]  }
0xcf: {  	v2 =	vld @!p1 [tilespmem:$0xA0]  }
0xd0: {  	v3 =	vld @!p1 [tilespmem:$0xB0];
	_ =	sdelay $0x1  }
0xd1: {  	[tilespmem:$0x200] =	vst @!p1 v0  }
0xd2: {  	s19 =	sadd.s32 @!p1 s26, s17;
	[tilespmem:$0x210] =	vst @!p1 v1  }
0xd3: {  	p3 =	seq.s32 s18, $0x0;
	s19 =	sshll.u32 @!p1 s19, $0x5;
	[tilespmem:$0x220] =	vst @!p1 v2  }
0xd4: {  	s20 =	simm.s32 @!p1 $0x0;
	s21 =	simm.s32 @!p1 $0x100;
	s19 =	sadd.s32 @!p1 s19, s30;
	[tilespmem:$0x230] =	vst @!p1 v3  }
0xd5: {  	[tilespmem:s21], [sflag:$0x1] =	stream.linear.gather @!p1 [hbm4b:s19+s20], $0x100, $0x38;
	[tilespmem:$0x1FB80] =	vst v63  }
0xd6: {  	v0 =	vld @!p3 [tilespmem:$0x180]  }
0xd7: {  	v1 =	vld @!p3 [tilespmem:$0x190]  }
0xd8: {  	v2 =	vld @!p3 [tilespmem:$0x1A0]  }
0xd9: {  	v3 =	vld @!p3 [tilespmem:$0x1B0]  }
0xda: {  	p4 =	seq.s32 @!p3 s17, $0x4D  }
0xdb: {  	p4 =	por p4, p3;
	[tilespmem:$0x200] =	vst @!p3 v0  }
0xdc: {  	s19 =	sadd.s32 @!p4 s26, s17;
	[tilespmem:$0x210] =	vst @!p3 v1  }
0xdd: {  	s19 =	sshll.u32 @!p4 s19, $0x5;
	[tilespmem:$0x220] =	vst @!p3 v2  }
0xde: {  	s20 =	simm.s32 @!p4 $0x0;
	s21 =	simm.s32 $0x380;
	s19 =	sadd.s32 @!p4 s19, s30;
	[tilespmem:$0x230] =	vst @!p3 v3  }
0xdf: {  	[tilespmem:s20], [sflag:$0x1] =	stream.linear.gather @!p4 [hbm4b:s19+s20], $0x100, $0x38;
	[tilespmem:$0x1FB80] =	vst v63  }
0xe0: {  	v36 =	vld [tilespmem:s21+$0xFFFFFF90]  }
0xe1: {  	v47 =	vld [tilespmem:s21+$0xFFFFFF80]  }
0xe2: {  	s22 =	simm.s32 $0x4390;
	v13 =	vld [tilespmem:s21+$0xFFFFFFB0]  }
0xe3: {  	v0 =	vld [tilespmem:s22+$0xFFFFFF70]  }
0xe4: {  	v1 =	vld [tilespmem:s22+$0xFFFFFF80]  }
0xe5: {  	v2 =	vld [tilespmem:s22+$0xFFFFFFF0]  }
0xe6: {  	v12 =	vld [tilespmem:s21+$0xFFFFFFA0]  }
0xe7: {  	v3 =	vld [tilespmem:s22+$0x0]  }
0xe8: {  	v20 =	vld [tilespmem:s21+$0x60]  }
0xe9: {  	v18 =	vld [tilespmem:s21+$0x70]  }
0xea: {  	v11 =	vld [tilespmem:s21+$0x0]  }
0xeb: {  	v27 =	vld [tilespmem:s21+$0x10];
	[tilespmem:$0x1FFF0] =	vst v12  }
0xec: {  	v9 =	vld [tilespmem:s21+$0x40]  }
0xed: {  	v4 =	vmul.f32 v0, v47;
	v5 =	vmul.f32 v1, v36  }
0xee: {  	v6 =	vmul.f32 v2, v20;
	v7 =	vmul.f32 v3, v18  }
0xef: {  	v4 =	vadd.f32 v5, v4  }
0xf0: {  	v14 =	vld [tilespmem:s21+$0x50];
	v6 =	vadd.f32 v7, v6  }
0xf1: {  	v7 =	vmul.f32 v0, v12;
	v12 =	vld [tilespmem:s21+$0xFFFFFFC0];
	(xrf2) =	vadd.scan.msk.f32 $0xffff, v4;
	[tilespmem:$0x1FEF0] =	vst v9  }
0xf2: {  	(xrf2) =	vadd.scan.msk.f32 $0xffff, v6;
	v6 =	vld [tilespmem:s21+$0xFFFFFFF0];
	_ =	sdelay $0x3  }
0xf3: {  	v8 =	vmul.f32 v2, v11;
	v5 =	vmul.f32 v3, v27  }
0xf4: {  	[tilespmem:$0x1FFD0] =	vst v6  }
0xf5: {  	v4 =	vadd.f32 v5, v8;
	v5 =	vmul.f32 v2, v9;
	v9 =	vld [tilespmem:s21+$0xFFFFFFE0];
	_ =	sdelay $0x3  }
0xf6: {  	v8 =	vmul.f32 v3, v14  }
0xf7: {  	[tilespmem:$0x1FFC0] =	vst v9  }
0xf8: {  	v10 =	vmul.f32 v1, v13;
	(xrf2) =	vadd.scan.msk.f32 $0xffff, v4;
	v4 =	vadd.f32 v8, v5;
	v8 =	vld [tilespmem:s21+$0xFFFFFFD0];
	_ =	sdelay $0x1  }
0xf9: {  	v7 =	vadd.f32 v10, v7;
	_ =	sdelay $0x1  }
0xfa: {  	(xrf2) =	vadd.scan.msk.f32 $0xffff, v7  }
0xfb: {  	[tilespmem:$0x1FFE0] =	vst v8  }
0xfc: {  	v7 =	vld [tilespmem:s21+$0x20]  }
0xfd: {  	v35 =	vld [tilespmem:s21+$0x30]  }
0xfe: {  	(xrf2) =	vadd.scan.msk.f32 $0xffff, v4;
	v4 =	vmul.f32 v1, v6;
	v5 =	vmul.f32 v0, v9  }
0xff: {  	s23 =	simm.s32 $0x480;
	v0 =	vmul.f32 v0, v12;
	v1 =	vmul.f32 v1, v8  }
0x100: {  	v8, _, _ =	vpop (xrf2);
	v6 =	vld [tilespmem:s23+$0xFFFFFF90];
	[tilespmem:$0x1FF00] =	vst v12  }
0x101: {  	v4 =	vadd.f32 v4, v5;
	s21 =	simm.s32 $0x4490;
	v9 =	vld [tilespmem:s23+$0xFFFFFF80];
	v0 =	vadd.f32 v1, v0;
	v1 =	vmul.f32 $1.442695020e+00, v8;
	[tilespmem:$0x1FF10] =	vst v7  }
0x102: {  	v10, _, _ =	vpop (xrf2);
	v2 =	vmul.f32 v2, v7;
	v3 =	vmul.f32 v3, v35;
	v17 =	vld [tilespmem:s21+$0xFFFFFF70]  }
0x103: {  	(xrf2) =	vadd.scan.msk.f32 $0xffff, v4;
	v5, _, _ =	vpop (xrf2);
	v4 =	vld [tilespmem:s21+$0xFFFFFF80]  }
0x104: {  	v1 =	vbroadcast v1, $0xF;
	(xrf2) =	vadd.scan.msk.f32 $0xffff, v0;
	v0 =	vld [tilespmem:s21+$0xFFFFFFF0];
	v2 =	vadd.f32 v3, v2;
	v3 =	vmul.f32 $1.442695020e+00, v5;
	v5, _, _ =	vpop (xrf2)  }
0x105: {  	v7 =	vld [tilespmem:s23+$0x60];
	v8 =	vmul.f32 $1.442695020e+00, v5  }
0x106: {  	(erf) = vpow2.f32 v1;
	v30 =	vld [tilespmem:s21+$0x0];
	v1 =	vbroadcast v3, $0xF  }
0x107: {  	(xrf2) =	vadd.scan.msk.f32 $0xffff, v2;
	v2 =	vbroadcast v8, $0xF;
	v8 =	vld [tilespmem:s23+$0x70]  }
0x108: {  	v3, _, _ =	vpop (xrf2);
	(erf) = vpow2.f32 v1;
	v1 =	vmul.f32 $1.442695020e+00, v10  }
0x109: {  	v25 =	vld [tilespmem:s23+$0x0];
	v12 =	vmul.f32 v4, v6;
	v3 =	vmul.f32 $1.442695020e+00, v3  }
0x10a: {  	v5 =	vld [tilespmem:s23+$0x10];
	v16 =	vmul.f32 v0, v7;
	(erf) = vpow2.f32 v2  }
0x10b: {  	v10 =	vld [tilespmem:s23+$0xFFFFFFB0];
	[tilespmem:$0x1FF20] =	vst v9;
	v1 =	vbroadcast v1, $0xF;
	v2 =	vbroadcast v3, $0xF  }
0x10c: {  	[tilespmem:$0x1FF30] =	vst v6;
	v3 =	vmul.f32 v17, v9;
	v19 =	vmul.f32 v30, v8  }
0x10d: {  	v6 =	vld [tilespmem:s23+$0xFFFFFFA0];
	(erf) = vpow2.f32 v2  }
0x10e: {  	[tilespmem:$0x1FF40] =	vst v7;
	v3 =	vadd.f32 v12, v3;
	(erf) = vpow2.f32 v1;
	v1 =	vadd.f32 v19, v16  }
0x10f: {  	v21, _, _ =	vpop (xrf2);
	[tilespmem:$0x1FF60] =	vst v5  }
0x110: {  	v15 =	vmul.f32 v0, v25;
	[tilespmem:$0x1FF50] =	vst v8;
	v2 =	vmul.f32 v30, v5;
	v12, _, _ =	vpop (xrf2);
	(xrf2) =	vadd.scan.msk.f32 $0xffff, v3  }
0x111: {  	[tilespmem:$0x1FF70] =	vst v10;
	v22 =	vmul.f32 v4, v10;
	v3 =	vmul.f32 $1.442695020e+00, v12  }
0x112: {  	[tilespmem:$0x1FF80] =	vst v6;
	v16 =	vmul.f32 v17, v6;
	v2 =	vadd.f32 v2, v15;
	(xrf2) =	vadd.scan.msk.f32 $0xffff, v1;
	v1, _, _ =	vpop (xrf2)  }
0x113: {  	v6 =	vld [tilespmem:s23+$0x50];
	v3 =	vbroadcast v3, $0xF;
	v1 =	vmul.f32 $1.442695020e+00, v1  }
0x114: {  	v5 =	vld [tilespmem:s23+$0x40];
	v19 =	vadd.f32 v22, v16;
	(xrf2) =	vadd.scan.msk.f32 $0xffff, v2  }
0x115: {  	v7 =	vld [tilespmem:s23+$0xFFFFFFC0];
	v2 =	vmul.f32 $1.442695020e+00, v21;
	v1 =	vbroadcast v1, $0xF  }
0x116: {  	v16 =	vld [tilespmem:s23+$0xFFFFFFF0];
	(xrf2) =	vadd.scan.msk.f32 $0xffff, v19;
	(erf) = vpow2.f32 v3  }
0x117: {  	v9 =	vld [tilespmem:s23+$0xFFFFFFE0];
	v2 =	vbroadcast v2, $0xF;
	v3 =	vpop (erf)  }
0x118: {  	v8 =	vld [tilespmem:s23+$0xFFFFFFD0];
	v21 =	vmul.f32 v30, v6;
	v38 =	vpop (erf);
	(erf) = vpow2.f32 v1  }
0x119: {  	(erf) = vpow2.f32 v2;
	v2 =	vmul.f32 v0, v5;
	v1 =	vpop (erf)  }
0x11a: {  	v24, _, _ =	vpop (xrf2)  }
0x11b: {  	v22 =	vmul.f32 v4, v16;
	v39 =	vpop (erf);
	v2 =	vadd.f32 v21, v2  }
0x11c: {  	[tilespmem:$0x1FF90] =	vst v5;
	v21 =	vmul.f32 v17, v9;
	v5 =	vmul.f32 $1.442695020e+00, v24;
	v31, _, _ =	vpop (xrf2)  }
0x11d: {  	v4 =	vmul.f32 v4, v8;
	v17 =	vmul.f32 v17, v7;
	v50 =	vpop (erf)  }
0x11e: {  	[tilespmem:$0x1FFA0] =	vst v6;
	v26, _, _ =	vpop (xrf2);
	v21 =	vadd.f32 v22, v21  }
0x11f: {  	[tilespmem:$0x1FFB0] =	vst v7;
	v22 =	vbroadcast v5, $0xF;
	(xrf2) =	vadd.scan.msk.f32 $0xffff, v2;
	v4 =	vadd.f32 v4, v17;
	v2 =	vpop (erf)  }
0x120: {  	s22 =	simm.s32 $0x580;
	v40 =	vld [tilespmem:s23+$0x20];
	v17 =	vmul.f32 $1.442695020e+00, v26;
	v5, _, _ =	vpop (xrf2);
	(xrf2) =	vadd.scan.msk.f32 $0xffff, v21  }
0x121: {  	v6 =	vld [tilespmem:s22+$0xFFFFFF90];
	(erf) = vpow2.f32 v22;
	v21 =	vmul.f32 $1.442695020e+00, v5;
	(xrf2) =	vadd.scan.msk.f32 $0xffff, v4;
	v45 =	vpop (erf)  }
0x122: {  	v29 =	vld [tilespmem:s22+$0x40];
	v22 =	vadd.f32 v50, v39;
	v17 =	vbroadcast v17, $0xF;
	v4 =	vadd.f32 v45, v38;
	v44 =	vpop (erf)  }
0x123: {  	v24 =	vmovc v8;
	v8 =	vld [tilespmem:s23+$0x30];
	v5 =	vadd.f32 v1, v3;
	v21 =	vbroadcast v21, $0xF;
	v34 =	vadd.f32 v44, v2  }
0x124: {  	v7 =	vld [tilespmem:s22+$0xFFFFFF80];
	s23 =	simm.s32 $0x4590;
	(erf) = vpow2.f32 v17;
	v4 =	vadd.f32 v22, v4  }
0x125: {  	v56 =	vld [tilespmem:s23+$0xFFFFFF80];
	(erf) = vpow2.f32 v21;
	v21 =	vadd.f32 v34, v5  }
0x126: {  	v41 =	vmul.f32 $1.442695020e+00, v31;
	v31 =	vld [tilespmem:s22+$0x0];
	(erf) = vrcp.f32 v4  }
0x127: {  	v58 =	vld [tilespmem:s23+$0xFFFFFFF0];
	(erf) = vrcp.f32 v21  }
0x128: {  	v61 =	vld [tilespmem:s23+$0x0]  }
0x129: {  	v26 =	vld [tilespmem:s22+$0xFFFFFFF0];
	v53, _, _ =	vpop (xrf2)  }
0x12a: {  	v37 =	vmul.f32 v30, v8;
	v30 =	vld [tilespmem:s22+$0x30];
	v34 =	vmul.f32 $1.442695020e+00, v53;
	v55, _, _ =	vpop (xrf2)  }
0x12b: {  	v0 =	vmul.f32 v0, v40;
	v4 =	vld [tilespmem:s23+$0xFFFFFF70];
	v43, _, _ =	vpop (xrf2)  }
0x12c: {  	v17 =	vld [tilespmem:s22+$0x50];
	v42 =	vpop (erf);
	v34 =	vbroadcast v34, $0xF;
	v51 =	vmul.f32 $1.442695020e+00, v43  }
0x12d: {  	v41 =	vbroadcast v41, $0xF;
	v59 =	vmul.f32 v56, v6;
	v0 =	vadd.f32 v37, v0;
	v37 =	vld [tilespmem:s22+$0x70];
	v49 =	vpop (erf)  }
0x12e: {  	v22 =	vld [tilespmem:s22+$0xFFFFFFC0];
	(erf) = vpow2.f32 v34;
	v43 =	vpop (erf);
	v51 =	vbroadcast v51, $0xF  }
0x12f: {  	v46 =	vmul.f32 v58, v31;
	v21 =	vld [tilespmem:s22+$0x20];
	(erf) = vpow2.f32 v41;
	v52 =	vpop (erf)  }
0x130: {  	v48 =	vmul.f32 v4, v7;
	v34 =	vld [tilespmem:s22+$0x60];
	(erf) = vpow2.f32 v51;
	v63 =	vpop (erf)  }
0x131: {  	(xrf2) =	vadd.scan.msk.f32 $0xffff, v0;
	v41 =	vld [tilespmem:s22+$0xFFFFFFD0];
	v0 =	vmul.f32 v63, v3;
	v62 =	vmul.f32 v63, v1  }
0x132: {  	v1 =	vadd.f32 v59, v48;
	v60 =	vmul.f32 v63, v2;
	v3 =	vmul.f32 v63, v44;
	v44 =	vld [tilespmem:s22+$0xFFFFFFB0]  }
0x133: {  	v28 =	vmov v6;
	v57 =	vmul.f32 v0, v47;
	v6 =	vmul.f32 v0, v36;
	v47 =	vld [tilespmem:s22+$0xFFFFFFA0]  }
0x134: {  	(xrf2) =	vadd.scan.msk.f32 $0xffff, v1;
	v36 =	vld [tilespmem:s22+$0x10];
	v0 =	vmul.f32 v58, v21;
	v1 =	vmul.f32 v61, v30  }
0x135: {  	v5 =	vld [tilespmem:$0x1FFC0];
	v54 =	vmul.f32 v58, v34;
	v2 =	vmul.f32 v61, v37  }
0x136: {  	v59 =	vmul.f32 v4, v22;
	v51 =	vadd.f32 v1, v0;
	v1 =	vmul.f32 v56, v41  }
0x137: {  	v48 =	vld [tilespmem:s22+$0xFFFFFFE0];
	v53 =	vadd.f32 v2, v54;
	v58 =	vmul.f32 v58, v29;
	v54 =	vmul.f32 v61, v17  }
0x138: {  	v2 =	vmul.f32 v56, v44;
	v59 =	vadd.f32 v1, v59  }
0x139: {  	v1 =	vadd.f32 v54, v58;
	v0 =	vmul.f32 v4, v47;
	v58 =	vmul.f32 v61, v36  }
0x13a: {  	v61 =	vmul.f32 v56, v26;
	v56 =	vmul.f32 v3, v5;
	v5 =	vld [tilespmem:$0x1FFD0];
	_ =	sdelay $0x1  }
0x13b: {  	v54 =	vadd.f32 v2, v0;
	v0 =	vmul.f32 v4, v48;
	v4, _, _ =	vpop (xrf2)  }
0x13c: {  	s20 =	simm.s32 $0x8380;
	v4 =	vmul.f32 $1.442695020e+00, v4  }
0x13d: {  	[tilespmem:s20+$0xFFFFFF80] =	vst v57  }
0x13e: {  	v0 =	vadd.f32 v61, v0;
	v61 =	vmul.f32 v3, v5;
	v3 =	vbroadcast v4, $0xF;
	v4 =	vld [tilespmem:$0x1FFE0];
	[tilespmem:s20+$0xFFFFFF90] =	vst v6  }
0x13f: {  	v5 =	vld [tilespmem:$0x1FFF0]  }
0x140: {  	v46 =	vadd.f32 v58, v46  }
0x141: {  	v2 =	vmul.f32 $1.442695020e+00, v55  }
0x142: {  	v32 =	vmov v9;
	(xrf2) =	vadd.scan.msk.f32 $0xffff, v53;
	v55 =	vpop (erf)  }
0x143: {  	p4 =	seq.s32 s18, $0x1;
	s18 =	simm.s32 $0x8480;
	s19 =	simm.s32 $0x8480;
	v19 =	vmov v8;
	v2 =	vbroadcast v2, $0xF;
	(xrf2) =	vadd.scan.msk.f32 $0xffff, v46;
	v63 =	vmul.f32 v60, v4;
	v4, _, _ =	vpop (xrf2)  }
0x144: {  	s21 =	simm.s32 $0x4;
	v33 =	vmov v7;
	s23 =	simm.s32 $0x680;
	s22 =	simm.s32 $0x4690;
	v46 =	vpop (erf);
	(xrf2) =	vadd.scan.msk.f32 $0xffff, v54;
	v4 =	vmul.f32 $1.442695020e+00, v4;
	v58 =	vmul.f32 v62, v5  }
.LBB2_5:
0x145: {  	v5 =	vld [tilespmem:$0x1FF70];
	_ =	sdelay $0x4  }
0x146: {  	v23 =	vmov v16;
	v6 =	vld [tilespmem:$0x1FFB0];
	v16 =	vmov v5;
	v5 =	vmov v44  }
0x147: {  	[tilespmem:$0x1FF70] =	vst v5;
	v5 =	vld [tilespmem:$0x1FF80]  }
0x148: {  	(erf) = vpow2.f32 v3  }
0x149: {  	(erf) = vpow2.f32 v2;
	v2 =	vmov v47  }
0x14a: {  	[tilespmem:$0x1FF80] =	vst v2;
	v2 =	vld [tilespmem:$0x1FF00];
	_ =	sdelay $0x1  }
0x14b: {  	v53 =	vld [tilespmem:s23+$0xFFFFFF90];
	v3 =	vmul.f32 v62, v13;
	[tilespmem:s20+$0xFFFFFFE0] =	vst v56;
	v54 =	vmov v5;
	v5 =	vmov v6  }
0x14c: {  	[tilespmem:s20+$0xFFFFFFA0] =	vst v58  }
0x14d: {  	v56 =	vld [tilespmem:s23+$0xFFFFFF80];
	[tilespmem:s20+$0xFFFFFFB0] =	vst v3  }
0x14e: {  	v2 =	vmul.f32 v60, v2;
	[tilespmem:$0x1FF00] =	vst v5;
	v5 =	vmov v22  }
0x14f: {  	v62 =	vld [tilespmem:s23+$0x40];
	[tilespmem:s20+$0xFFFFFFD0] =	vst v63  }
0x150: {  	(xrf2) =	vadd.scan.msk.f32 $0xffff, v1;
	v4 =	vbroadcast v4, $0xF;
	v1, _, _ =	vpop (xrf2);
	v22 =	vld [tilespmem:s23+$0xFFFFFFC0];
	[tilespmem:s20+$0xFFFFFFC0] =	vst v2;
	v2 =	vmul.f32 v52, v39  }
0x151: {  	v39 =	vmov v55;
	v55, _, _ =	vpop (xrf2);
	(xrf2) =	vadd.scan.msk.f32 $0xffff, v0;
	v0 =	vld [tilespmem:$0x1FF10];
	[tilespmem:$0x1FFB0] =	vst v5;
	v5 =	vmov v40  }
0x152: {  	(erf) = vpow2.f32 v4;
	v4 =	vmul.f32 v52, v38;
	[tilespmem:$0x1FF10] =	vst v5;
	v5 =	vld [tilespmem:$0x1FEF0]  }
0x153: {  	v15 =	vmov v25;
	v25 =	vld [tilespmem:s23+$0x20]  }
0x154: {  	v47 =	vld [tilespmem:s23+$0x50];
	v3 =	vmul.f32 v52, v45;
	v60 =	vmul.f32 v4, v11  }
0x155: {  	v4 =	vmul.f32 v4, v27;
	v27 =	vld [tilespmem:s23+$0x30];
	v52 =	vmul.f32 v52, v50  }
0x156: {  	v6 =	vld [tilespmem:$0x1FF90];
	[tilespmem:s20+$0x0] =	vst v60;
	v0 =	vmul.f32 v3, v0;
	v3 =	vmul.f32 v3, v35  }
0x157: {  	v57 =	vld [tilespmem:s23+$0xFFFFFFF0];
	[tilespmem:s20+$0xFFFFFFF0] =	vst v61;
	v35 =	vmul.f32 v2, v5;
	v2 =	vmul.f32 v2, v14  }
0x158: {  	v44 =	vld [tilespmem:s23+$0xFFFFFFB0];
	[tilespmem:s20+$0x30] =	vst v3;
	v3 =	vmul.f32 v52, v20  }
0x159: {  	v20 =	vld [tilespmem:s23+$0x0];
	[tilespmem:s20+$0x50] =	vst v2;
	v2 =	vmul.f32 v52, v18  }
0x15a: {  	v50 =	vpop (erf);
	v14 =	vmul.f32 $1.442695020e+00, v55;
	v55 =	vld [tilespmem:s22+$0xFFFFFF70];
	[tilespmem:s20+$0x60] =	vst v3  }
0x15b: {  	v1 =	vmul.f32 $1.442695020e+00, v1;
	v61, _, _ =	vpop (xrf2);
	v3 =	vld [tilespmem:s22+$0xFFFFFF80];
	[tilespmem:s20+$0x70] =	vst v2  }
0x15c: {  	v58 =	vmov v32;
	v45 =	vpop (erf);
	v2 =	vld [tilespmem:s23+$0x10];
	[tilespmem:s20+$0x40] =	vst v35  }
0x15d: {  	v32 =	vmov v48;
	v38 =	vmov v49;
	v1 =	vbroadcast v1, $0xF;
	(xrf2) =	vadd.scan.msk.f32 $0xffff, v59;
	v63, _, _ =	vpop (xrf2);
	v59 =	vld [tilespmem:s22+$0xFFFFFFF0]  }
0x15e: {  	v49 =	vadd.f32 v43, v42;
	v6 =	vmovc v6;
	v48 =	vmul.f32 $1.442695020e+00, v63;
	v5 =	vmovc v29;
	v29 =	vmul.f32 $1.442695020e+00, v61;
	[tilespmem:s20+$0x20] =	vst v0;
	v0 =	vld [tilespmem:$0x1FFA0]  }
0x15f: {  	v40 =	vadd.f32 v46, v39;
	[tilespmem:$0x1FEF0] =	vst v6;
	v61 =	vpop (erf);
	v6 =	vbroadcast v14, $0xF;
	v18 =	vadd.f32 v45, v38  }
0x160: {  	v10 =	vmovc v36;
	v9 =	vmovc v34;
	v7 =	vld [tilespmem:s23+$0xFFFFFFD0];
	v48 =	vbroadcast v48, $0xF;
	[tilespmem:$0x1FF90] =	vst v5;
	v5 =	vbroadcast v29, $0xF;
	v52 =	vadd.f32 v61, v50  }
0x161: {  	v60 =	vpop (erf);
	(erf) = vpow2.f32 v6;
	v18 =	vadd.f32 v40, v18;
	v36 =	vmov v2;
	v2 =	vld [tilespmem:$0x1FF40]  }
0x162: {  	v29 =	vmovc v62;
	(erf) = vpow2.f32 v5;
	v5 =	vadd.f32 v52, v49;
	v62 =	vmul.f32 v3, v44;
	[tilespmem:$0x1FF40] =	vst v9;
	v9 =	vld [tilespmem:$0x1FF50]  }
0x163: {  	v63 =	vmul.f32 v55, v22;
	(erf) = vrcp.f32 v18;
	v14 =	vmov v0;
	v0 =	vld [tilespmem:s22+$0x0];
	[tilespmem:s20+$0x10] =	vst v4  }
0x164: {  	v40 =	vmov v21;
	v11 =	vmul.f32 v3, v53;
	(erf) = vrcp.f32 v5;
	v49 =	vld [tilespmem:s23+$0x60]  }
0x165: {  	v13 =	vmul.f32 v3, v7;
	v3 =	vmul.f32 v3, v57;
	v6, _, _ =	vpop (xrf2);
	(xrf2) =	vadd.scan.msk.f32 $0xffff, v51;
	v4 =	vmov v17;
	v5 =	vld [tilespmem:s23+$0x70]  }
0x166: {  	v21 =	vmovc v25;
	v25 =	vmovc v31;
	v31 =	vmov v20;
	(erf) = vpow2.f32 v48;
	[tilespmem:$0x1FFA0] =	vst v4;
	v4 =	vmul.f32 v55, v56  }
0x167: {  	v8 =	vld [tilespmem:$0x1FF60];
	v35 =	vmovc v19;
	v19 =	vmovc v30;
	v30 =	vmov v27;
	v6 =	vmul.f32 $1.442695020e+00, v6;
	(erf) = vpow2.f32 v1  }
0x168: {  	v17 =	vmovc v47;
	v51 =	vmul.f32 v59, v21;
	v47 =	vld [tilespmem:s23+$0xFFFFFFA0];
	v20 =	vmovc v2;
	v2 =	vadd.f32 v11, v4;
	v18 =	vmov v9  }
0x169: {  	[tilespmem:$0x1FF60] =	vst v10;
	v48 =	vld [tilespmem:s23+$0xFFFFFFE0];
	v9, _, _ =	vpop (xrf2);
	v11 =	vmov v37;
	v4 =	vmul.f32 v0, v30;
	v10 =	vmul.f32 v0, v36  }
0x16a: {  	v12 =	vmul.f32 v59, v49;
	v34 =	vmov v49;
	v1 =	vmul.f32 v0, v5;
	v49 =	vpop (erf)  }
0x16b: {  	v0 =	vmul.f32 v0, v17;
	v51 =	vadd.f32 v4, v51;
	v4 =	vmul.f32 $1.442695020e+00, v9;
	v9 =	vpop (erf)  }
0x16c: {  	v27 =	vmov v8;
	v8 =	vmul.f32 v59, v31;
	v37 =	vmul.f32 v59, v29;
	[tilespmem:$0x1FF50] =	vst v11;
	v52 =	vpop (erf)  }
0x16d: {  	(xrf2) =	vadd.scan.msk.f32 $0xffff, v2;
	v59 =	vadd.f32 v13, v63;
	v11 =	vadd.f32 v1, v12;
	v12 =	vmul.f32 v55, v47;
	v2 =	vpop (erf)  }
0x16e: {  	v63 =	vmul.f32 v55, v48;
	v1 =	vadd.f32 v0, v37;
	v13 =	vmul.f32 v2, v42;
	v42 =	vmovc v60  }
0x16f: {  	v12 =	vadd.f32 v62, v12;
	v0, _, _ =	vpop (xrf2);
	v62 =	vmul.f32 v2, v43;
	v60 =	vmul.f32 v2, v50  }
0x170: {  	v37 =	vmovc v5;
	v43 =	vmovc v9;
	v5 =	vmul.f32 v2, v61;
	v2 =	vbroadcast v6, $0xF;
	v6 =	vld [tilespmem:$0x1FF20];
	v9 =	vmov v33  }
0x171: {  	v8 =	vadd.f32 v10, v8;
	v4 =	vbroadcast v4, $0xF;
	v10 =	vmul.f32 $1.442695020e+00, v0;
	[tilespmem:$0x1FF20] =	vst v9;
	v9 =	vld [tilespmem:$0x1FF30]  }
0x172: {  	s21 =	sadd.s32 $0x2, s21;
	v55 =	vpop (erf);
	v50 =	vmov v46  }
0x173: {  	p3 =	slt.u32 s21, $0x3E;
	v0 =	vadd.f32 v3, v63;
	v46 =	vpop (erf);
	(erf) = vpow2.f32 v4;
	v63 =	vmul.f32 v60, v24  }
.Ltmp3:
0x174: {  	(xrf2) =	vadd.scan.msk.f32 $0xffff, v11;
	v33 =	vmov v56;
	v56 =	vmul.f32 v5, v58;
	v61 =	vmul.f32 v5, v23;
	(pc) =	sbr.rel @p3 .LBB2_5-.Ltmp3, $4  }
0x175: {  	(xrf2) =	vadd.scan.msk.f32 $0xffff, v8;
	v3 =	vbroadcast v10, $0xF;
	v6 =	vmul.f32 v13, v6;
	v10 =	vmov v28  }
0x176: {  	s20 =	smov.u32 s19;
	v11 =	vmovc v15;
	v24 =	vmov v41;
	v58 =	vmul.f32 v62, v54;
	v9 =	vmul.f32 v13, v9;
	[tilespmem:$0x1FF30] =	vst v10  }
0x177: {  	s18 =	sadd.s32 $0x100, s18;
	v41 =	vmov v7;
	v28 =	vmov v53;
	v8, _, _ =	vpop (xrf2);
	v13 =	vmov v16;
	[tilespmem:s20+$0xFFFFFF80] =	vst v6  }
0x178: {  	s19 =	smov.u32 s18;
	s22 =	sadd.s32 $0x100, s22;
	s23 =	sadd.s32 $0x100, s23;
	(xrf2) =	vadd.scan.msk.f32 $0xffff, v12;
	v16 =	vmovc v26;
	v26 =	vmov v57;
	v4 =	vmul.f32 $1.442695020e+00, v8;
	[tilespmem:s20+$0xFFFFFF90] =	vst v9  }
0x179: {  	_ = 	snop  }
0x17a: {  	(erf) = vpow2.f32 v3  }
0x17b: {  	(xrf2) =	vadd.scan.msk.f32 $0xffff, v1;
	(erf) = vpow2.f32 v2;
	_ =	sdelay $0x1  }
0x17c: {  	(xrf2) =	vadd.scan.msk.f32 $0xffff, v0  }
0x17d: {  	v0, _, _ =	vpop (xrf2);
	(xrf2) =	vadd.scan.msk.f32 $0xffff, v59;
	_ =	sdelay $0x1  }
0x17e: {  	v54 =	vbroadcast v4, $0xF;
	v4 =	vpop (erf)  }
0x17f: {  	[tilespmem:s20+$0xFFFFFFA0] =	vst v58;
	v58 =	vmul.f32 v52, v39;
	v23, _, _ =	vpop (xrf2)  }
0x180: {  	v12 =	vmul.f32 v62, v13;
	[tilespmem:s20+$0xFFFFFFE0] =	vst v56;
	v56 =	vmul.f32 v52, v38;
	v53, _, _ =	vpop (xrf2)  }
0x181: {  	v5 =	vadd.f32 v46, v55;
	v62 =	vmul.f32 v58, v14;
	v1 =	vmul.f32 $1.442695020e+00, v23;
	v3 =	vpop (erf)  }
0x182: {  	v9 =	vadd.f32 v43, v42;
	(erf) = vpow2.f32 v54;
	v2 =	vmul.f32 $1.442695020e+00, v53;
	v7 =	vpop (erf)  }
0x183: {  	v0 =	vmul.f32 $1.442695020e+00, v0;
	v1 =	vbroadcast v1, $0xF;
	v6 =	vadd.f32 v3, v49;
	v8, _, _ =	vpop (xrf2)  }
0x184: {  	v10 =	vadd.f32 v7, v4;
	v59 =	vmul.f32 $1.442695020e+00, v8;
	v2 =	vbroadcast v2, $0xF  }
0x185: {  	(xrf2) =	vadd.scan.msk.f32 $0xffff, v51;
	v0 =	vbroadcast v0, $0xF;
	(erf) = vpow2.f32 v1;
	v15, _, _ =	vpop (xrf2);
	v57 =	vadd.f32 v5, v6  }
0x186: {  	v13 =	vadd.f32 v10, v9;
	v5 =	vbroadcast v59, $0xF;
	(erf) = vpow2.f32 v2;
	v23, _, _ =	vpop (xrf2)  }
0x187: {  	v54 =	vld [tilespmem:$0x1FF00];
	(erf) = vrcp.f32 v57;
	v2 =	vmul.f32 $1.442695020e+00, v23  }
0x188: {  	v57 =	vmul.f32 v52, v45;
	(erf) = vrcp.f32 v13  }
0x189: {  	[tilespmem:s20+$0xFFFFFFB0] =	vst v12;
	(erf) = vpow2.f32 v5;
	v2 =	vbroadcast v2, $0xF  }
0x18a: {  	[tilespmem:s20+$0xFFFFFFD0] =	vst v63;
	v59 =	vmul.f32 v56, v11;
	(erf) = vpow2.f32 v0  }
0x18b: {  	[tilespmem:s20+$0xFFFFFFF0] =	vst v61;
	v12 =	vmul.f32 v57, v35;
	(erf) = vpow2.f32 v2  }
0x18c: {  	[tilespmem:s20+$0x50] =	vst v62;
	v2 =	vmul.f32 v60, v54;
	v60 =	vmul.f32 v52, v50  }
0x18d: {  	[tilespmem:s20+$0x0] =	vst v59  }
0x18e: {  	[tilespmem:s20+$0x30] =	vst v12;
	v45 =	vmul.f32 v60, v20  }
0x18f: {  	v51, _, _ =	vpop (xrf2);
	[tilespmem:s20+$0xFFFFFFC0] =	vst v2  }
0x190: {  	v5 =	vmul.f32 $1.442695020e+00, v51;
	v51 =	vld [tilespmem:$0x1FEF0];
	[tilespmem:s20+$0x60] =	vst v45  }
0x191: {  	v1 =	vmul.f32 $1.442695020e+00, v15;
	v15 =	vld [tilespmem:$0x1FF10];
	_ =	sdelay $0x2  }
0x192: {  	v53 =	vbroadcast v5, $0xF;
	v50 =	vmul.f32 v60, v18  }
0x193: {  	v1 =	vbroadcast v1, $0xF;
	v8 =	vmul.f32 v58, v51  }
0x194: {  	(erf) = vpow2.f32 v53;
	[tilespmem:s20+$0x70] =	vst v50;
	v6 =	vmul.f32 v57, v15  }
0x195: {  	v0 =	vpop (erf);
	(erf) = vpow2.f32 v1;
	v1 =	vmul.f32 v56, v27;
	[tilespmem:s20+$0x40] =	vst v8  }
0x196: {  	v5 =	vpop (erf);
	[tilespmem:s20+$0x20] =	vst v6  }
0x197: {  	v2 =	vpop (erf);
	v6 =	vld [tilespmem:$0x1FF20];
	[tilespmem:s20+$0x10] =	vst v1  }
0x198: {  	v11 =	vpop (erf);
	v1 =	vld [tilespmem:$0x1FF30]  }
0x199: {  	v63 =	vpop (erf)  }
0x19a: {  	v53 =	vmul.f32 v63, v42;
	_ =	sdelay $0x1  }
0x19b: {  	v6 =	vmul.f32 v53, v6  }
0x19c: {  	v1 =	vmul.f32 v53, v1  }
0x19d: {  	v14 =	vpop (erf);
	[tilespmem:s19+$0xFFFFFF80] =	vst v6  }
0x19e: {  	v10 =	vpop (erf);
	[tilespmem:s19+$0xFFFFFF90] =	vst v1  }
0x19f: {  	v7 =	vmul.f32 v63, v7;
	v52 =	vpop (erf);
	v1 =	vld [tilespmem:$0x1FF80]  }
0x1a0: {  	v60 =	vmul.f32 v63, v43;
	v4 =	vmul.f32 v63, v4;
	v18 =	vpop (erf);
	v63 =	vld [tilespmem:$0x1FF70]  }
0x1a1: {  	v54 =	vadd.f32 v10, v14;
	v56 =	vadd.f32 v18, v5;
	_ =	sdelay $0x1  }
0x1a2: {  	v62 =	vmul.f32 v7, v32;
	v8 =	vadd.f32 v54, v56  }
0x1a3: {  	v1 =	vmul.f32 v60, v1  }
0x1a4: {  	(erf) = vrcp.f32 v8;
	[tilespmem:s19+$0xFFFFFFE0] =	vst v62;
	v8 =	vmul.f32 v60, v63  }
0x1a5: {  	[tilespmem:s19+$0xFFFFFFA0] =	vst v1  }
0x1a6: {  	[tilespmem:s19+$0xFFFFFFB0] =	vst v8  }
0x1a7: {  	v15 =	vld [tilespmem:$0x1FFB0];
	_ =	sdelay $0x1  }
0x1a8: {  	v20 =	vmul.f32 v11, v49;
	v13 =	vmul.f32 v4, v24  }
0x1a9: {  	v7 =	vmul.f32 v7, v16  }
0x1aa: {  	v32 =	vmul.f32 v20, v25;
	[tilespmem:s19+$0xFFFFFFD0] =	vst v13  }
0x1ab: {  	[tilespmem:s19+$0xFFFFFFF0] =	vst v7;
	v4 =	vmul.f32 v4, v15  }
0x1ac: {  	[tilespmem:s19+$0x0] =	vst v32  }
0x1ad: {  	v57 =	vpop (erf);
	[tilespmem:s19+$0xFFFFFFC0] =	vst v4  }
0x1ae: {  	v58 =	vadd.f32 v2, v0;
	v59 =	vadd.f32 v57, v52;
	v4 =	vld [tilespmem:$0x1FFA0];
	_ =	sdelay $0x1  }
0x1af: {  	v23 =	vmul.f32 v11, v3;
	v61 =	vadd.f32 v59, v58  }
0x1b0: {  	v24 =	vmul.f32 v11, v55  }
0x1b1: {  	v38 =	vmul.f32 v23, v19;
	(erf) = vrcp.f32 v61  }
0x1b2: {  	v4 =	vmul.f32 v24, v4  }
0x1b3: {  	[tilespmem:s19+$0x30] =	vst v38  }
0x1b4: {  	v7 =	vld [tilespmem:$0x1FF40];
	[tilespmem:s19+$0x50] =	vst v4  }
0x1b5: {  	v4 =	vld [tilespmem:$0x1FF50]  }
0x1b6: {  	v42 =	vld [tilespmem:$0x1FF90]  }
0x1b7: {  	v35 =	vmul.f32 v11, v46;
	_ =	sdelay $0x1  }
0x1b8: {  	v39 =	vpop (erf);
	v7 =	vmul.f32 v35, v7  }
0x1b9: {  	v43 =	vpop (erf);
	v4 =	vmul.f32 v35, v4  }
0x1ba: {  	v0 =	vmul.f32 v43, v0;
	[tilespmem:s19+$0x60] =	vst v7;
	v3 =	vmul.f32 v24, v42  }
0x1bb: {  	v1 =	vmul.f32 v23, v40;
	[tilespmem:s19+$0x70] =	vst v4  }
0x1bc: {  	v45 =	vmul.f32 v43, v57;
	v46 =	vmul.f32 v0, v33;
	v4 =	vld [tilespmem:$0x1FF60];
	[tilespmem:s19+$0x40] =	vst v3  }
0x1bd: {  	s18 =	sadd.s32 $0x100, s18;
	v2 =	vmul.f32 v43, v2;
	v0 =	vmul.f32 v0, v28;
	[tilespmem:s19+$0x20] =	vst v1  }
0x1be: {  	v49 =	vmul.f32 v45, v48;
	[tilespmem:s18+$0xFFFFFF80] =	vst v46  }
0x1bf: {  	v50 =	vmul.f32 v43, v52;
	v51 =	vmul.f32 v2, v47;
	[tilespmem:s18+$0xFFFFFF90] =	vst v0  }
0x1c0: {  	v2 =	vmul.f32 v2, v44;
	[tilespmem:s18+$0xFFFFFFE0] =	vst v49  }
0x1c1: {  	v54 =	vmul.f32 v39, v5;
	v52 =	vmul.f32 v50, v41;
	[tilespmem:s18+$0xFFFFFFA0] =	vst v51  }
0x1c2: {  	v55 =	vmul.f32 v39, v18;
	v53 =	vmul.f32 v50, v22;
	[tilespmem:s18+$0xFFFFFFB0] =	vst v2  }
0x1c3: {  	v56 =	vmul.f32 v39, v14;
	v57 =	vmul.f32 v54, v31;
	[tilespmem:s18+$0xFFFFFFD0] =	vst v52  }
0x1c4: {  	v58 =	vmul.f32 v39, v10;
	v59 =	vmul.f32 v55, v30;
	[tilespmem:s18+$0xFFFFFFC0] =	vst v53  }
0x1c5: {  	v60 =	vmul.f32 v56, v17;
	[tilespmem:s18+$0x0] =	vst v57  }
0x1c6: {  	v61 =	vmul.f32 v58, v34;
	[tilespmem:s18+$0x30] =	vst v59  }
0x1c7: {  	v62 =	vmul.f32 v58, v37;
	[tilespmem:s18+$0x50] =	vst v60  }
0x1c8: {  	v63 =	vmul.f32 v54, v36;
	[tilespmem:s18+$0x60] =	vst v61  }
0x1c9: {  	v1 =	vmul.f32 v45, v26;
	[tilespmem:s18+$0x70] =	vst v62  }
0x1ca: {  	v2 =	vmul.f32 v56, v29;
	[tilespmem:s18+$0x10] =	vst v63  }
0x1cb: {  	v0 =	vmul.f32 v55, v21;
	[tilespmem:s18+$0xFFFFFFF0] =	vst v1  }
0x1cc: {  	[tilespmem:s18+$0x40] =	vst v2;
	v4 =	vmul.f32 v20, v4  }
0x1cd: {  	p3 =	sne.s32 s17, $0x4D;
	[tilespmem:s18+$0x20] =	vst v0  }
0x1ce: {  	p3 =	por !p3, !p4;
	s18 =	simm.s32 @!p1 $0x1;
	[tilespmem:s19+$0x10] =	vst v4  }
0x1cf: {  	[spmem:s13] =	stream.indirect.scatter.add.f32 [tilespmem:s9], [sflag:$0x6], $0x80, s8, s31, $0xb8;
	[tilespmem:$0x1FB80] =	vst v63  }
0x1d0: {  	p3 =	por !p3, !p3;
	_ =	swait.ge @!p1 [sflag:s18], $0x100  }
.Ltmp4:
0x1d1: {  	s20 =	simm.s32 @!p1 $0x300;
	[sflag:s18] =	ssyncset.done @!p1 $0x0;
	(pc) =	sbr.rel @!p3 .LBB2_8-.Ltmp4, $4  }
0x1d2: {  	s19 =	simm.s32 @!p1 $0x100;
	[sflag:s18] =	ssyncadd.s32 @!p1 $0xFFFFFF00;
	s18 =	simm.s32 @!p1 $0x40  }
0x1d3: {  	[tilespmem:s20], [sflag:$0x2] =	stream.indirect.gather @!p1 [hbm4b:s0+s18], $0x80, s19, s18, $0xb8;
	[tilespmem:$0x1FB80] =	vst v63  }
0x1d4: {  	s19 =	simm.s32 @!p1 $0x180;
	s20 =	simm.s32 @!p1 $0x4300  }
0x1d5: {  	[tilespmem:s20], [sflag:$0x4] =	stream.indirect.gather @!p1 [hbm4b:s1+s18], $0x80, s19, s18, $0xb8;
	[tilespmem:$0x1FB80] =	vst v63  }
0x1d6: {  	_ =	swait.ge [sflag:s2], $0x100  }
.Ltmp5:
0x1d7: {  	[sflag:s2] =	ssyncset.done $0x0;
	(pc) =	sbr.rel .LBB2_9-.Ltmp5, $4  }
0x1d8: {  	[sflag:s2] =	ssyncadd.s32 $0xFFFFFF00  }
0x1d9: {  	[tilespmem:s12], [sflag:$0x2] =	stream.indirect.gather [hbm4b:s0+s31], $0x80, s3, s31, $0xb8;
	[tilespmem:$0x1FB80] =	vst v63  }
0x1da: {  	_ = 	snop  }
0x1db: {  	[tilespmem:s5], [sflag:$0x4] =	stream.indirect.gather [hbm4b:s1+s31], $0x80, s4, s31, $0xb8;
	[tilespmem:$0x1FB80] =	vst v63  }
.LBB2_8:
.Ltmp6:
0x1dc: {  	(pc) =	sbr.rel @p2 .LBB2_10-.Ltmp6, $1  }
0x1dd: {  	_ =	sdelay $0x3  }
.LBB2_9:
0x1de: {  	_ =	swait.ge [sflag:s10], $0x2000  }
0x1df: {  	[sflag:s10] =	ssyncset.done $0x0  }
0x1e0: {  	[sflag:s10] =	ssyncadd.s32 $0xFFFFE000  }
.LBB2_10:
0x1e1: {  	_ =	swait.ge [sflag:s11], $0x2000  }
0x1e2: {  	[sflag:s11] =	ssyncset.done $0x0  }
0x1e3: {  	[sflag:s11] =	ssyncadd.s32 $0xFFFFE000  }
0x1e4: {  	_ =	swait.ge [sflag:s14], $0x2000  }
0x1e5: {  	[sflag:s14] =	ssyncset.done $0x0  }
0x1e6: {  	[sflag:s14] =	ssyncadd.s32 $0xFFFFE000  }
0x1e7: {  	v0 =	vld @!p1 [tilespmem:$0xC0]  }
0x1e8: {  	v1 =	vld @!p1 [tilespmem:$0xD0]  }
0x1e9: {  	v2 =	vld @!p1 [tilespmem:$0xE0]  }
0x1ea: {  	v3 =	vld @!p1 [tilespmem:$0xF0]  }
0x1eb: {  	v4 =	vld @p4 [tilespmem:$0x1C0]  }
0x1ec: {  	[tilespmem:$0x280] =	vst @!p1 v0;
	v0 =	vld @p4 [tilespmem:$0x1D0]  }
0x1ed: {  	[tilespmem:$0x290] =	vst @!p1 v1;
	v1 =	vld @p4 [tilespmem:$0x1E0]  }
0x1ee: {  	[tilespmem:$0x2A0] =	vst @!p1 v2;
	v2 =	vld @p4 [tilespmem:$0x1F0]  }
0x1ef: {  	[tilespmem:$0x2B0] =	vst @!p1 v3  }
0x1f0: {  	[tilespmem:$0x280] =	vst @p4 v4  }
0x1f1: {  	[tilespmem:$0x290] =	vst @p4 v0  }
0x1f2: {  	[tilespmem:$0x2A0] =	vst @p4 v1  }
0x1f3: {  	s18 =	simm.s32 $0x2380;
	[tilespmem:$0x2B0] =	vst @p4 v2  }
0x1f4: {  	v36 =	vld [tilespmem:s18+$0xFFFFFF90]  }
0x1f5: {  	v47 =	vld [tilespmem:s18+$0xFFFFFF80]  }
0x1f6: {  	s19 =	simm.s32 $0x6390;
	v13 =	vld [tilespmem:s18+$0xFFFFFFB0]  }
0x1f7: {  	v0 =	vld [tilespmem:s19+$0xFFFFFF70]  }
0x1f8: {  	v1 =	vld [tilespmem:s19+$0xFFFFFF80]  }
0x1f9: {  	v2 =	vld [tilespmem:s19+$0xFFFFFFF0]  }
0x1fa: {  	v12 =	vld [tilespmem:s18+$0xFFFFFFA0]  }
0x1fb: {  	v3 =	vld [tilespmem:s19+$0x0]  }
0x1fc: {  	v20 =	vld [tilespmem:s18+$0x60]  }
0x1fd: {  	v18 =	vld [tilespmem:s18+$0x70]  }
0x1fe: {  	v11 =	vld [tilespmem:s18+$0x0]  }
0x1ff: {  	v27 =	vld [tilespmem:s18+$0x10];
	[tilespmem:$0x1FEE0] =	vst v12  }
0x200: {  	v9 =	vld [tilespmem:s18+$0x40]  }
0x201: {  	v4 =	vmul.f32 v0, v47;
	v5 =	vmul.f32 v1, v36  }
0x202: {  	v6 =	vmul.f32 v2, v20;
	v7 =	vmul.f32 v3, v18  }
0x203: {  	v4 =	vadd.f32 v5, v4  }
0x204: {  	v14 =	vld [tilespmem:s18+$0x50];
	v6 =	vadd.f32 v7, v6  }
0x205: {  	v7 =	vmul.f32 v0, v12;
	v12 =	vld [tilespmem:s18+$0xFFFFFFC0];
	(xrf2) =	vadd.scan.msk.f32 $0xffff, v4;
	[tilespmem:$0x1FDE0] =	vst v9  }
0x206: {  	(xrf2) =	vadd.scan.msk.f32 $0xffff, v6;
	v6 =	vld [tilespmem:s18+$0xFFFFFFF0];
	_ =	sdelay $0x3  }
0x207: {  	v8 =	vmul.f32 v2, v11;
	v5 =	vmul.f32 v3, v27  }
0x208: {  	[tilespmem:$0x1FEC0] =	vst v6  }
0x209: {  	v4 =	vadd.f32 v5, v8;
	v5 =	vmul.f32 v2, v9;
	v9 =	vld [tilespmem:s18+$0xFFFFFFE0];
	_ =	sdelay $0x3  }
0x20a: {  	v8 =	vmul.f32 v3, v14  }
0x20b: {  	[tilespmem:$0x1FEB0] =	vst v9  }
0x20c: {  	v10 =	vmul.f32 v1, v13;
	(xrf2) =	vadd.scan.msk.f32 $0xffff, v4;
	v4 =	vadd.f32 v8, v5;
	v8 =	vld [tilespmem:s18+$0xFFFFFFD0];
	_ =	sdelay $0x1  }
0x20d: {  	v7 =	vadd.f32 v10, v7;
	_ =	sdelay $0x1  }
0x20e: {  	(xrf2) =	vadd.scan.msk.f32 $0xffff, v7  }
0x20f: {  	[tilespmem:$0x1FED0] =	vst v8  }
0x210: {  	v7 =	vld [tilespmem:s18+$0x20]  }
0x211: {  	v35 =	vld [tilespmem:s18+$0x30]  }
0x212: {  	(xrf2) =	vadd.scan.msk.f32 $0xffff, v4;
	v4 =	vmul.f32 v1, v6;
	v5 =	vmul.f32 v0, v9  }
0x213: {  	s20 =	simm.s32 $0x2480;
	v0 =	vmul.f32 v0, v12;
	v1 =	vmul.f32 v1, v8  }
0x214: {  	v8, _, _ =	vpop (xrf2);
	v6 =	vld [tilespmem:s20+$0xFFFFFF90];
	[tilespmem:$0x1FDF0] =	vst v12  }
0x215: {  	s21 =	simm.s32 $0x6490;
	v4 =	vadd.f32 v4, v5;
	v9 =	vld [tilespmem:s20+$0xFFFFFF80];
	v0 =	vadd.f32 v1, v0;
	v1 =	vmul.f32 $1.442695020e+00, v8;
	[tilespmem:$0x1FE00] =	vst v7  }
0x216: {  	v10, _, _ =	vpop (xrf2);
	v2 =	vmul.f32 v2, v7;
	v3 =	vmul.f32 v3, v35;
	v17 =	vld [tilespmem:s21+$0xFFFFFF70]  }
0x217: {  	(xrf2) =	vadd.scan.msk.f32 $0xffff, v4;
	v5, _, _ =	vpop (xrf2);
	v4 =	vld [tilespmem:s21+$0xFFFFFF80]  }
0x218: {  	v1 =	vbroadcast v1, $0xF;
	(xrf2) =	vadd.scan.msk.f32 $0xffff, v0;
	v0 =	vld [tilespmem:s21+$0xFFFFFFF0];
	v2 =	vadd.f32 v3, v2;
	v3 =	vmul.f32 $1.442695020e+00, v5;
	v5, _, _ =	vpop (xrf2)  }
0x219: {  	v7 =	vld [tilespmem:s20+$0x60];
	v8 =	vmul.f32 $1.442695020e+00, v5  }
0x21a: {  	(erf) = vpow2.f32 v1;
	v30 =	vld [tilespmem:s21+$0x0];
	v1 =	vbroadcast v3, $0xF  }
0x21b: {  	(xrf2) =	vadd.scan.msk.f32 $0xffff, v2;
	v2 =	vbroadcast v8, $0xF;
	v8 =	vld [tilespmem:s20+$0x70]  }
0x21c: {  	v3, _, _ =	vpop (xrf2);
	(erf) = vpow2.f32 v1;
	v1 =	vmul.f32 $1.442695020e+00, v10  }
0x21d: {  	v25 =	vld [tilespmem:s20+$0x0];
	v12 =	vmul.f32 v4, v6;
	v3 =	vmul.f32 $1.442695020e+00, v3  }
0x21e: {  	v5 =	vld [tilespmem:s20+$0x10];
	v16 =	vmul.f32 v0, v7;
	(erf) = vpow2.f32 v2  }
0x21f: {  	v10 =	vld [tilespmem:s20+$0xFFFFFFB0];
	[tilespmem:$0x1FE10] =	vst v9;
	v1 =	vbroadcast v1, $0xF;
	v2 =	vbroadcast v3, $0xF  }
0x220: {  	[tilespmem:$0x1FE20] =	vst v6;
	v3 =	vmul.f32 v17, v9;
	v19 =	vmul.f32 v30, v8  }
0x221: {  	v6 =	vld [tilespmem:s20+$0xFFFFFFA0];
	(erf) = vpow2.f32 v2  }
0x222: {  	[tilespmem:$0x1FE30] =	vst v7;
	v3 =	vadd.f32 v12, v3;
	(erf) = vpow2.f32 v1;
	v1 =	vadd.f32 v19, v16  }
0x223: {  	v21, _, _ =	vpop (xrf2);
	[tilespmem:$0x1FE50] =	vst v5  }
0x224: {  	v15 =	vmul.f32 v0, v25;
	[tilespmem:$0x1FE40] =	vst v8;
	v2 =	vmul.f32 v30, v5;
	v12, _, _ =	vpop (xrf2);
	(xrf2) =	vadd.scan.msk.f32 $0xffff, v3  }
0x225: {  	[tilespmem:$0x1FE60] =	vst v10;
	v22 =	vmul.f32 v4, v10;
	v3 =	vmul.f32 $1.442695020e+00, v12  }
0x226: {  	[tilespmem:$0x1FE70] =	vst v6;
	v16 =	vmul.f32 v17, v6;
	v2 =	vadd.f32 v2, v15;
	(xrf2) =	vadd.scan.msk.f32 $0xffff, v1;
	v1, _, _ =	vpop (xrf2)  }
0x227: {  	v6 =	vld [tilespmem:s20+$0x50];
	v3 =	vbroadcast v3, $0xF;
	v1 =	vmul.f32 $1.442695020e+00, v1  }
0x228: {  	v5 =	vld [tilespmem:s20+$0x40];
	v19 =	vadd.f32 v22, v16;
	(xrf2) =	vadd.scan.msk.f32 $0xffff, v2  }
0x229: {  	v7 =	vld [tilespmem:s20+$0xFFFFFFC0];
	v2 =	vmul.f32 $1.442695020e+00, v21;
	v1 =	vbroadcast v1, $0xF  }
0x22a: {  	v16 =	vld [tilespmem:s20+$0xFFFFFFF0];
	(xrf2) =	vadd.scan.msk.f32 $0xffff, v19;
	(erf) = vpow2.f32 v3  }
0x22b: {  	v9 =	vld [tilespmem:s20+$0xFFFFFFE0];
	v2 =	vbroadcast v2, $0xF;
	v3 =	vpop (erf)  }
0x22c: {  	v8 =	vld [tilespmem:s20+$0xFFFFFFD0];
	v21 =	vmul.f32 v30, v6;
	v38 =	vpop (erf);
	(erf) = vpow2.f32 v1  }
0x22d: {  	(erf) = vpow2.f32 v2;
	v2 =	vmul.f32 v0, v5;
	v1 =	vpop (erf)  }
0x22e: {  	v24, _, _ =	vpop (xrf2)  }
0x22f: {  	v22 =	vmul.f32 v4, v16;
	v39 =	vpop (erf);
	v2 =	vadd.f32 v21, v2  }
0x230: {  	[tilespmem:$0x1FE80] =	vst v5;
	v21 =	vmul.f32 v17, v9;
	v5 =	vmul.f32 $1.442695020e+00, v24;
	v31, _, _ =	vpop (xrf2)  }
0x231: {  	v4 =	vmul.f32 v4, v8;
	v17 =	vmul.f32 v17, v7;
	v50 =	vpop (erf)  }
0x232: {  	[tilespmem:$0x1FE90] =	vst v6;
	v26, _, _ =	vpop (xrf2);
	v21 =	vadd.f32 v22, v21  }
0x233: {  	[tilespmem:$0x1FEA0] =	vst v7;
	v22 =	vbroadcast v5, $0xF;
	(xrf2) =	vadd.scan.msk.f32 $0xffff, v2;
	v4 =	vadd.f32 v4, v17;
	v2 =	vpop (erf)  }
0x234: {  	s22 =	simm.s32 $0x2580;
	v40 =	vld [tilespmem:s20+$0x20];
	v17 =	vmul.f32 $1.442695020e+00, v26;
	v5, _, _ =	vpop (xrf2);
	(xrf2) =	vadd.scan.msk.f32 $0xffff, v21  }
0x235: {  	v6 =	vld [tilespmem:s22+$0xFFFFFF90];
	(erf) = vpow2.f32 v22;
	v21 =	vmul.f32 $1.442695020e+00, v5;
	(xrf2) =	vadd.scan.msk.f32 $0xffff, v4;
	v45 =	vpop (erf)  }
0x236: {  	s23 =	simm.s32 $0x6590;
	v29 =	vld [tilespmem:s22+$0x40];
	v22 =	vadd.f32 v50, v39;
	v17 =	vbroadcast v17, $0xF;
	v4 =	vadd.f32 v45, v38;
	v44 =	vpop (erf)  }
0x237: {  	v56 =	vld [tilespmem:s23+$0xFFFFFF80];
	v5 =	vadd.f32 v1, v3;
	v21 =	vbroadcast v21, $0xF;
	v34 =	vadd.f32 v44, v2  }
0x238: {  	v58 =	vld [tilespmem:s23+$0xFFFFFFF0];
	(erf) = vpow2.f32 v17;
	v4 =	vadd.f32 v22, v4  }
0x239: {  	v24 =	vmov v8;
	v8 =	vld [tilespmem:s20+$0x30];
	(erf) = vpow2.f32 v21;
	v21 =	vadd.f32 v34, v5  }
0x23a: {  	v61 =	vld [tilespmem:s23+$0x0];
	(erf) = vrcp.f32 v4  }
0x23b: {  	v7 =	vld [tilespmem:s22+$0xFFFFFF80];
	(erf) = vrcp.f32 v21  }
0x23c: {  	v41 =	vmul.f32 $1.442695020e+00, v31;
	v31 =	vld [tilespmem:s22+$0x0]  }
0x23d: {  	v26 =	vld [tilespmem:s22+$0xFFFFFFF0];
	v53, _, _ =	vpop (xrf2)  }
0x23e: {  	v37 =	vmul.f32 v30, v8;
	v30 =	vld [tilespmem:s22+$0x30];
	v34 =	vmul.f32 $1.442695020e+00, v53;
	v55, _, _ =	vpop (xrf2)  }
0x23f: {  	v0 =	vmul.f32 v0, v40;
	v4 =	vld [tilespmem:s23+$0xFFFFFF70];
	v43, _, _ =	vpop (xrf2)  }
0x240: {  	v17 =	vld [tilespmem:s22+$0x50];
	v42 =	vpop (erf);
	v34 =	vbroadcast v34, $0xF;
	v51 =	vmul.f32 $1.442695020e+00, v43  }
0x241: {  	v59 =	vmul.f32 v56, v6;
	v41 =	vbroadcast v41, $0xF;
	v0 =	vadd.f32 v37, v0;
	v37 =	vld [tilespmem:s22+$0x70];
	v49 =	vpop (erf)  }
0x242: {  	v22 =	vld [tilespmem:s22+$0xFFFFFFC0];
	(erf) = vpow2.f32 v34;
	v43 =	vpop (erf);
	v51 =	vbroadcast v51, $0xF  }
0x243: {  	v46 =	vmul.f32 v58, v31;
	v21 =	vld [tilespmem:s22+$0x20];
	(erf) = vpow2.f32 v41;
	v52 =	vpop (erf)  }
0x244: {  	v48 =	vmul.f32 v4, v7;
	v34 =	vld [tilespmem:s22+$0x60];
	(erf) = vpow2.f32 v51;
	v63 =	vpop (erf)  }
0x245: {  	(xrf2) =	vadd.scan.msk.f32 $0xffff, v0;
	v41 =	vld [tilespmem:s22+$0xFFFFFFD0];
	v0 =	vmul.f32 v63, v3;
	v62 =	vmul.f32 v63, v1  }
0x246: {  	v1 =	vadd.f32 v59, v48;
	v60 =	vmul.f32 v63, v2;
	v3 =	vmul.f32 v63, v44;
	v44 =	vld [tilespmem:s22+$0xFFFFFFB0]  }
0x247: {  	v28 =	vmov v6;
	v57 =	vmul.f32 v0, v47;
	v6 =	vmul.f32 v0, v36;
	v47 =	vld [tilespmem:s22+$0xFFFFFFA0]  }
0x248: {  	(xrf2) =	vadd.scan.msk.f32 $0xffff, v1;
	v36 =	vld [tilespmem:s22+$0x10];
	v0 =	vmul.f32 v58, v21;
	v1 =	vmul.f32 v61, v30  }
0x249: {  	v5 =	vld [tilespmem:$0x1FEB0];
	v54 =	vmul.f32 v58, v34;
	v2 =	vmul.f32 v61, v37  }
0x24a: {  	v59 =	vmul.f32 v4, v22;
	v51 =	vadd.f32 v1, v0;
	v1 =	vmul.f32 v56, v41  }
0x24b: {  	v48 =	vld [tilespmem:s22+$0xFFFFFFE0];
	v53 =	vadd.f32 v2, v54;
	v58 =	vmul.f32 v58, v29;
	v54 =	vmul.f32 v61, v17  }
0x24c: {  	v2 =	vmul.f32 v56, v44;
	v59 =	vadd.f32 v1, v59  }
0x24d: {  	v1 =	vadd.f32 v54, v58;
	v0 =	vmul.f32 v4, v47;
	v58 =	vmul.f32 v61, v36  }
0x24e: {  	v61 =	vmul.f32 v56, v26;
	v56 =	vmul.f32 v3, v5;
	v5 =	vld [tilespmem:$0x1FEC0];
	_ =	sdelay $0x1  }
0x24f: {  	v54 =	vadd.f32 v2, v0;
	v0 =	vmul.f32 v4, v48;
	v4, _, _ =	vpop (xrf2)  }
0x250: {  	s20 =	simm.s32 $0xA380;
	v4 =	vmul.f32 $1.442695020e+00, v4  }
0x251: {  	[tilespmem:s20+$0xFFFFFF80] =	vst v57  }
0x252: {  	v0 =	vadd.f32 v61, v0;
	v61 =	vmul.f32 v3, v5;
	v3 =	vbroadcast v4, $0xF;
	v4 =	vld [tilespmem:$0x1FED0];
	[tilespmem:s20+$0xFFFFFF90] =	vst v6  }
0x253: {  	v5 =	vld [tilespmem:$0x1FEE0]  }
0x254: {  	v46 =	vadd.f32 v58, v46  }
0x255: {  	v2 =	vmul.f32 $1.442695020e+00, v55  }
0x256: {  	v32 =	vmov v9;
	(xrf2) =	vadd.scan.msk.f32 $0xffff, v53;
	v55 =	vpop (erf)  }
0x257: {  	s17 =	sadd.s32 $0x1, s17;
	s19 =	simm.s32 $0xA480;
	s18 =	simm.s32 $0xA480;
	v19 =	vmov v8;
	v2 =	vbroadcast v2, $0xF;
	(xrf2) =	vadd.scan.msk.f32 $0xffff, v46;
	v63 =	vmul.f32 v60, v4;
	v4, _, _ =	vpop (xrf2)  }
0x258: {  	s21 =	simm.s32 $0x4;
	v33 =	vmov v7;
	s23 =	simm.s32 $0x2680;
	s22 =	simm.s32 $0x6690;
	v46 =	vpop (erf);
	(xrf2) =	vadd.scan.msk.f32 $0xffff, v54;
	v4 =	vmul.f32 $1.442695020e+00, v4;
	v58 =	vmul.f32 v62, v5  }
.LBB2_11:
0x259: {  	v5 =	vld [tilespmem:$0x1FE60];
	_ =	sdelay $0x4  }
0x25a: {  	v23 =	vmov v16;
	v6 =	vld [tilespmem:$0x1FEA0];
	v16 =	vmov v5;
	v5 =	vmov v44  }
0x25b: {  	[tilespmem:$0x1FE60] =	vst v5;
	v5 =	vld [tilespmem:$0x1FE70]  }
0x25c: {  	(erf) = vpow2.f32 v3  }
0x25d: {  	(erf) = vpow2.f32 v2;
	v2 =	vmov v47  }
0x25e: {  	[tilespmem:$0x1FE70] =	vst v2;
	v2 =	vld [tilespmem:$0x1FDF0];
	_ =	sdelay $0x1  }
0x25f: {  	v53 =	vld [tilespmem:s23+$0xFFFFFF90];
	v3 =	vmul.f32 v62, v13;
	[tilespmem:s20+$0xFFFFFFE0] =	vst v56;
	v54 =	vmov v5;
	v5 =	vmov v6  }
0x260: {  	[tilespmem:s20+$0xFFFFFFA0] =	vst v58  }
0x261: {  	v56 =	vld [tilespmem:s23+$0xFFFFFF80];
	[tilespmem:s20+$0xFFFFFFB0] =	vst v3  }
0x262: {  	v2 =	vmul.f32 v60, v2;
	[tilespmem:$0x1FDF0] =	vst v5;
	v5 =	vmov v22  }
0x263: {  	v62 =	vld [tilespmem:s23+$0x40];
	[tilespmem:s20+$0xFFFFFFD0] =	vst v63  }
0x264: {  	(xrf2) =	vadd.scan.msk.f32 $0xffff, v1;
	v4 =	vbroadcast v4, $0xF;
	v1, _, _ =	vpop (xrf2);
	v22 =	vld [tilespmem:s23+$0xFFFFFFC0];
	[tilespmem:s20+$0xFFFFFFC0] =	vst v2;
	v2 =	vmul.f32 v52, v39  }
0x265: {  	v39 =	vmov v55;
	v55, _, _ =	vpop (xrf2);
	(xrf2) =	vadd.scan.msk.f32 $0xffff, v0;
	v0 =	vld [tilespmem:$0x1FE00];
	[tilespmem:$0x1FEA0] =	vst v5;
	v5 =	vmov v40  }
0x266: {  	(erf) = vpow2.f32 v4;
	v4 =	vmul.f32 v52, v38;
	[tilespmem:$0x1FE00] =	vst v5;
	v5 =	vld [tilespmem:$0x1FDE0]  }
0x267: {  	v15 =	vmov v25;
	v25 =	vld [tilespmem:s23+$0x20]  }
0x268: {  	v47 =	vld [tilespmem:s23+$0x50];
	v3 =	vmul.f32 v52, v45;
	v60 =	vmul.f32 v4, v11  }
0x269: {  	v4 =	vmul.f32 v4, v27;
	v27 =	vld [tilespmem:s23+$0x30];
	v52 =	vmul.f32 v52, v50  }
0x26a: {  	v6 =	vld [tilespmem:$0x1FE80];
	[tilespmem:s20+$0x0] =	vst v60;
	v0 =	vmul.f32 v3, v0;
	v3 =	vmul.f32 v3, v35  }
0x26b: {  	v57 =	vld [tilespmem:s23+$0xFFFFFFF0];
	[tilespmem:s20+$0xFFFFFFF0] =	vst v61;
	v35 =	vmul.f32 v2, v5;
	v2 =	vmul.f32 v2, v14  }
0x26c: {  	v44 =	vld [tilespmem:s23+$0xFFFFFFB0];
	[tilespmem:s20+$0x30] =	vst v3;
	v3 =	vmul.f32 v52, v20  }
0x26d: {  	v20 =	vld [tilespmem:s23+$0x0];
	[tilespmem:s20+$0x50] =	vst v2;
	v2 =	vmul.f32 v52, v18  }
0x26e: {  	v50 =	vpop (erf);
	v14 =	vmul.f32 $1.442695020e+00, v55;
	v55 =	vld [tilespmem:s22+$0xFFFFFF70];
	[tilespmem:s20+$0x60] =	vst v3  }
0x26f: {  	v1 =	vmul.f32 $1.442695020e+00, v1;
	v61, _, _ =	vpop (xrf2);
	v3 =	vld [tilespmem:s22+$0xFFFFFF80];
	[tilespmem:s20+$0x70] =	vst v2  }
0x270: {  	v58 =	vmov v32;
	v45 =	vpop (erf);
	v2 =	vld [tilespmem:s23+$0x10];
	[tilespmem:s20+$0x40] =	vst v35  }
0x271: {  	v32 =	vmov v48;
	v38 =	vmov v49;
	v1 =	vbroadcast v1, $0xF;
	(xrf2) =	vadd.scan.msk.f32 $0xffff, v59;
	v63, _, _ =	vpop (xrf2);
	v59 =	vld [tilespmem:s22+$0xFFFFFFF0]  }
0x272: {  	v49 =	vadd.f32 v43, v42;
	v6 =	vmovc v6;
	v48 =	vmul.f32 $1.442695020e+00, v63;
	v5 =	vmovc v29;
	v29 =	vmul.f32 $1.442695020e+00, v61;
	[tilespmem:s20+$0x20] =	vst v0;
	v0 =	vld [tilespmem:$0x1FE90]  }
0x273: {  	v40 =	vadd.f32 v46, v39;
	[tilespmem:$0x1FDE0] =	vst v6;
	v61 =	vpop (erf);
	v6 =	vbroadcast v14, $0xF;
	v18 =	vadd.f32 v45, v38  }
0x274: {  	v10 =	vmovc v36;
	v9 =	vmovc v34;
	v7 =	vld [tilespmem:s23+$0xFFFFFFD0];
	v48 =	vbroadcast v48, $0xF;
	[tilespmem:$0x1FE80] =	vst v5;
	v5 =	vbroadcast v29, $0xF;
	v52 =	vadd.f32 v61, v50  }
0x275: {  	v60 =	vpop (erf);
	(erf) = vpow2.f32 v6;
	v18 =	vadd.f32 v40, v18;
	v36 =	vmov v2;
	v2 =	vld [tilespmem:$0x1FE30]  }
0x276: {  	v29 =	vmovc v62;
	(erf) = vpow2.f32 v5;
	v5 =	vadd.f32 v52, v49;
	v62 =	vmul.f32 v3, v44;
	[tilespmem:$0x1FE30] =	vst v9;
	v9 =	vld [tilespmem:$0x1FE40]  }
0x277: {  	v63 =	vmul.f32 v55, v22;
	(erf) = vrcp.f32 v18;
	v14 =	vmov v0;
	v0 =	vld [tilespmem:s22+$0x0];
	[tilespmem:s20+$0x10] =	vst v4  }
0x278: {  	v40 =	vmov v21;
	v11 =	vmul.f32 v3, v53;
	(erf) = vrcp.f32 v5;
	v49 =	vld [tilespmem:s23+$0x60]  }
0x279: {  	v13 =	vmul.f32 v3, v7;
	v3 =	vmul.f32 v3, v57;
	v6, _, _ =	vpop (xrf2);
	(xrf2) =	vadd.scan.msk.f32 $0xffff, v51;
	v4 =	vmov v17;
	v5 =	vld [tilespmem:s23+$0x70]  }
0x27a: {  	v21 =	vmovc v25;
	v25 =	vmovc v31;
	v31 =	vmov v20;
	(erf) = vpow2.f32 v48;
	[tilespmem:$0x1FE90] =	vst v4;
	v4 =	vmul.f32 v55, v56  }
0x27b: {  	v8 =	vld [tilespmem:$0x1FE50];
	v35 =	vmovc v19;
	v19 =	vmovc v30;
	v30 =	vmov v27;
	v6 =	vmul.f32 $1.442695020e+00, v6;
	(erf) = vpow2.f32 v1  }
0x27c: {  	v17 =	vmovc v47;
	v51 =	vmul.f32 v59, v21;
	v47 =	vld [tilespmem:s23+$0xFFFFFFA0];
	v20 =	vmovc v2;
	v2 =	vadd.f32 v11, v4;
	v18 =	vmov v9  }
0x27d: {  	[tilespmem:$0x1FE50] =	vst v10;
	v48 =	vld [tilespmem:s23+$0xFFFFFFE0];
	v9, _, _ =	vpop (xrf2);
	v11 =	vmov v37;
	v4 =	vmul.f32 v0, v30;
	v10 =	vmul.f32 v0, v36  }
0x27e: {  	v12 =	vmul.f32 v59, v49;
	v34 =	vmov v49;
	v1 =	vmul.f32 v0, v5;
	v49 =	vpop (erf)  }
0x27f: {  	v0 =	vmul.f32 v0, v17;
	v51 =	vadd.f32 v4, v51;
	v4 =	vmul.f32 $1.442695020e+00, v9;
	v9 =	vpop (erf)  }
0x280: {  	v27 =	vmov v8;
	v8 =	vmul.f32 v59, v31;
	v37 =	vmul.f32 v59, v29;
	[tilespmem:$0x1FE40] =	vst v11;
	v52 =	vpop (erf)  }
0x281: {  	(xrf2) =	vadd.scan.msk.f32 $0xffff, v2;
	v59 =	vadd.f32 v13, v63;
	v11 =	vadd.f32 v1, v12;
	v12 =	vmul.f32 v55, v47;
	v2 =	vpop (erf)  }
0x282: {  	v63 =	vmul.f32 v55, v48;
	v1 =	vadd.f32 v0, v37;
	v13 =	vmul.f32 v2, v42;
	v42 =	vmovc v60  }
0x283: {  	v12 =	vadd.f32 v62, v12;
	v0, _, _ =	vpop (xrf2);
	v62 =	vmul.f32 v2, v43;
	v60 =	vmul.f32 v2, v50  }
0x284: {  	v37 =	vmovc v5;
	v43 =	vmovc v9;
	v5 =	vmul.f32 v2, v61;
	v2 =	vbroadcast v6, $0xF;
	v6 =	vld [tilespmem:$0x1FE10];
	v9 =	vmov v33  }
0x285: {  	v8 =	vadd.f32 v10, v8;
	v4 =	vbroadcast v4, $0xF;
	v10 =	vmul.f32 $1.442695020e+00, v0;
	[tilespmem:$0x1FE10] =	vst v9;
	v9 =	vld [tilespmem:$0x1FE20]  }
0x286: {  	s21 =	sadd.s32 $0x2, s21;
	v55 =	vpop (erf);
	v50 =	vmov v46  }
0x287: {  	p2 =	slt.u32 s21, $0x3E;
	v0 =	vadd.f32 v3, v63;
	v46 =	vpop (erf);
	(erf) = vpow2.f32 v4;
	v63 =	vmul.f32 v60, v24  }
.Ltmp7:
0x288: {  	(xrf2) =	vadd.scan.msk.f32 $0xffff, v11;
	v33 =	vmov v56;
	v56 =	vmul.f32 v5, v58;
	v61 =	vmul.f32 v5, v23;
	(pc) =	sbr.rel @p2 .LBB2_11-.Ltmp7, $4  }
0x289: {  	(xrf2) =	vadd.scan.msk.f32 $0xffff, v8;
	v3 =	vbroadcast v10, $0xF;
	v6 =	vmul.f32 v13, v6;
	v10 =	vmov v28  }
0x28a: {  	s20 =	smov.u32 s19;
	v11 =	vmovc v15;
	v24 =	vmov v41;
	v58 =	vmul.f32 v62, v54;
	v9 =	vmul.f32 v13, v9;
	[tilespmem:$0x1FE20] =	vst v10  }
0x28b: {  	s18 =	sadd.s32 $0x100, s18;
	v41 =	vmov v7;
	v28 =	vmov v53;
	v8, _, _ =	vpop (xrf2);
	v13 =	vmov v16;
	[tilespmem:s20+$0xFFFFFF80] =	vst v6  }
0x28c: {  	s19 =	smov.u32 s18;
	s22 =	sadd.s32 $0x100, s22;
	s23 =	sadd.s32 $0x100, s23;
	(xrf2) =	vadd.scan.msk.f32 $0xffff, v12;
	v16 =	vmovc v26;
	v26 =	vmov v57;
	v4 =	vmul.f32 $1.442695020e+00, v8;
	[tilespmem:s20+$0xFFFFFF90] =	vst v9  }
0x28d: {  	_ = 	snop  }
0x28e: {  	(erf) = vpow2.f32 v3  }
0x28f: {  	(xrf2) =	vadd.scan.msk.f32 $0xffff, v1;
	(erf) = vpow2.f32 v2;
	_ =	sdelay $0x1  }
0x290: {  	(xrf2) =	vadd.scan.msk.f32 $0xffff, v0  }
0x291: {  	v0, _, _ =	vpop (xrf2);
	(xrf2) =	vadd.scan.msk.f32 $0xffff, v59;
	_ =	sdelay $0x1  }
0x292: {  	v54 =	vbroadcast v4, $0xF;
	v4 =	vpop (erf)  }
0x293: {  	[tilespmem:s20+$0xFFFFFFA0] =	vst v58;
	v58 =	vmul.f32 v52, v39;
	v23, _, _ =	vpop (xrf2)  }
0x294: {  	v12 =	vmul.f32 v62, v13;
	[tilespmem:s20+$0xFFFFFFE0] =	vst v56;
	v56 =	vmul.f32 v52, v38;
	v53, _, _ =	vpop (xrf2)  }
0x295: {  	v5 =	vadd.f32 v46, v55;
	v62 =	vmul.f32 v58, v14;
	v1 =	vmul.f32 $1.442695020e+00, v23;
	v3 =	vpop (erf)  }
0x296: {  	v9 =	vadd.f32 v43, v42;
	(erf) = vpow2.f32 v54;
	v2 =	vmul.f32 $1.442695020e+00, v53;
	v7 =	vpop (erf)  }
0x297: {  	v0 =	vmul.f32 $1.442695020e+00, v0;
	v1 =	vbroadcast v1, $0xF;
	v6 =	vadd.f32 v3, v49;
	v8, _, _ =	vpop (xrf2)  }
0x298: {  	v10 =	vadd.f32 v7, v4;
	v59 =	vmul.f32 $1.442695020e+00, v8;
	v2 =	vbroadcast v2, $0xF  }
0x299: {  	(xrf2) =	vadd.scan.msk.f32 $0xffff, v51;
	v0 =	vbroadcast v0, $0xF;
	(erf) = vpow2.f32 v1;
	v15, _, _ =	vpop (xrf2);
	v57 =	vadd.f32 v5, v6  }
0x29a: {  	v13 =	vadd.f32 v10, v9;
	v5 =	vbroadcast v59, $0xF;
	(erf) = vpow2.f32 v2;
	v23, _, _ =	vpop (xrf2)  }
0x29b: {  	v54 =	vld [tilespmem:$0x1FDF0];
	(erf) = vrcp.f32 v57;
	v2 =	vmul.f32 $1.442695020e+00, v23  }
0x29c: {  	v57 =	vmul.f32 v52, v45;
	(erf) = vrcp.f32 v13  }
0x29d: {  	[tilespmem:s20+$0xFFFFFFB0] =	vst v12;
	(erf) = vpow2.f32 v5;
	v2 =	vbroadcast v2, $0xF  }
0x29e: {  	[tilespmem:s20+$0xFFFFFFD0] =	vst v63;
	v59 =	vmul.f32 v56, v11;
	(erf) = vpow2.f32 v0  }
0x29f: {  	[tilespmem:s20+$0xFFFFFFF0] =	vst v61;
	v12 =	vmul.f32 v57, v35;
	(erf) = vpow2.f32 v2  }
0x2a0: {  	[tilespmem:s20+$0x50] =	vst v62;
	v2 =	vmul.f32 v60, v54;
	v60 =	vmul.f32 v52, v50  }
0x2a1: {  	[tilespmem:s20+$0x0] =	vst v59  }
0x2a2: {  	[tilespmem:s20+$0x30] =	vst v12;
	v45 =	vmul.f32 v60, v20  }
0x2a3: {  	v51, _, _ =	vpop (xrf2);
	[tilespmem:s20+$0xFFFFFFC0] =	vst v2  }
0x2a4: {  	v5 =	vmul.f32 $1.442695020e+00, v51;
	v51 =	vld [tilespmem:$0x1FDE0];
	[tilespmem:s20+$0x60] =	vst v45  }
0x2a5: {  	v1 =	vmul.f32 $1.442695020e+00, v15;
	v15 =	vld [tilespmem:$0x1FE00];
	_ =	sdelay $0x2  }
0x2a6: {  	v53 =	vbroadcast v5, $0xF;
	v50 =	vmul.f32 v60, v18  }
0x2a7: {  	v1 =	vbroadcast v1, $0xF;
	v8 =	vmul.f32 v58, v51  }
0x2a8: {  	(erf) = vpow2.f32 v53;
	[tilespmem:s20+$0x70] =	vst v50;
	v6 =	vmul.f32 v57, v15  }
0x2a9: {  	v0 =	vpop (erf);
	(erf) = vpow2.f32 v1;
	v1 =	vmul.f32 v56, v27;
	[tilespmem:s20+$0x40] =	vst v8  }
0x2aa: {  	v5 =	vpop (erf);
	[tilespmem:s20+$0x20] =	vst v6  }
0x2ab: {  	v2 =	vpop (erf);
	v6 =	vld [tilespmem:$0x1FE10];
	[tilespmem:s20+$0x10] =	vst v1  }
0x2ac: {  	v11 =	vpop (erf);
	v1 =	vld [tilespmem:$0x1FE20]  }
0x2ad: {  	v63 =	vpop (erf)  }
0x2ae: {  	v53 =	vmul.f32 v63, v42;
	_ =	sdelay $0x1  }
0x2af: {  	v6 =	vmul.f32 v53, v6  }
0x2b0: {  	v1 =	vmul.f32 v53, v1  }
0x2b1: {  	v14 =	vpop (erf);
	[tilespmem:s19+$0xFFFFFF80] =	vst v6  }
0x2b2: {  	v10 =	vpop (erf);
	[tilespmem:s19+$0xFFFFFF90] =	vst v1  }
0x2b3: {  	v7 =	vmul.f32 v63, v7;
	v52 =	vpop (erf);
	v1 =	vld [tilespmem:$0x1FE70]  }
0x2b4: {  	v60 =	vmul.f32 v63, v43;
	v4 =	vmul.f32 v63, v4;
	v18 =	vpop (erf);
	v63 =	vld [tilespmem:$0x1FE60]  }
0x2b5: {  	v54 =	vadd.f32 v10, v14;
	v56 =	vadd.f32 v18, v5;
	_ =	sdelay $0x1  }
0x2b6: {  	v62 =	vmul.f32 v7, v32;
	v8 =	vadd.f32 v54, v56  }
0x2b7: {  	v1 =	vmul.f32 v60, v1  }
0x2b8: {  	(erf) = vrcp.f32 v8;
	[tilespmem:s19+$0xFFFFFFE0] =	vst v62;
	v8 =	vmul.f32 v60, v63  }
0x2b9: {  	[tilespmem:s19+$0xFFFFFFA0] =	vst v1  }
0x2ba: {  	[tilespmem:s19+$0xFFFFFFB0] =	vst v8  }
0x2bb: {  	v15 =	vld [tilespmem:$0x1FEA0];
	_ =	sdelay $0x1  }
0x2bc: {  	v20 =	vmul.f32 v11, v49;
	v13 =	vmul.f32 v4, v24  }
0x2bd: {  	v7 =	vmul.f32 v7, v16  }
0x2be: {  	v32 =	vmul.f32 v20, v25;
	[tilespmem:s19+$0xFFFFFFD0] =	vst v13  }
0x2bf: {  	[tilespmem:s19+$0xFFFFFFF0] =	vst v7;
	v4 =	vmul.f32 v4, v15  }
0x2c0: {  	[tilespmem:s19+$0x0] =	vst v32  }
0x2c1: {  	v57 =	vpop (erf);
	[tilespmem:s19+$0xFFFFFFC0] =	vst v4  }
0x2c2: {  	v58 =	vadd.f32 v2, v0;
	v59 =	vadd.f32 v57, v52;
	v4 =	vld [tilespmem:$0x1FE90];
	_ =	sdelay $0x1  }
0x2c3: {  	v23 =	vmul.f32 v11, v3;
	v61 =	vadd.f32 v59, v58  }
0x2c4: {  	v24 =	vmul.f32 v11, v55  }
0x2c5: {  	v38 =	vmul.f32 v23, v19;
	(erf) = vrcp.f32 v61  }
0x2c6: {  	v4 =	vmul.f32 v24, v4  }
0x2c7: {  	[tilespmem:s19+$0x30] =	vst v38  }
0x2c8: {  	v7 =	vld [tilespmem:$0x1FE30];
	[tilespmem:s19+$0x50] =	vst v4  }
0x2c9: {  	v4 =	vld [tilespmem:$0x1FE40]  }
0x2ca: {  	v42 =	vld [tilespmem:$0x1FE80]  }
0x2cb: {  	v35 =	vmul.f32 v11, v46;
	_ =	sdelay $0x1  }
0x2cc: {  	v39 =	vpop (erf);
	v7 =	vmul.f32 v35, v7  }
0x2cd: {  	v43 =	vpop (erf);
	v4 =	vmul.f32 v35, v4  }
0x2ce: {  	v0 =	vmul.f32 v43, v0;
	[tilespmem:s19+$0x60] =	vst v7;
	v3 =	vmul.f32 v24, v42  }
0x2cf: {  	v1 =	vmul.f32 v23, v40;
	[tilespmem:s19+$0x70] =	vst v4  }
0x2d0: {  	v45 =	vmul.f32 v43, v57;
	v46 =	vmul.f32 v0, v33;
	v4 =	vld [tilespmem:$0x1FE50];
	[tilespmem:s19+$0x40] =	vst v3  }
0x2d1: {  	s18 =	sadd.s32 $0x100, s18;
	v2 =	vmul.f32 v43, v2;
	v0 =	vmul.f32 v0, v28;
	[tilespmem:s19+$0x20] =	vst v1  }
0x2d2: {  	v49 =	vmul.f32 v45, v48;
	[tilespmem:s18+$0xFFFFFF80] =	vst v46  }
0x2d3: {  	v50 =	vmul.f32 v43, v52;
	v51 =	vmul.f32 v2, v47;
	[tilespmem:s18+$0xFFFFFF90] =	vst v0  }
0x2d4: {  	v2 =	vmul.f32 v2, v44;
	[tilespmem:s18+$0xFFFFFFE0] =	vst v49  }
0x2d5: {  	v54 =	vmul.f32 v39, v5;
	v52 =	vmul.f32 v50, v41;
	[tilespmem:s18+$0xFFFFFFA0] =	vst v51  }
0x2d6: {  	v55 =	vmul.f32 v39, v18;
	v53 =	vmul.f32 v50, v22;
	[tilespmem:s18+$0xFFFFFFB0] =	vst v2  }
0x2d7: {  	v56 =	vmul.f32 v39, v14;
	v57 =	vmul.f32 v54, v31;
	[tilespmem:s18+$0xFFFFFFD0] =	vst v52  }
0x2d8: {  	v58 =	vmul.f32 v39, v10;
	v59 =	vmul.f32 v55, v30;
	[tilespmem:s18+$0xFFFFFFC0] =	vst v53  }
0x2d9: {  	v60 =	vmul.f32 v56, v17;
	[tilespmem:s18+$0x0] =	vst v57  }
0x2da: {  	v61 =	vmul.f32 v58, v34;
	[tilespmem:s18+$0x30] =	vst v59  }
0x2db: {  	v62 =	vmul.f32 v58, v37;
	[tilespmem:s18+$0x50] =	vst v60  }
0x2dc: {  	v63 =	vmul.f32 v54, v36;
	[tilespmem:s18+$0x60] =	vst v61  }
0x2dd: {  	v1 =	vmul.f32 v45, v26;
	[tilespmem:s18+$0x70] =	vst v62  }
0x2de: {  	v2 =	vmul.f32 v56, v29;
	[tilespmem:s18+$0x10] =	vst v63  }
0x2df: {  	v0 =	vmul.f32 v55, v21;
	[tilespmem:s18+$0xFFFFFFF0] =	vst v1  }
0x2e0: {  	[tilespmem:s18+$0x40] =	vst v2;
	v4 =	vmul.f32 v20, v4  }
0x2e1: {  	[tilespmem:s18+$0x20] =	vst v0  }
0x2e2: {  	[tilespmem:s19+$0x10] =	vst v4  }
0x2e3: {  	[spmem:s13] =	stream.indirect.scatter.add.f32 [tilespmem:s28], [sflag:$0x7], $0x80, s15, s31, $0xb8;
	[tilespmem:$0x1FB80] =	vst v63  }
0x2e4: {  	s20 =	simm.s32 @!p1 $0x2300;
	s18 =	simm.s32 @!p1 $0x40;
	s19 =	simm.s32 @!p1 $0x140  }
0x2e5: {  	[tilespmem:s20], [sflag:$0x3] =	stream.indirect.gather @!p1 [hbm4b:s0+s18], $0x80, s19, s18, $0xb8;
	[tilespmem:$0x1FB80] =	vst v63  }
0x2e6: {  	s19 =	simm.s32 @!p1 $0x1C0;
	s20 =	simm.s32 @!p1 $0x6300  }
0x2e7: {  	[tilespmem:s20], [sflag:$0x5] =	stream.indirect.gather @!p1 [hbm4b:s1+s18], $0x80, s19, s18, $0xb8;
	[tilespmem:$0x1FB80] =	vst v63  }
0x2e8: {  	p1 =	sne.s32 s17, $0x4E  }
.Ltmp8:
0x2e9: {  	_ = 	snop;
	(pc) =	sbr.rel @p1 .LBB2_4-.Ltmp8, $4  }
0x2ea: {  	s18 =	simm.s32 @p3 $0x40;
	s19 =	simm.s32 @p3 $0x2300  }
0x2eb: {  	[tilespmem:s19], [sflag:$0x3] =	stream.indirect.gather @p3 [hbm4b:s0+s18], $0x80, s18, s18, $0xb8;
	[tilespmem:$0x1FB80] =	vst v63  }
0x2ec: {  	s20 =	simm.s32 @p3 $0x6300;
	s19 =	simm.s32 @p3 $0xC0  }
0x2ed: {  	[tilespmem:s20], [sflag:$0x5] =	stream.indirect.gather @p3 [hbm4b:s1+s18], $0x80, s19, s18, $0xb8;
	[tilespmem:$0x1FB80] =	vst v63  }
0x2ee: {  	_ =	swait.ge [sflag:s29], $0x2000  }
.Ltmp9:
0x2ef: {  	[sflag:s29] =	ssyncset.done $0x0;
	(pc) =	sbr.rel @p0 .LBB2_17-.Ltmp9, $4  }
0x2f0: {  	[sflag:s29] =	ssyncadd.s32 $0xFFFFE000  }
0x2f1: {  	_ =	swait.ge [sflag:s10], $0x2000  }
0x2f2: {  	[sflag:s10] =	ssyncset.done $0x0  }
0x2f3: {  	s23 =	smov.u32 s25;
	[sflag:s10] =	ssyncadd.s32 $0xFFFFE000  }
0x2f4: {  	s17 =	rddreg [dreg:$0x19]  }
0x2f5: {  	[tilespmem:s3], [sflag:$0x1] =	stream.linear.gather [hbm4b:s17+s3], $0x100, $0x38;
	[tilespmem:$0x1FB80] =	vst v63  }
0x2f6: {  	_ =	swait.ge [sflag:s2], $0x100  }
0x2f7: {  	[sflag:s2] =	ssyncset.done $0x0  }
0x2f8: {  	s19 =	rddreg [dreg:$0x1a];
	[sflag:s2] =	ssyncadd.s32 $0xFFFFFF00  }
0x2f9: {  	[tilespmem:s12], [sflag:$0x2] =	stream.indirect.gather [hbm4b:s0+s31], $0x80, s19, s31, $0xb8;
	[tilespmem:$0x1FB80] =	vst v63  }
0x2fa: {  	s20 =	rddreg [dreg:$0x1b]  }
0x2fb: {  	[tilespmem:s5], [sflag:$0x4] =	stream.indirect.gather [hbm4b:s1+s31], $0x80, s20, s31, $0xb8;
	[tilespmem:$0x1FB80] =	vst v63  }
0x2fc: {  	_ =	swait.ge [sflag:s6], $0x2000  }
0x2fd: {  	[sflag:s6] =	ssyncset.done $0x0  }
0x2fe: {  	[sflag:s6] =	ssyncadd.s32 $0xFFFFE000  }
0x2ff: {  	_ =	swait.ge [sflag:s7], $0x2000  }
0x300: {  	[sflag:s7] =	ssyncset.done $0x0  }
0x301: {  	s21 =	rddreg [dreg:$0x1d];
	[sflag:s7] =	ssyncadd.s32 $0xFFFFE000  }
0x302: {  	v0 =	vld [tilespmem:s21+$0x0];
	_ =	sdelay $0x4  }
0x303: {  	s22 =	rddreg [dreg:$0x1e];
	[tilespmem:$0x200] =	vst v0  }
0x304: {  	v0 =	vld [tilespmem:s22+$0x0];
	_ =	sdelay $0x4  }
0x305: {  	s25 =	rddreg [dreg:$0x1f];
	[tilespmem:$0x210] =	vst v0  }
0x306: {  	v0 =	vld [tilespmem:s25+$0x0];
	_ =	sdelay $0x2  }
0x307: {  	s18 =	sld [smem:$0x7FD];
	_ =	sdelay $0x1  }
0x308: {  	[tilespmem:$0x220] =	vst v0  }
0x309: {  	v0 =	vld [tilespmem:s18+$0x0];
	_ =	sdelay $0x4  }
0x30a: {  	s19 =	simm.s32 $0x380;
	[tilespmem:$0x230] =	vst v0  }
0x30b: {  	v36 =	vld [tilespmem:s19+$0xFFFFFF90]  }
0x30c: {  	v47 =	vld [tilespmem:s19+$0xFFFFFF80]  }
0x30d: {  	s18 =	simm.s32 $0x4390;
	v13 =	vld [tilespmem:s19+$0xFFFFFFB0]  }
0x30e: {  	v0 =	vld [tilespmem:s18+$0xFFFFFF70]  }
0x30f: {  	v1 =	vld [tilespmem:s18+$0xFFFFFF80]  }
0x310: {  	v2 =	vld [tilespmem:s18+$0xFFFFFFF0]  }
0x311: {  	v12 =	vld [tilespmem:s19+$0xFFFFFFA0]  }
0x312: {  	v3 =	vld [tilespmem:s18+$0x0]  }
0x313: {  	v20 =	vld [tilespmem:s19+$0x60]  }
0x314: {  	v18 =	vld [tilespmem:s19+$0x70]  }
0x315: {  	v11 =	vld [tilespmem:s19+$0x0]  }
0x316: {  	v27 =	vld [tilespmem:s19+$0x10];
	[tilespmem:$0x1FDD0] =	vst v12  }
0x317: {  	v9 =	vld [tilespmem:s19+$0x40]  }
0x318: {  	v4 =	vmul.f32 v0, v47;
	v5 =	vmul.f32 v1, v36  }
0x319: {  	v6 =	vmul.f32 v2, v20;
	v7 =	vmul.f32 v3, v18  }
0x31a: {  	v4 =	vadd.f32 v5, v4  }
0x31b: {  	v14 =	vld [tilespmem:s19+$0x50];
	v6 =	vadd.f32 v7, v6  }
0x31c: {  	v7 =	vmul.f32 v0, v12;
	v12 =	vld [tilespmem:s19+$0xFFFFFFC0];
	(xrf2) =	vadd.scan.msk.f32 $0xffff, v4;
	[tilespmem:$0x1FCD0] =	vst v9  }
0x31d: {  	(xrf2) =	vadd.scan.msk.f32 $0xffff, v6;
	v6 =	vld [tilespmem:s19+$0xFFFFFFF0];
	_ =	sdelay $0x3  }
0x31e: {  	v8 =	vmul.f32 v2, v11;
	v5 =	vmul.f32 v3, v27  }
0x31f: {  	[tilespmem:$0x1FDB0] =	vst v6  }
0x320: {  	v4 =	vadd.f32 v5, v8;
	v5 =	vmul.f32 v2, v9;
	v9 =	vld [tilespmem:s19+$0xFFFFFFE0];
	_ =	sdelay $0x3  }
0x321: {  	v8 =	vmul.f32 v3, v14  }
0x322: {  	[tilespmem:$0x1FDA0] =	vst v9  }
0x323: {  	v10 =	vmul.f32 v1, v13;
	(xrf2) =	vadd.scan.msk.f32 $0xffff, v4;
	v4 =	vadd.f32 v8, v5;
	v8 =	vld [tilespmem:s19+$0xFFFFFFD0];
	_ =	sdelay $0x1  }
0x324: {  	v7 =	vadd.f32 v10, v7;
	_ =	sdelay $0x1  }
0x325: {  	(xrf2) =	vadd.scan.msk.f32 $0xffff, v7  }
0x326: {  	[tilespmem:$0x1FDC0] =	vst v8  }
0x327: {  	v7 =	vld [tilespmem:s19+$0x20]  }
0x328: {  	v35 =	vld [tilespmem:s19+$0x30]  }
0x329: {  	(xrf2) =	vadd.scan.msk.f32 $0xffff, v4;
	v4 =	vmul.f32 v1, v6;
	v5 =	vmul.f32 v0, v9  }
0x32a: {  	s20 =	simm.s32 $0x480;
	v0 =	vmul.f32 v0, v12;
	v1 =	vmul.f32 v1, v8  }
0x32b: {  	v8, _, _ =	vpop (xrf2);
	v6 =	vld [tilespmem:s20+$0xFFFFFF90];
	[tilespmem:$0x1FCE0] =	vst v12  }
0x32c: {  	s21 =	simm.s32 $0x4490;
	v4 =	vadd.f32 v4, v5;
	v9 =	vld [tilespmem:s20+$0xFFFFFF80];
	v0 =	vadd.f32 v1, v0;
	v1 =	vmul.f32 $1.442695020e+00, v8;
	[tilespmem:$0x1FCF0] =	vst v7  }
0x32d: {  	v10, _, _ =	vpop (xrf2);
	v2 =	vmul.f32 v2, v7;
	v3 =	vmul.f32 v3, v35;
	v17 =	vld [tilespmem:s21+$0xFFFFFF70]  }
0x32e: {  	(xrf2) =	vadd.scan.msk.f32 $0xffff, v4;
	v5, _, _ =	vpop (xrf2);
	v4 =	vld [tilespmem:s21+$0xFFFFFF80]  }
0x32f: {  	v1 =	vbroadcast v1, $0xF;
	(xrf2) =	vadd.scan.msk.f32 $0xffff, v0;
	v0 =	vld [tilespmem:s21+$0xFFFFFFF0];
	v2 =	vadd.f32 v3, v2;
	v3 =	vmul.f32 $1.442695020e+00, v5;
	v5, _, _ =	vpop (xrf2)  }
0x330: {  	v7 =	vld [tilespmem:s20+$0x60];
	v8 =	vmul.f32 $1.442695020e+00, v5  }
0x331: {  	(erf) = vpow2.f32 v1;
	v30 =	vld [tilespmem:s21+$0x0];
	v1 =	vbroadcast v3, $0xF  }
0x332: {  	(xrf2) =	vadd.scan.msk.f32 $0xffff, v2;
	v2 =	vbroadcast v8, $0xF;
	v8 =	vld [tilespmem:s20+$0x70]  }
0x333: {  	v3, _, _ =	vpop (xrf2);
	(erf) = vpow2.f32 v1;
	v1 =	vmul.f32 $1.442695020e+00, v10  }
0x334: {  	v25 =	vld [tilespmem:s20+$0x0];
	v12 =	vmul.f32 v4, v6;
	v3 =	vmul.f32 $1.442695020e+00, v3  }
0x335: {  	v5 =	vld [tilespmem:s20+$0x10];
	v16 =	vmul.f32 v0, v7;
	(erf) = vpow2.f32 v2  }
0x336: {  	v10 =	vld [tilespmem:s20+$0xFFFFFFB0];
	[tilespmem:$0x1FD00] =	vst v9;
	v1 =	vbroadcast v1, $0xF;
	v2 =	vbroadcast v3, $0xF  }
0x337: {  	[tilespmem:$0x1FD10] =	vst v6;
	v3 =	vmul.f32 v17, v9;
	v19 =	vmul.f32 v30, v8  }
0x338: {  	v6 =	vld [tilespmem:s20+$0xFFFFFFA0];
	(erf) = vpow2.f32 v2  }
0x339: {  	[tilespmem:$0x1FD20] =	vst v7;
	v3 =	vadd.f32 v12, v3;
	(erf) = vpow2.f32 v1;
	v1 =	vadd.f32 v19, v16  }
0x33a: {  	v21, _, _ =	vpop (xrf2);
	[tilespmem:$0x1FD40] =	vst v5  }
0x33b: {  	v15 =	vmul.f32 v0, v25;
	[tilespmem:$0x1FD30] =	vst v8;
	v2 =	vmul.f32 v30, v5;
	v12, _, _ =	vpop (xrf2);
	(xrf2) =	vadd.scan.msk.f32 $0xffff, v3  }
0x33c: {  	[tilespmem:$0x1FD50] =	vst v10;
	v22 =	vmul.f32 v4, v10;
	v3 =	vmul.f32 $1.442695020e+00, v12  }
0x33d: {  	[tilespmem:$0x1FD60] =	vst v6;
	v16 =	vmul.f32 v17, v6;
	v2 =	vadd.f32 v2, v15;
	(xrf2) =	vadd.scan.msk.f32 $0xffff, v1;
	v1, _, _ =	vpop (xrf2)  }
0x33e: {  	v6 =	vld [tilespmem:s20+$0x50];
	v3 =	vbroadcast v3, $0xF;
	v1 =	vmul.f32 $1.442695020e+00, v1  }
0x33f: {  	v5 =	vld [tilespmem:s20+$0x40];
	v19 =	vadd.f32 v22, v16;
	(xrf2) =	vadd.scan.msk.f32 $0xffff, v2  }
0x340: {  	v7 =	vld [tilespmem:s20+$0xFFFFFFC0];
	v2 =	vmul.f32 $1.442695020e+00, v21;
	v1 =	vbroadcast v1, $0xF  }
0x341: {  	v16 =	vld [tilespmem:s20+$0xFFFFFFF0];
	(xrf2) =	vadd.scan.msk.f32 $0xffff, v19;
	(erf) = vpow2.f32 v3  }
0x342: {  	v9 =	vld [tilespmem:s20+$0xFFFFFFE0];
	v2 =	vbroadcast v2, $0xF;
	v3 =	vpop (erf)  }
0x343: {  	v8 =	vld [tilespmem:s20+$0xFFFFFFD0];
	v21 =	vmul.f32 v30, v6;
	v38 =	vpop (erf);
	(erf) = vpow2.f32 v1  }
0x344: {  	(erf) = vpow2.f32 v2;
	v2 =	vmul.f32 v0, v5;
	v1 =	vpop (erf)  }
0x345: {  	v24, _, _ =	vpop (xrf2)  }
0x346: {  	v22 =	vmul.f32 v4, v16;
	v39 =	vpop (erf);
	v2 =	vadd.f32 v21, v2  }
0x347: {  	[tilespmem:$0x1FD70] =	vst v5;
	v21 =	vmul.f32 v17, v9;
	v5 =	vmul.f32 $1.442695020e+00, v24;
	v31, _, _ =	vpop (xrf2)  }
0x348: {  	v4 =	vmul.f32 v4, v8;
	v17 =	vmul.f32 v17, v7;
	v50 =	vpop (erf)  }
0x349: {  	[tilespmem:$0x1FD80] =	vst v6;
	v26, _, _ =	vpop (xrf2);
	v21 =	vadd.f32 v22, v21  }
0x34a: {  	[tilespmem:$0x1FD90] =	vst v7;
	v22 =	vbroadcast v5, $0xF;
	(xrf2) =	vadd.scan.msk.f32 $0xffff, v2;
	v4 =	vadd.f32 v4, v17;
	v2 =	vpop (erf)  }
0x34b: {  	s22 =	simm.s32 $0x580;
	v40 =	vld [tilespmem:s20+$0x20];
	v17 =	vmul.f32 $1.442695020e+00, v26;
	v5, _, _ =	vpop (xrf2);
	(xrf2) =	vadd.scan.msk.f32 $0xffff, v21  }
0x34c: {  	v6 =	vld [tilespmem:s22+$0xFFFFFF90];
	(erf) = vpow2.f32 v22;
	v21 =	vmul.f32 $1.442695020e+00, v5;
	(xrf2) =	vadd.scan.msk.f32 $0xffff, v4;
	v45 =	vpop (erf)  }
0x34d: {  	s25 =	simm.s32 $0x4590;
	v29 =	vld [tilespmem:s22+$0x40];
	v22 =	vadd.f32 v50, v39;
	v17 =	vbroadcast v17, $0xF;
	v4 =	vadd.f32 v45, v38;
	v44 =	vpop (erf)  }
0x34e: {  	v56 =	vld [tilespmem:s25+$0xFFFFFF80];
	v5 =	vadd.f32 v1, v3;
	v21 =	vbroadcast v21, $0xF;
	v34 =	vadd.f32 v44, v2  }
0x34f: {  	v58 =	vld [tilespmem:s25+$0xFFFFFFF0];
	(erf) = vpow2.f32 v17;
	v4 =	vadd.f32 v22, v4  }
0x350: {  	v24 =	vmov v8;
	v8 =	vld [tilespmem:s20+$0x30];
	(erf) = vpow2.f32 v21;
	v21 =	vadd.f32 v34, v5  }
0x351: {  	v61 =	vld [tilespmem:s25+$0x0];
	(erf) = vrcp.f32 v4  }
0x352: {  	v7 =	vld [tilespmem:s22+$0xFFFFFF80];
	(erf) = vrcp.f32 v21  }
0x353: {  	v41 =	vmul.f32 $1.442695020e+00, v31;
	v31 =	vld [tilespmem:s22+$0x0]  }
0x354: {  	v26 =	vld [tilespmem:s22+$0xFFFFFFF0];
	v53, _, _ =	vpop (xrf2)  }
0x355: {  	v37 =	vmul.f32 v30, v8;
	v30 =	vld [tilespmem:s22+$0x30];
	v34 =	vmul.f32 $1.442695020e+00, v53;
	v55, _, _ =	vpop (xrf2)  }
0x356: {  	v0 =	vmul.f32 v0, v40;
	v4 =	vld [tilespmem:s25+$0xFFFFFF70];
	v43, _, _ =	vpop (xrf2)  }
0x357: {  	v17 =	vld [tilespmem:s22+$0x50];
	v42 =	vpop (erf);
	v34 =	vbroadcast v34, $0xF;
	v51 =	vmul.f32 $1.442695020e+00, v43  }
0x358: {  	v59 =	vmul.f32 v56, v6;
	v41 =	vbroadcast v41, $0xF;
	v0 =	vadd.f32 v37, v0;
	v37 =	vld [tilespmem:s22+$0x70];
	v49 =	vpop (erf)  }
0x359: {  	v22 =	vld [tilespmem:s22+$0xFFFFFFC0];
	(erf) = vpow2.f32 v34;
	v43 =	vpop (erf);
	v51 =	vbroadcast v51, $0xF  }
0x35a: {  	v46 =	vmul.f32 v58, v31;
	v21 =	vld [tilespmem:s22+$0x20];
	(erf) = vpow2.f32 v41;
	v52 =	vpop (erf)  }
0x35b: {  	v48 =	vmul.f32 v4, v7;
	v34 =	vld [tilespmem:s22+$0x60];
	(erf) = vpow2.f32 v51;
	v63 =	vpop (erf)  }
0x35c: {  	(xrf2) =	vadd.scan.msk.f32 $0xffff, v0;
	v41 =	vld [tilespmem:s22+$0xFFFFFFD0];
	v0 =	vmul.f32 v63, v3;
	v62 =	vmul.f32 v63, v1  }
0x35d: {  	v1 =	vadd.f32 v59, v48;
	v60 =	vmul.f32 v63, v2;
	v3 =	vmul.f32 v63, v44;
	v44 =	vld [tilespmem:s22+$0xFFFFFFB0]  }
0x35e: {  	v28 =	vmov v6;
	v57 =	vmul.f32 v0, v47;
	v6 =	vmul.f32 v0, v36;
	v47 =	vld [tilespmem:s22+$0xFFFFFFA0]  }
0x35f: {  	(xrf2) =	vadd.scan.msk.f32 $0xffff, v1;
	v36 =	vld [tilespmem:s22+$0x10];
	v0 =	vmul.f32 v58, v21;
	v1 =	vmul.f32 v61, v30  }
0x360: {  	v5 =	vld [tilespmem:$0x1FDA0];
	v54 =	vmul.f32 v58, v34;
	v2 =	vmul.f32 v61, v37  }
0x361: {  	v59 =	vmul.f32 v4, v22;
	v51 =	vadd.f32 v1, v0;
	v1 =	vmul.f32 v56, v41  }
0x362: {  	v48 =	vld [tilespmem:s22+$0xFFFFFFE0];
	v53 =	vadd.f32 v2, v54;
	v58 =	vmul.f32 v58, v29;
	v54 =	vmul.f32 v61, v17  }
0x363: {  	v2 =	vmul.f32 v56, v44;
	v59 =	vadd.f32 v1, v59  }
0x364: {  	v1 =	vadd.f32 v54, v58;
	v0 =	vmul.f32 v4, v47;
	v58 =	vmul.f32 v61, v36  }
0x365: {  	v61 =	vmul.f32 v56, v26;
	v56 =	vmul.f32 v3, v5;
	v5 =	vld [tilespmem:$0x1FDB0];
	_ =	sdelay $0x1  }
0x366: {  	v54 =	vadd.f32 v2, v0;
	v0 =	vmul.f32 v4, v48;
	v4, _, _ =	vpop (xrf2)  }
0x367: {  	s19 =	simm.s32 $0x8380;
	v4 =	vmul.f32 $1.442695020e+00, v4  }
0x368: {  	[tilespmem:s19+$0xFFFFFF80] =	vst v57  }
0x369: {  	v0 =	vadd.f32 v61, v0;
	v61 =	vmul.f32 v3, v5;
	v3 =	vbroadcast v4, $0xF;
	v4 =	vld [tilespmem:$0x1FDC0];
	[tilespmem:s19+$0xFFFFFF90] =	vst v6  }
0x36a: {  	v5 =	vld [tilespmem:$0x1FDD0]  }
0x36b: {  	v46 =	vadd.f32 v58, v46  }
0x36c: {  	v2 =	vmul.f32 $1.442695020e+00, v55  }
0x36d: {  	v32 =	vmov v9;
	(xrf2) =	vadd.scan.msk.f32 $0xffff, v53;
	v55 =	vpop (erf)  }
0x36e: {  	s17 =	simm.s32 $0x8480;
	s18 =	simm.s32 $0x8480;
	v19 =	vmov v8;
	v2 =	vbroadcast v2, $0xF;
	(xrf2) =	vadd.scan.msk.f32 $0xffff, v46;
	v63 =	vmul.f32 v60, v4;
	v4, _, _ =	vpop (xrf2)  }
0x36f: {  	s21 =	simm.s32 $0x4690;
	s20 =	simm.s32 $0x4;
	v33 =	vmov v7;
	s22 =	simm.s32 $0x680;
	v46 =	vpop (erf);
	(xrf2) =	vadd.scan.msk.f32 $0xffff, v54;
	v4 =	vmul.f32 $1.442695020e+00, v4;
	v58 =	vmul.f32 v62, v5  }
.LBB2_15:
0x370: {  	v5 =	vld [tilespmem:$0x1FD50];
	_ =	sdelay $0x4  }
0x371: {  	v23 =	vmov v16;
	v6 =	vld [tilespmem:$0x1FD90];
	v16 =	vmov v5;
	v5 =	vmov v44  }
0x372: {  	[tilespmem:$0x1FD50] =	vst v5;
	v5 =	vld [tilespmem:$0x1FD60]  }
0x373: {  	(erf) = vpow2.f32 v3  }
0x374: {  	(erf) = vpow2.f32 v2;
	v2 =	vmov v47  }
0x375: {  	[tilespmem:$0x1FD60] =	vst v2;
	v2 =	vld [tilespmem:$0x1FCE0];
	_ =	sdelay $0x1  }
0x376: {  	v53 =	vld [tilespmem:s22+$0xFFFFFF90];
	v3 =	vmul.f32 v62, v13;
	[tilespmem:s19+$0xFFFFFFE0] =	vst v56;
	v54 =	vmov v5;
	v5 =	vmov v6  }
0x377: {  	[tilespmem:s19+$0xFFFFFFA0] =	vst v58  }
0x378: {  	v56 =	vld [tilespmem:s22+$0xFFFFFF80];
	[tilespmem:s19+$0xFFFFFFB0] =	vst v3  }
0x379: {  	v2 =	vmul.f32 v60, v2;
	[tilespmem:$0x1FCE0] =	vst v5;
	v5 =	vmov v22  }
0x37a: {  	v62 =	vld [tilespmem:s22+$0x40];
	[tilespmem:s19+$0xFFFFFFD0] =	vst v63  }
0x37b: {  	(xrf2) =	vadd.scan.msk.f32 $0xffff, v1;
	v4 =	vbroadcast v4, $0xF;
	v1, _, _ =	vpop (xrf2);
	v22 =	vld [tilespmem:s22+$0xFFFFFFC0];
	[tilespmem:s19+$0xFFFFFFC0] =	vst v2;
	v2 =	vmul.f32 v52, v39  }
0x37c: {  	v39 =	vmov v55;
	v55, _, _ =	vpop (xrf2);
	(xrf2) =	vadd.scan.msk.f32 $0xffff, v0;
	v0 =	vld [tilespmem:$0x1FCF0];
	[tilespmem:$0x1FD90] =	vst v5;
	v5 =	vmov v40  }
0x37d: {  	(erf) = vpow2.f32 v4;
	v4 =	vmul.f32 v52, v38;
	[tilespmem:$0x1FCF0] =	vst v5;
	v5 =	vld [tilespmem:$0x1FCD0]  }
0x37e: {  	v15 =	vmov v25;
	v25 =	vld [tilespmem:s22+$0x20]  }
0x37f: {  	v47 =	vld [tilespmem:s22+$0x50];
	v3 =	vmul.f32 v52, v45;
	v60 =	vmul.f32 v4, v11  }
0x380: {  	v4 =	vmul.f32 v4, v27;
	v27 =	vld [tilespmem:s22+$0x30];
	v52 =	vmul.f32 v52, v50  }
0x381: {  	v6 =	vld [tilespmem:$0x1FD70];
	[tilespmem:s19+$0x0] =	vst v60;
	v0 =	vmul.f32 v3, v0;
	v3 =	vmul.f32 v3, v35  }
0x382: {  	v57 =	vld [tilespmem:s22+$0xFFFFFFF0];
	[tilespmem:s19+$0xFFFFFFF0] =	vst v61;
	v35 =	vmul.f32 v2, v5;
	v2 =	vmul.f32 v2, v14  }
0x383: {  	v44 =	vld [tilespmem:s22+$0xFFFFFFB0];
	[tilespmem:s19+$0x30] =	vst v3;
	v3 =	vmul.f32 v52, v20  }
0x384: {  	v20 =	vld [tilespmem:s22+$0x0];
	[tilespmem:s19+$0x50] =	vst v2;
	v2 =	vmul.f32 v52, v18  }
0x385: {  	v50 =	vpop (erf);
	v14 =	vmul.f32 $1.442695020e+00, v55;
	v55 =	vld [tilespmem:s21+$0xFFFFFF70];
	[tilespmem:s19+$0x60] =	vst v3  }
0x386: {  	v1 =	vmul.f32 $1.442695020e+00, v1;
	v61, _, _ =	vpop (xrf2);
	v3 =	vld [tilespmem:s21+$0xFFFFFF80];
	[tilespmem:s19+$0x70] =	vst v2  }
0x387: {  	v58 =	vmov v32;
	v45 =	vpop (erf);
	v2 =	vld [tilespmem:s22+$0x10];
	[tilespmem:s19+$0x40] =	vst v35  }
0x388: {  	v32 =	vmov v48;
	v38 =	vmov v49;
	v1 =	vbroadcast v1, $0xF;
	(xrf2) =	vadd.scan.msk.f32 $0xffff, v59;
	v63, _, _ =	vpop (xrf2);
	v59 =	vld [tilespmem:s21+$0xFFFFFFF0]  }
0x389: {  	v49 =	vadd.f32 v43, v42;
	v6 =	vmovc v6;
	v48 =	vmul.f32 $1.442695020e+00, v63;
	v5 =	vmovc v29;
	v29 =	vmul.f32 $1.442695020e+00, v61;
	[tilespmem:s19+$0x20] =	vst v0;
	v0 =	vld [tilespmem:$0x1FD80]  }
0x38a: {  	v40 =	vadd.f32 v46, v39;
	[tilespmem:$0x1FCD0] =	vst v6;
	v61 =	vpop (erf);
	v6 =	vbroadcast v14, $0xF;
	v18 =	vadd.f32 v45, v38  }
0x38b: {  	v10 =	vmovc v36;
	v9 =	vmovc v34;
	v7 =	vld [tilespmem:s22+$0xFFFFFFD0];
	v48 =	vbroadcast v48, $0xF;
	[tilespmem:$0x1FD70] =	vst v5;
	v5 =	vbroadcast v29, $0xF;
	v52 =	vadd.f32 v61, v50  }
0x38c: {  	v60 =	vpop (erf);
	(erf) = vpow2.f32 v6;
	v18 =	vadd.f32 v40, v18;
	v36 =	vmov v2;
	v2 =	vld [tilespmem:$0x1FD20]  }
0x38d: {  	v29 =	vmovc v62;
	(erf) = vpow2.f32 v5;
	v5 =	vadd.f32 v52, v49;
	v62 =	vmul.f32 v3, v44;
	[tilespmem:$0x1FD20] =	vst v9;
	v9 =	vld [tilespmem:$0x1FD30]  }
0x38e: {  	v63 =	vmul.f32 v55, v22;
	(erf) = vrcp.f32 v18;
	v14 =	vmov v0;
	v0 =	vld [tilespmem:s21+$0x0];
	[tilespmem:s19+$0x10] =	vst v4  }
0x38f: {  	v40 =	vmov v21;
	v11 =	vmul.f32 v3, v53;
	(erf) = vrcp.f32 v5;
	v49 =	vld [tilespmem:s22+$0x60]  }
0x390: {  	v13 =	vmul.f32 v3, v7;
	v3 =	vmul.f32 v3, v57;
	v6, _, _ =	vpop (xrf2);
	(xrf2) =	vadd.scan.msk.f32 $0xffff, v51;
	v4 =	vmov v17;
	v5 =	vld [tilespmem:s22+$0x70]  }
0x391: {  	v21 =	vmovc v25;
	v25 =	vmovc v31;
	v31 =	vmov v20;
	(erf) = vpow2.f32 v48;
	[tilespmem:$0x1FD80] =	vst v4;
	v4 =	vmul.f32 v55, v56  }
0x392: {  	v8 =	vld [tilespmem:$0x1FD40];
	v35 =	vmovc v19;
	v19 =	vmovc v30;
	v30 =	vmov v27;
	v6 =	vmul.f32 $1.442695020e+00, v6;
	(erf) = vpow2.f32 v1  }
0x393: {  	v17 =	vmovc v47;
	v51 =	vmul.f32 v59, v21;
	v47 =	vld [tilespmem:s22+$0xFFFFFFA0];
	v20 =	vmovc v2;
	v2 =	vadd.f32 v11, v4;
	v18 =	vmov v9  }
0x394: {  	[tilespmem:$0x1FD40] =	vst v10;
	v48 =	vld [tilespmem:s22+$0xFFFFFFE0];
	v9, _, _ =	vpop (xrf2);
	v11 =	vmov v37;
	v4 =	vmul.f32 v0, v30;
	v10 =	vmul.f32 v0, v36  }
0x395: {  	v12 =	vmul.f32 v59, v49;
	v34 =	vmov v49;
	v1 =	vmul.f32 v0, v5;
	v49 =	vpop (erf)  }
0x396: {  	v0 =	vmul.f32 v0, v17;
	v51 =	vadd.f32 v4, v51;
	v4 =	vmul.f32 $1.442695020e+00, v9;
	v9 =	vpop (erf)  }
0x397: {  	v27 =	vmov v8;
	v8 =	vmul.f32 v59, v31;
	v37 =	vmul.f32 v59, v29;
	[tilespmem:$0x1FD30] =	vst v11;
	v52 =	vpop (erf)  }
0x398: {  	(xrf2) =	vadd.scan.msk.f32 $0xffff, v2;
	v59 =	vadd.f32 v13, v63;
	v11 =	vadd.f32 v1, v12;
	v12 =	vmul.f32 v55, v47;
	v2 =	vpop (erf)  }
0x399: {  	v63 =	vmul.f32 v55, v48;
	v1 =	vadd.f32 v0, v37;
	v13 =	vmul.f32 v2, v42;
	v42 =	vmovc v60  }
0x39a: {  	v12 =	vadd.f32 v62, v12;
	v0, _, _ =	vpop (xrf2);
	v62 =	vmul.f32 v2, v43;
	v60 =	vmul.f32 v2, v50  }
0x39b: {  	v37 =	vmovc v5;
	v43 =	vmovc v9;
	v5 =	vmul.f32 v2, v61;
	v2 =	vbroadcast v6, $0xF;
	v6 =	vld [tilespmem:$0x1FD00];
	v9 =	vmov v33  }
0x39c: {  	v8 =	vadd.f32 v10, v8;
	v4 =	vbroadcast v4, $0xF;
	v10 =	vmul.f32 $1.442695020e+00, v0;
	[tilespmem:$0x1FD00] =	vst v9;
	v9 =	vld [tilespmem:$0x1FD10]  }
0x39d: {  	s20 =	sadd.s32 $0x2, s20;
	v55 =	vpop (erf);
	v50 =	vmov v46  }
0x39e: {  	p1 =	slt.u32 s20, $0x3E;
	v0 =	vadd.f32 v3, v63;
	v46 =	vpop (erf);
	(erf) = vpow2.f32 v4;
	v63 =	vmul.f32 v60, v24  }
.Ltmp10:
0x39f: {  	(xrf2) =	vadd.scan.msk.f32 $0xffff, v11;
	v33 =	vmov v56;
	v56 =	vmul.f32 v5, v58;
	v61 =	vmul.f32 v5, v23;
	(pc) =	sbr.rel @p1 .LBB2_15-.Ltmp10, $4  }
0x3a0: {  	(xrf2) =	vadd.scan.msk.f32 $0xffff, v8;
	v3 =	vbroadcast v10, $0xF;
	v6 =	vmul.f32 v13, v6;
	v10 =	vmov v28  }
0x3a1: {  	s19 =	smov.u32 s18;
	v11 =	vmovc v15;
	v24 =	vmov v41;
	v58 =	vmul.f32 v62, v54;
	v9 =	vmul.f32 v13, v9;
	[tilespmem:$0x1FD10] =	vst v10  }
0x3a2: {  	s17 =	sadd.s32 $0x100, s17;
	v41 =	vmov v7;
	v28 =	vmov v53;
	v8, _, _ =	vpop (xrf2);
	v13 =	vmov v16;
	[tilespmem:s19+$0xFFFFFF80] =	vst v6  }
0x3a3: {  	s18 =	smov.u32 s17;
	s21 =	sadd.s32 $0x100, s21;
	s22 =	sadd.s32 $0x100, s22;
	(xrf2) =	vadd.scan.msk.f32 $0xffff, v12;
	v16 =	vmovc v26;
	v26 =	vmov v57;
	v4 =	vmul.f32 $1.442695020e+00, v8;
	[tilespmem:s19+$0xFFFFFF90] =	vst v9  }
0x3a4: {  	_ = 	snop  }
0x3a5: {  	(erf) = vpow2.f32 v3  }
0x3a6: {  	(xrf2) =	vadd.scan.msk.f32 $0xffff, v1;
	(erf) = vpow2.f32 v2;
	_ =	sdelay $0x1  }
0x3a7: {  	(xrf2) =	vadd.scan.msk.f32 $0xffff, v0  }
0x3a8: {  	v0, _, _ =	vpop (xrf2);
	(xrf2) =	vadd.scan.msk.f32 $0xffff, v59;
	_ =	sdelay $0x1  }
0x3a9: {  	v54 =	vbroadcast v4, $0xF;
	v4 =	vpop (erf)  }
0x3aa: {  	[tilespmem:s19+$0xFFFFFFA0] =	vst v58;
	v58 =	vmul.f32 v52, v39;
	v23, _, _ =	vpop (xrf2)  }
0x3ab: {  	v12 =	vmul.f32 v62, v13;
	[tilespmem:s19+$0xFFFFFFE0] =	vst v56;
	v56 =	vmul.f32 v52, v38;
	v53, _, _ =	vpop (xrf2)  }
0x3ac: {  	v5 =	vadd.f32 v46, v55;
	v62 =	vmul.f32 v58, v14;
	v1 =	vmul.f32 $1.442695020e+00, v23;
	v3 =	vpop (erf)  }
0x3ad: {  	v9 =	vadd.f32 v43, v42;
	(erf) = vpow2.f32 v54;
	v2 =	vmul.f32 $1.442695020e+00, v53;
	v7 =	vpop (erf)  }
0x3ae: {  	v0 =	vmul.f32 $1.442695020e+00, v0;
	v1 =	vbroadcast v1, $0xF;
	v6 =	vadd.f32 v3, v49;
	v8, _, _ =	vpop (xrf2)  }
0x3af: {  	v10 =	vadd.f32 v7, v4;
	v59 =	vmul.f32 $1.442695020e+00, v8;
	v2 =	vbroadcast v2, $0xF  }
0x3b0: {  	(xrf2) =	vadd.scan.msk.f32 $0xffff, v51;
	v0 =	vbroadcast v0, $0xF;
	(erf) = vpow2.f32 v1;
	v15, _, _ =	vpop (xrf2);
	v57 =	vadd.f32 v5, v6  }
0x3b1: {  	v13 =	vadd.f32 v10, v9;
	v5 =	vbroadcast v59, $0xF;
	(erf) = vpow2.f32 v2;
	v23, _, _ =	vpop (xrf2)  }
0x3b2: {  	v54 =	vld [tilespmem:$0x1FCE0];
	(erf) = vrcp.f32 v57;
	v2 =	vmul.f32 $1.442695020e+00, v23  }
0x3b3: {  	v57 =	vmul.f32 v52, v45;
	(erf) = vrcp.f32 v13  }
0x3b4: {  	[tilespmem:s19+$0xFFFFFFB0] =	vst v12;
	(erf) = vpow2.f32 v5;
	v2 =	vbroadcast v2, $0xF  }
0x3b5: {  	[tilespmem:s19+$0xFFFFFFD0] =	vst v63;
	v59 =	vmul.f32 v56, v11;
	(erf) = vpow2.f32 v0  }
0x3b6: {  	[tilespmem:s19+$0xFFFFFFF0] =	vst v61;
	v12 =	vmul.f32 v57, v35;
	(erf) = vpow2.f32 v2  }
0x3b7: {  	[tilespmem:s19+$0x50] =	vst v62;
	v2 =	vmul.f32 v60, v54;
	v60 =	vmul.f32 v52, v50  }
0x3b8: {  	[tilespmem:s19+$0x0] =	vst v59  }
0x3b9: {  	[tilespmem:s19+$0x30] =	vst v12;
	v45 =	vmul.f32 v60, v20  }
0x3ba: {  	v51, _, _ =	vpop (xrf2);
	[tilespmem:s19+$0xFFFFFFC0] =	vst v2  }
0x3bb: {  	v5 =	vmul.f32 $1.442695020e+00, v51;
	v51 =	vld [tilespmem:$0x1FCD0];
	[tilespmem:s19+$0x60] =	vst v45  }
0x3bc: {  	v1 =	vmul.f32 $1.442695020e+00, v15;
	v15 =	vld [tilespmem:$0x1FCF0];
	_ =	sdelay $0x2  }
0x3bd: {  	v53 =	vbroadcast v5, $0xF;
	v50 =	vmul.f32 v60, v18  }
0x3be: {  	v1 =	vbroadcast v1, $0xF;
	v8 =	vmul.f32 v58, v51  }
0x3bf: {  	(erf) = vpow2.f32 v53;
	[tilespmem:s19+$0x70] =	vst v50;
	v6 =	vmul.f32 v57, v15  }
0x3c0: {  	v0 =	vpop (erf);
	(erf) = vpow2.f32 v1;
	v1 =	vmul.f32 v56, v27;
	[tilespmem:s19+$0x40] =	vst v8  }
0x3c1: {  	v5 =	vpop (erf);
	[tilespmem:s19+$0x20] =	vst v6  }
0x3c2: {  	v2 =	vpop (erf);
	v6 =	vld [tilespmem:$0x1FD00];
	[tilespmem:s19+$0x10] =	vst v1  }
0x3c3: {  	v11 =	vpop (erf);
	v1 =	vld [tilespmem:$0x1FD10]  }
0x3c4: {  	v63 =	vpop (erf)  }
0x3c5: {  	v53 =	vmul.f32 v63, v42;
	_ =	sdelay $0x1  }
0x3c6: {  	v6 =	vmul.f32 v53, v6  }
0x3c7: {  	v1 =	vmul.f32 v53, v1  }
0x3c8: {  	v14 =	vpop (erf);
	[tilespmem:s18+$0xFFFFFF80] =	vst v6  }
0x3c9: {  	v10 =	vpop (erf);
	[tilespmem:s18+$0xFFFFFF90] =	vst v1  }
0x3ca: {  	v7 =	vmul.f32 v63, v7;
	v52 =	vpop (erf);
	v1 =	vld [tilespmem:$0x1FD60]  }
0x3cb: {  	v60 =	vmul.f32 v63, v43;
	v4 =	vmul.f32 v63, v4;
	v18 =	vpop (erf);
	v63 =	vld [tilespmem:$0x1FD50]  }
0x3cc: {  	v54 =	vadd.f32 v10, v14;
	v56 =	vadd.f32 v18, v5;
	_ =	sdelay $0x1  }
0x3cd: {  	v62 =	vmul.f32 v7, v32;
	v8 =	vadd.f32 v54, v56  }
0x3ce: {  	v1 =	vmul.f32 v60, v1  }
0x3cf: {  	(erf) = vrcp.f32 v8;
	[tilespmem:s18+$0xFFFFFFE0] =	vst v62;
	v8 =	vmul.f32 v60, v63  }
0x3d0: {  	[tilespmem:s18+$0xFFFFFFA0] =	vst v1  }
0x3d1: {  	[tilespmem:s18+$0xFFFFFFB0] =	vst v8  }
0x3d2: {  	v15 =	vld [tilespmem:$0x1FD90];
	_ =	sdelay $0x1  }
0x3d3: {  	v20 =	vmul.f32 v11, v49;
	v13 =	vmul.f32 v4, v24  }
0x3d4: {  	v7 =	vmul.f32 v7, v16  }
0x3d5: {  	v32 =	vmul.f32 v20, v25;
	[tilespmem:s18+$0xFFFFFFD0] =	vst v13  }
0x3d6: {  	[tilespmem:s18+$0xFFFFFFF0] =	vst v7;
	v4 =	vmul.f32 v4, v15  }
0x3d7: {  	[tilespmem:s18+$0x0] =	vst v32  }
0x3d8: {  	v57 =	vpop (erf);
	[tilespmem:s18+$0xFFFFFFC0] =	vst v4  }
0x3d9: {  	v58 =	vadd.f32 v2, v0;
	v59 =	vadd.f32 v57, v52;
	v4 =	vld [tilespmem:$0x1FD80];
	_ =	sdelay $0x1  }
0x3da: {  	v23 =	vmul.f32 v11, v3;
	v61 =	vadd.f32 v59, v58  }
0x3db: {  	v24 =	vmul.f32 v11, v55  }
0x3dc: {  	v38 =	vmul.f32 v23, v19;
	(erf) = vrcp.f32 v61  }
0x3dd: {  	v4 =	vmul.f32 v24, v4  }
0x3de: {  	[tilespmem:s18+$0x30] =	vst v38  }
0x3df: {  	v7 =	vld [tilespmem:$0x1FD20];
	[tilespmem:s18+$0x50] =	vst v4  }
0x3e0: {  	v4 =	vld [tilespmem:$0x1FD30]  }
0x3e1: {  	v42 =	vld [tilespmem:$0x1FD70]  }
0x3e2: {  	v35 =	vmul.f32 v11, v46;
	_ =	sdelay $0x1  }
0x3e3: {  	v39 =	vpop (erf);
	v7 =	vmul.f32 v35, v7  }
0x3e4: {  	v43 =	vpop (erf);
	v4 =	vmul.f32 v35, v4  }
0x3e5: {  	v0 =	vmul.f32 v43, v0;
	[tilespmem:s18+$0x60] =	vst v7;
	v3 =	vmul.f32 v24, v42  }
0x3e6: {  	v1 =	vmul.f32 v23, v40;
	[tilespmem:s18+$0x70] =	vst v4  }
0x3e7: {  	v45 =	vmul.f32 v43, v57;
	v46 =	vmul.f32 v0, v33;
	v4 =	vld [tilespmem:$0x1FD40];
	[tilespmem:s18+$0x40] =	vst v3  }
0x3e8: {  	s17 =	sadd.s32 $0x100, s17;
	v2 =	vmul.f32 v43, v2;
	v0 =	vmul.f32 v0, v28;
	[tilespmem:s18+$0x20] =	vst v1  }
0x3e9: {  	v49 =	vmul.f32 v45, v48;
	[tilespmem:s17+$0xFFFFFF80] =	vst v46  }
0x3ea: {  	v50 =	vmul.f32 v43, v52;
	v51 =	vmul.f32 v2, v47;
	[tilespmem:s17+$0xFFFFFF90] =	vst v0  }
0x3eb: {  	v2 =	vmul.f32 v2, v44;
	[tilespmem:s17+$0xFFFFFFE0] =	vst v49  }
0x3ec: {  	v54 =	vmul.f32 v39, v5;
	v52 =	vmul.f32 v50, v41;
	[tilespmem:s17+$0xFFFFFFA0] =	vst v51  }
0x3ed: {  	v55 =	vmul.f32 v39, v18;
	v53 =	vmul.f32 v50, v22;
	[tilespmem:s17+$0xFFFFFFB0] =	vst v2  }
0x3ee: {  	v56 =	vmul.f32 v39, v14;
	v57 =	vmul.f32 v54, v31;
	[tilespmem:s17+$0xFFFFFFD0] =	vst v52  }
0x3ef: {  	v58 =	vmul.f32 v39, v10;
	v59 =	vmul.f32 v55, v30;
	[tilespmem:s17+$0xFFFFFFC0] =	vst v53  }
0x3f0: {  	v60 =	vmul.f32 v56, v17;
	[tilespmem:s17+$0x0] =	vst v57  }
0x3f1: {  	v61 =	vmul.f32 v58, v34;
	[tilespmem:s17+$0x30] =	vst v59  }
0x3f2: {  	v62 =	vmul.f32 v58, v37;
	[tilespmem:s17+$0x50] =	vst v60  }
0x3f3: {  	v63 =	vmul.f32 v54, v36;
	[tilespmem:s17+$0x60] =	vst v61  }
0x3f4: {  	v1 =	vmul.f32 v45, v26;
	[tilespmem:s17+$0x70] =	vst v62  }
0x3f5: {  	v2 =	vmul.f32 v56, v29;
	[tilespmem:s17+$0x10] =	vst v63  }
0x3f6: {  	v0 =	vmul.f32 v55, v21;
	[tilespmem:s17+$0xFFFFFFF0] =	vst v1  }
0x3f7: {  	[tilespmem:s17+$0x40] =	vst v2;
	v4 =	vmul.f32 v20, v4  }
0x3f8: {  	[tilespmem:s17+$0x20] =	vst v0  }
.Ltmp11:
0x3f9: {  	[tilespmem:s18+$0x10] =	vst v4;
	(pc) =	sbr.rel .LBB2_17-.Ltmp11, $4  }
0x3fa: {  	[spmem:s13] =	stream.indirect.scatter.add.f32 [tilespmem:s9], [sflag:$0x6], $0x80, s8, s31, $0xb8;
	[tilespmem:$0x1FB80] =	vst v63  }
0x3fb: {  	_ =	swait.ge [sflag:s29], $0x2000  }
0x3fc: {  	[sflag:s29] =	ssyncset.done $0x0  }
0x3fd: {  	[sflag:s29] =	ssyncadd.s32 $0xFFFFE000  }
.LBB2_18:
0x3fe: {  	_ =	sfence.sel $0x180000  }
0x3ff: {  	[bflag:$0x0] =	sbarrier.arrive $0xFFFF  }
0x400: {  	_ =	strace $0x90000047  }
0x401: {  	s0 =	stileid.u32;
	[bflag:$0x2] =	sbarrier.arrive $0xFFFF  }
0x402: {  	p0 =	sne.s32 s0, $0x0;
	s0 =	rddreg [dreg:$0x5]  }
0x403: {  	s0 =	sadd.s32 @!p0 $0x100000, s0  }
0x404: {  	[sflag:s0] =	ssyncadd.tile.s32 @!p0 $0x1;
	_ =	shalt  }
.Lfunc_end2:
_tile_overlayer_lowered:
.L_overlay_start_2:
0x405: {  	(tag) =	ssettag $0x2  }
0x406: {  	s0 =	rddreg [dreg:$0x0];
	s2 =	stileid.u32  }
0x407: {  	s1 =	rddreg [dreg:$0x1];
	p0 =	sne.s32 s2, $0x0  }
0x408: {  	s3 =	rddreg [dreg:$0x2];
	[bflag:$0x3] =	sbarrier.arrive $0xFFFF;
	s2 =	simm.s32 @!p0 $0x1C08  }
0x409: {  	[timem:s3], [sflag:s2] =	dma.local @!p0 [hbm:s0], s1  }
0x40a: {  	s0 =	simm.s32 @!p0 $0x8  }
0x40b: {  	_ =	swait.ge @!p0 [sflag:s0], s1  }
0x40c: {  	s1 =	ssub.s32 @!p0 $0x0, s1;
	[sflag:s0] =	ssyncset.done @!p0 $0x0  }
0x40d: {  	[sflag:s0] =	ssyncadd.s32 @!p0 s1  }
0x40e: {  	[bflag:$0x3] =	sbarrier.arrive $0xFFFF  }
0x40f: {  	_ =	shalt  }

</sc_bundles>
